<compile_context>
chip_gen: v7x
topology: tpu7x:2x2x1
jax: 0.10.2.dev20260603
libtpu: 0.0.44.dev20260713+nightly
codegen_flags: <defaults>
</compile_context>

<pallas_src>
import functools

import jax
import jax.numpy as jnp
from jax import lax
from jax.experimental import pallas as pl
from jax.experimental.pallas import tpu as pltpu
from jax.experimental.pallas import tpu_sc as plsc

NS = 16
CHUNK = 128
HF = 64


def _msg_body(h_ref, uc_ref, w1_ref, w2_ref, b_ref, g_ref, bt_ref,
              o0_ref, o1_ref):
    x = (jnp.dot(h_ref[...], w1_ref[...], preferred_element_type=jnp.float32)
         + jnp.dot(uc_ref[...], w2_ref[...], preferred_element_type=jnp.float32)
         + b_ref[...])
    mu = jnp.mean(x, axis=1, keepdims=True)
    var = jnp.mean((x - mu) ** 2, axis=1, keepdims=True)
    y = (x - mu) / jnp.sqrt(var + 1e-5) * g_ref[...] + bt_ref[...]
    y = jnp.maximum(y, 0.0)
    o0_ref[...] = y[:, :HF]
    o1_ref[...] = y[:, HF:]


def _fin_body(h_ref, a0_ref, a1_ref, a2_ref, a3_ref, dg_ref,
              ws_ref, wn_ref, bs_ref, wg1_ref, wg2_ref, bg_ref, o_ref):
    deg = dg_ref[...][:, 0:1]
    inv = 1.0 / jnp.where(deg > 0.0, deg, 1.0)
    h = h_ref[...]
    hn = jnp.concatenate([a0_ref[...], a1_ref[...]], axis=1) * inv
    conv = jnp.concatenate([a2_ref[...], a3_ref[...]], axis=1) * inv
    std = (jnp.dot(h, ws_ref[...], preferred_element_type=jnp.float32)
           + jnp.dot(hn, wn_ref[...], preferred_element_type=jnp.float32)
           + bs_ref[...])
    gate = jax.nn.sigmoid(
        jnp.dot(std, wg1_ref[...], preferred_element_type=jnp.float32)
        + jnp.dot(conv, wg2_ref[...], preferred_element_type=jnp.float32)
        + bg_ref[...])
    o_ref[...] = gate * std + (1.0 - gate) * conv


SUP = 8


def _sc_scatter(src2, dst2, t0, t1, t2, t3, zrows, zdeg, ones8,
                *, n_pad, k_chunks):
    rpt = n_pad // NS
    n_sup = k_chunks // SUP
    mesh = plsc.VectorSubcoreMesh(core_axis_name="c", subcore_axis_name="s")
    out_sds = jax.ShapeDtypeStruct((n_pad, HF), jnp.float32)

    @functools.partial(
        pl.kernel,
        mesh=mesh,
        out_type=[out_sds, out_sds, out_sds, out_sds,
                  jax.ShapeDtypeStruct((n_pad, 8), jnp.float32)],
        scratch_types=[
            pltpu.VMEM((SUP, CHUNK), jnp.int32),
            pltpu.VMEM((SUP, CHUNK), jnp.int32),
            pltpu.VMEM((CHUNK, HF), jnp.float32),
            pltpu.VMEM((CHUNK, HF), jnp.float32),
            pltpu.VMEM((CHUNK, 8), jnp.float32),
            pltpu.VMEM((rpt, HF), jnp.float32),
            pltpu.VMEM((rpt, 8), jnp.float32),
            pltpu.VMEM_SHARED((n_pad, HF), jnp.float32),
            pltpu.VMEM_SHARED((n_pad, 8), jnp.float32),
            pltpu.SemaphoreType.DMA,
            pltpu.SemaphoreType.DMA,
            pltpu.SemaphoreType.DMA,
            pltpu.SemaphoreType.DMA,
            pltpu.SemaphoreType.DMA,
            pltpu.SemaphoreType.DMA,
        ],
        compiler_params=pltpu.CompilerParams(use_tc_tiling_on_sc=False),
    )
    def k(src_hbm, dst_hbm, t0_hbm, t1_hbm, t2_hbm, t3_hbm,
          zrows_hbm, zdeg_hbm, ones_hbm,
          out0, out1, out2, out3, out_deg,
          sbuf, dbuf, rows0, rows1, ones_v, zbuf_v, degbuf_v, acc_sh, deg_sh,
          gs0, gs1, ss0, ss1, ds0, ds1):
        cid = lax.axis_index("c")
        sid = lax.axis_index("s")
        row0 = sid * rpt
        rows = (rows0, rows1)
        gsem = (gs0, gs1)
        ssem = (ss0, ss1)
        dsem = (ds0, ds1)
        pltpu.sync_copy(ones_hbm, ones_v)
        pltpu.sync_copy(zdeg_hbm, degbuf_v)
        pltpu.sync_copy(degbuf_v, deg_sh.at[pl.ds(row0, rpt)])

        for p, (ta, tb, out) in enumerate(((t0_hbm, t2_hbm, (out0, out2)),
                                           (t1_hbm, t3_hbm, (out1, out3)))):
            pltpu.sync_copy(zrows_hbm, zbuf_v)
            pltpu.sync_copy(zbuf_v, acc_sh.at[pl.ds(row0, rpt)])
            plsc.subcore_barrier()

            def gather_fire(j, b, ta=ta, tb=tb):
                @pl.when(cid == 0)
                def _():
                    pltpu.async_copy(ta.at[sbuf.at[j]], rows[b], gsem[b])

                @pl.when(cid == 1)
                def _():
                    pltpu.async_copy(tb.at[sbuf.at[j]], rows[b], gsem[b])

            def gather_wait(j, b, ta=ta):
                pltpu.make_async_copy(ta.at[sbuf.at[j]], rows[b],
                                      gsem[b]).wait()

            def deg_fire(j, b):
                @pl.when(cid == 0)
                def _():
                    pltpu.async_copy(ones_v, deg_sh.at[dbuf.at[j]], dsem[b],
                                     add=True)

            def deg_wait(j, b):
                @pl.when(cid == 0)
                def _():
                    pltpu.make_async_copy(ones_v, deg_sh.at[dbuf.at[j]],
                                          dsem[b]).wait()

            def body(sb, carry, p=p):
                r0 = sid * k_chunks + sb * SUP
                pltpu.sync_copy(src_hbm.at[pl.ds(r0, SUP)], sbuf)
                pltpu.sync_copy(dst_hbm.at[pl.ds(r0, SUP)], dbuf)
                scat = [None, None]
                gather_fire(0, 0)
                for j in range(SUP):
                    b = j % 2
                    o = 1 - b
                    gather_wait(j, b)
                    scat[b] = pltpu.async_copy(
                        rows[b], acc_sh.at[dbuf.at[j]], ssem[b], add=True)
                    if p == 0:
                        deg_fire(j, b)
                    if j + 1 < SUP:
                        if scat[o] is not None:
                            scat[o].wait()
                            if p == 0:
                                deg_wait(j - 1, o)
                        gather_fire(j + 1, o)
                scat[0].wait()
                scat[1].wait()
                if p == 0:
                    deg_wait(SUP - 2, 0)
                    deg_wait(SUP - 1, 1)
                return carry

            lax.fori_loop(0, n_sup, body, 0)
            plsc.subcore_barrier()

            pltpu.sync_copy(acc_sh.at[pl.ds(row0, rpt)], zbuf_v)

            @pl.when(cid == 0)
            def _(out=out):
                pltpu.sync_copy(zbuf_v, out[0].at[pl.ds(row0, rpt)])

            @pl.when(cid == 1)
            def _(out=out):
                pltpu.sync_copy(zbuf_v, out[1].at[pl.ds(row0, rpt)])

            if p == 0:
                @pl.when(cid == 0)
                def _():
                    pltpu.sync_copy(deg_sh.at[pl.ds(row0, rpt)], degbuf_v)
                    pltpu.sync_copy(degbuf_v, out_deg.at[pl.ds(row0, rpt)])
                plsc.subcore_barrier()

    return k(src2, dst2, t0, t1, t2, t3, zrows, zdeg, ones8)


def kernel(h, edge_index, user_context_features, W_self, W_neigh, b_sage,
           W_msg, b_msg, ln_gamma, ln_beta, W_gate, b_gate):
    n, f = h.shape
    e = edge_index.shape[1]
    assert f == 128

    k_chunks = -(-(-(-e // (NS * CHUNK))) // SUP) * SUP
    e_pad = NS * CHUNK * k_chunks
    src = edge_index[0].astype(jnp.int32)
    dst = edge_index[1].astype(jnp.int32)
    if e_pad > e:
        pad = e_pad - e
        src = jnp.concatenate([src, jnp.zeros((pad,), jnp.int32)])
        dst = jnp.concatenate(
            [dst, n + (jnp.arange(pad, dtype=jnp.int32) % 128)])
    src2 = src.reshape(e_pad // CHUNK, CHUNK)
    dst2 = dst.reshape(e_pad // CHUNK, CHUNK)
    n_pad = -(-(n + 128) // 128) * 128
    rpt = n_pad // NS

    blk = 1000
    grid = n // blk
    full = lambda r, c: pl.BlockSpec((r, c), lambda i: (0, 0))
    rowsb = lambda c: pl.BlockSpec((blk, c), lambda i: (i, 0))
    m0, m1 = pl.pallas_call(
        _msg_body,
        grid=(grid,),
        in_specs=[rowsb(128), rowsb(128), full(128, 128), full(128, 128),
                  full(1, 128), full(1, 128), full(1, 128)],
        out_specs=[rowsb(HF), rowsb(HF)],
        out_shape=[jax.ShapeDtypeStruct((n, HF), jnp.float32)] * 2,
    )(h, user_context_features, W_msg[:128], W_msg[128:],
      b_msg.reshape(1, 128), ln_gamma.reshape(1, 128), ln_beta.reshape(1, 128))

    zrows = jnp.zeros((rpt, HF), jnp.float32)
    zdeg = jnp.zeros((rpt, 8), jnp.float32)
    ones8 = jnp.ones((CHUNK, 8), jnp.float32)
    a0, a1, a2, a3, deg2 = _sc_scatter(
        src2, dst2, h[:, :HF], h[:, HF:], m0, m1, zrows, zdeg, ones8,
        n_pad=n_pad, k_chunks=k_chunks)

    out = pl.pallas_call(
        _fin_body,
        grid=(grid,),
        in_specs=[rowsb(128), rowsb(HF), rowsb(HF), rowsb(HF), rowsb(HF),
                  rowsb(8),
                  full(128, 128), full(128, 128), full(1, 128),
                  full(128, 128), full(128, 128), full(1, 128)],
        out_specs=rowsb(128),
        out_shape=jax.ShapeDtypeStruct((n, 128), jnp.float32),
    )(h, a0, a1, a2, a3, deg2,
      W_self, W_neigh, b_sage.reshape(1, 128),
      W_gate[:128], W_gate[128:], b_gate.reshape(1, 128))
    return out

# --- scband reference (transcript-rebuilt; emitter-appended) ---
"""Pipeline reference for scband-conversation-aware-sageconv-19413252177995 (READ-ONLY COPY).

The authoritative reference and input builder live on the scoring server;
editing this copy changes nothing except your own understanding.
"""

import jax, jax.numpy as jnp
import numpy as np

N = 10000
E = 320000
IN_FEATS = 128
OUT_FEATS = 128


def setup_inputs(seed: int = 0) -> dict:
    key = jax.random.key(seed)
    ks = jax.random.split(key, 12)
    h = jax.random.normal(ks[0], (N, IN_FEATS), dtype=jnp.float32)
    edge_index = jax.random.randint(ks[1], (2, E), 0, N)
    user_context_features = jax.random.normal(ks[2], (N, IN_FEATS), dtype=jnp.float32)
    # DGL SAGEConv (mean aggregator) parameters: fc_self, fc_neigh, shared bias
    W_self = jax.random.normal(ks[3], (IN_FEATS, OUT_FEATS), dtype=jnp.float32) * 0.05
    W_neigh = jax.random.normal(ks[4], (IN_FEATS, OUT_FEATS), dtype=jnp.float32) * 0.05
    b_sage = jax.random.normal(ks[5], (OUT_FEATS,), dtype=jnp.float32) * 0.05
    # conversation_message_func: Linear(2*in, out) -> LayerNorm -> ReLU -> Dropout(eval: identity)
    W_msg = jax.random.normal(ks[6], (2 * IN_FEATS, OUT_FEATS), dtype=jnp.float32) * 0.05
    b_msg = jax.random.normal(ks[7], (OUT_FEATS,), dtype=jnp.float32) * 0.05
    ln_gamma = jnp.ones((OUT_FEATS,), dtype=jnp.float32)
    ln_beta = jnp.zeros((OUT_FEATS,), dtype=jnp.float32)
    # message_gate: Linear(2*out, out) -> Sigmoid
    W_gate = jax.random.normal(ks[8], (2 * OUT_FEATS, OUT_FEATS), dtype=jnp.float32) * 0.05
    b_gate = jax.random.normal(ks[9], (OUT_FEATS,), dtype=jnp.float32) * 0.05
    return {
        'h': h,
        'edge_index': edge_index,
        'user_context_features': user_context_features,
        'W_self': W_self,
        'W_neigh': W_neigh,
        'b_sage': b_sage,
        'W_msg': W_msg,
        'b_msg': b_msg,
        'ln_gamma': ln_gamma,
        'ln_beta': ln_beta,
        'W_gate': W_gate,
        'b_gate': b_gate,
    }


def reference(h, edge_index, user_context_features, W_self, W_neigh, b_sage,
              W_msg, b_msg, ln_gamma, ln_beta, W_gate, b_gate):
    src = edge_index[0]
    dst = edge_index[1]
    n = h.shape[0]
    # ---- standard SAGEConv (mean aggregator): gather src feats, scatter-add by dst, mean ----
    deg = jnp.zeros((n,), dtype=jnp.float32).at[dst].add(1.0)
    neigh_sum = jnp.zeros((n, IN_FEATS), dtype=jnp.float32).at[dst].add(h[src])
    safe_deg = jnp.where(deg > 0, deg, 1.0)
    h_neigh = neigh_sum / safe_deg[:, None]
    standard_output = h @ W_self + h_neigh @ W_neigh + b_sage
    # ---- per-edge conversation messages (src_idx always < user_ctx rows here) ----
    enhanced = jnp.concatenate([h[src], user_context_features[src]], axis=1)
    msg = enhanced @ W_msg + b_msg
    mu = jnp.mean(msg, axis=-1, keepdims=True)
    var = jnp.mean((msg - mu) ** 2, axis=-1, keepdims=True)
    msg = (msg - mu) / jnp.sqrt(var + 1e-5) * ln_gamma + ln_beta
    msg = jax.nn.relu(msg)  # Dropout(0.1) in eval mode == identity
    # ---- scatter-add messages by dst and normalize by dst counts ----
    conv_aggregated = jnp.zeros((n, OUT_FEATS), dtype=jnp.float32).at[dst].add(msg)
    counts = jnp.zeros((n,), dtype=jnp.float32).at[dst].add(1.0)
    safe_counts = jnp.where(counts > 0, counts, 1.0)
    conv_aggregated = conv_aggregated / safe_counts[:, None]
    # ---- gated fusion ----
    gate_input = jnp.concatenate([standard_output, conv_aggregated], axis=1)
    gate = jax.nn.sigmoid(gate_input @ W_gate + b_gate)
    output = gate * standard_output + (1.0 - gate) * conv_aggregated
    return output

if __name__ == "__main__":
    import jax
    _d = setup_inputs()
    print(jax.jit(kernel)(*tuple(_d.values())))

</pallas_src>

<mosaic_0001>
#map = affine_map<(d0, d1) -> (0, 0)>
module attributes {stable_mosaic.version = 14 : i64} {
  func.func @k(%arg0: i32, %arg1: i32, %arg2: memref<2560x128xi32, #tpu.memory_space<hbm>>, %arg3: memref<2560x128xi32, #tpu.memory_space<hbm>>, %arg4: memref<10000x64xf32, #tpu.memory_space<hbm>>, %arg5: memref<10000x64xf32, #tpu.memory_space<hbm>>, %arg6: memref<10000x64xf32, #tpu.memory_space<hbm>>, %arg7: memref<10000x64xf32, #tpu.memory_space<hbm>>, %arg8: memref<640x64xf32, #tpu.memory_space<hbm>>, %arg9: memref<640x8xf32, #tpu.memory_space<hbm>>, %arg10: memref<128x8xf32, #tpu.memory_space<hbm>>, %arg11: memref<10240x64xf32, #tpu.memory_space<hbm>>, %arg12: memref<10240x64xf32, #tpu.memory_space<hbm>>, %arg13: memref<10240x64xf32, #tpu.memory_space<hbm>>, %arg14: memref<10240x64xf32, #tpu.memory_space<hbm>>, %arg15: memref<10240x8xf32, #tpu.memory_space<hbm>>, %arg16: memref<8x128xi32, #tpu.memory_space<vmem>>, %arg17: memref<8x128xi32, #tpu.memory_space<vmem>>, %arg18: memref<128x64xf32, #tpu.memory_space<vmem>>, %arg19: memref<128x64xf32, #tpu.memory_space<vmem>>, %arg20: memref<128x8xf32, #tpu.memory_space<vmem>>, %arg21: memref<640x64xf32, #tpu.memory_space<vmem>>, %arg22: memref<640x8xf32, #tpu.memory_space<vmem>>, %arg23: memref<10240x64xf32, #tpu.memory_space<vmem_shared>>, %arg24: memref<10240x8xf32, #tpu.memory_space<vmem_shared>>, %arg25: memref<!tpu.dma_semaphore, #tpu.memory_space<semaphore_mem>>, %arg26: memref<!tpu.dma_semaphore, #tpu.memory_space<semaphore_mem>>, %arg27: memref<!tpu.dma_semaphore, #tpu.memory_space<semaphore_mem>>, %arg28: memref<!tpu.dma_semaphore, #tpu.memory_space<semaphore_mem>>, %arg29: memref<!tpu.dma_semaphore, #tpu.memory_space<semaphore_mem>>, %arg30: memref<!tpu.dma_semaphore, #tpu.memory_space<semaphore_mem>>) attributes {dimension_semantics = [#tpu.dimension_semantics<core_parallel>, #tpu.dimension_semantics<subcore_parallel>], iteration_bounds = array<i64: 2, 16>, scalar_prefetch = 0 : i64, scratch_operands = 15 : i64, tpu.core_type = #tpu.core_type<sc_vector_subcore>, window_params = [{transform_indices = #map}, {transform_indices = #map}, {transform_indices = #map}, {transform_indices = #map}, {transform_indices = #map}, {transform_indices = #map}, {transform_indices = #map}, {transform_indices = #map}, {transform_indices = #map}, {transform_indices = #map}, {transform_indices = #map}, {transform_indices = #map}, {transform_indices = #map}, {transform_indices = #map}]} {
    %mul3A = arith.constant 640 : i32
    %mul3A_0 = arith.muli %arg1, %mul3A : i32
    "tpu.region"() ({
      %run_scoped3A = tpu.sem_alloc : memref<!tpu.dma_semaphore, #tpu.memory_space<semaphore_mem>>
      tpu.enqueue_dma source(%arg10 : memref<128x8xf32, #tpu.memory_space<hbm>>) target(%arg20 : memref<128x8xf32, #tpu.memory_space<vmem>>) target_semaphore(%run_scoped3A : memref<!tpu.dma_semaphore, #tpu.memory_space<semaphore_mem>>)
      tpu.wait_dma2 semaphore(%run_scoped3A : memref<!tpu.dma_semaphore, #tpu.memory_space<semaphore_mem>>) src(%arg10 : memref<128x8xf32, #tpu.memory_space<hbm>>) dst(%arg20 : memref<128x8xf32, #tpu.memory_space<vmem>>)
      tpu.yield
    }) : () -> ()
    "tpu.region"() ({
      %run_scoped3A = tpu.sem_alloc : memref<!tpu.dma_semaphore, #tpu.memory_space<semaphore_mem>>
      tpu.enqueue_dma source(%arg9 : memref<640x8xf32, #tpu.memory_space<hbm>>) target(%arg22 : memref<640x8xf32, #tpu.memory_space<vmem>>) target_semaphore(%run_scoped3A : memref<!tpu.dma_semaphore, #tpu.memory_space<semaphore_mem>>)
      tpu.wait_dma2 semaphore(%run_scoped3A : memref<!tpu.dma_semaphore, #tpu.memory_space<semaphore_mem>>) src(%arg9 : memref<640x8xf32, #tpu.memory_space<hbm>>) dst(%arg22 : memref<640x8xf32, #tpu.memory_space<vmem>>)
      tpu.yield
    }) : () -> ()
    "tpu.region"() ({
      %run_scoped3A = tpu.sem_alloc : memref<!tpu.dma_semaphore, #tpu.memory_space<semaphore_mem>>
      %dma_start3A = arith.constant 0 : i32
      %dma_start3A_38 = tpu.memref_slice %arg24[%mul3A_0, %dma_start3A] : memref<10240x8xf32, #tpu.memory_space<vmem_shared>> -> memref<640x8xf32, #tpu.memory_space<vmem_shared>>
      %dma_start3A_39 = arith.constant 0 : i32
      %dma_start3A_40 = tpu.memref_slice %arg24[%mul3A_0, %dma_start3A_39] : memref<10240x8xf32, #tpu.memory_space<vmem_shared>> -> memref<640x8xf32, #tpu.memory_space<vmem_shared>>
      tpu.enqueue_dma source(%arg22 : memref<640x8xf32, #tpu.memory_space<vmem>>) target(%dma_start3A_40 : memref<640x8xf32, #tpu.memory_space<vmem_shared>>) target_semaphore(%run_scoped3A : memref<!tpu.dma_semaphore, #tpu.memory_space<semaphore_mem>>)
      %dma_wait3A = arith.constant 0 : i32
      %dma_wait3A_41 = tpu.memref_slice %arg24[%mul3A_0, %dma_wait3A] : memref<10240x8xf32, #tpu.memory_space<vmem_shared>> -> memref<640x8xf32, #tpu.memory_space<vmem_shared>>
      %dma_wait3A_42 = arith.constant 0 : i32
      %dma_wait3A_43 = tpu.memref_slice %arg24[%mul3A_0, %dma_wait3A_42] : memref<10240x8xf32, #tpu.memory_space<vmem_shared>> -> memref<640x8xf32, #tpu.memory_space<vmem_shared>>
      tpu.wait_dma2 semaphore(%run_scoped3A : memref<!tpu.dma_semaphore, #tpu.memory_space<semaphore_mem>>) src(%arg22 : memref<640x8xf32, #tpu.memory_space<vmem>>) dst(%dma_wait3A_43 : memref<640x8xf32, #tpu.memory_space<vmem_shared>>)
      tpu.yield
    }) : () -> ()
    "tpu.region"() ({
      %run_scoped3A = tpu.sem_alloc : memref<!tpu.dma_semaphore, #tpu.memory_space<semaphore_mem>>
      tpu.enqueue_dma source(%arg8 : memref<640x64xf32, #tpu.memory_space<hbm>>) target(%arg21 : memref<640x64xf32, #tpu.memory_space<vmem>>) target_semaphore(%run_scoped3A : memref<!tpu.dma_semaphore, #tpu.memory_space<semaphore_mem>>)
      tpu.wait_dma2 semaphore(%run_scoped3A : memref<!tpu.dma_semaphore, #tpu.memory_space<semaphore_mem>>) src(%arg8 : memref<640x64xf32, #tpu.memory_space<hbm>>) dst(%arg21 : memref<640x64xf32, #tpu.memory_space<vmem>>)
      tpu.yield
    }) : () -> ()
    "tpu.region"() ({
      %run_scoped3A = tpu.sem_alloc : memref<!tpu.dma_semaphore, #tpu.memory_space<semaphore_mem>>
      %dma_start3A = arith.constant 0 : i32
      %dma_start3A_38 = tpu.memref_slice %arg23[%mul3A_0, %dma_start3A] : memref<10240x64xf32, #tpu.memory_space<vmem_shared>> -> memref<640x64xf32, #tpu.memory_space<vmem_shared>>
      %dma_start3A_39 = arith.constant 0 : i32
      %dma_start3A_40 = tpu.memref_slice %arg23[%mul3A_0, %dma_start3A_39] : memref<10240x64xf32, #tpu.memory_space<vmem_shared>> -> memref<640x64xf32, #tpu.memory_space<vmem_shared>>
      tpu.enqueue_dma source(%arg21 : memref<640x64xf32, #tpu.memory_space<vmem>>) target(%dma_start3A_40 : memref<640x64xf32, #tpu.memory_space<vmem_shared>>) target_semaphore(%run_scoped3A : memref<!tpu.dma_semaphore, #tpu.memory_space<semaphore_mem>>)
      %dma_wait3A = arith.constant 0 : i32
      %dma_wait3A_41 = tpu.memref_slice %arg23[%mul3A_0, %dma_wait3A] : memref<10240x64xf32, #tpu.memory_space<vmem_shared>> -> memref<640x64xf32, #tpu.memory_space<vmem_shared>>
      %dma_wait3A_42 = arith.constant 0 : i32
      %dma_wait3A_43 = tpu.memref_slice %arg23[%mul3A_0, %dma_wait3A_42] : memref<10240x64xf32, #tpu.memory_space<vmem_shared>> -> memref<640x64xf32, #tpu.memory_space<vmem_shared>>
      tpu.wait_dma2 semaphore(%run_scoped3A : memref<!tpu.dma_semaphore, #tpu.memory_space<semaphore_mem>>) src(%arg21 : memref<640x64xf32, #tpu.memory_space<vmem>>) dst(%dma_wait3A_43 : memref<640x64xf32, #tpu.memory_space<vmem_shared>>)
      tpu.yield
    }) : () -> ()
    %barrier3A = arith.constant 0 : index
    tpu.barrier barrier_id(%barrier3A)
    %scan3A = arith.constant 0 : i32
    %scan3A_1 = arith.constant 0 : i32
    %scan3A_2 = arith.constant 20 : i32
    %scan3A_3 = arith.addi %scan3A_1, %scan3A_2 : i32
    %scan3A_4 = arith.constant 1 : i32
    scf.for %scan3A_38 = %scan3A_1 to %scan3A_3 step %scan3A_4  : i32 {
      %mul3A_39 = arith.constant 160 : i32
      %mul3A_40 = arith.muli %arg1, %mul3A_39 : i32
      %mul3A_41 = arith.constant 8 : i32
      %mul3A_42 = arith.muli %scan3A_38, %mul3A_41 : i32
      %add3A = arith.addi %mul3A_40, %mul3A_42 : i32
      "tpu.region"() ({
        %run_scoped3A = tpu.sem_alloc : memref<!tpu.dma_semaphore, #tpu.memory_space<semaphore_mem>>
        %dma_start3A_369 = arith.constant 0 : i32
        %dma_start3A_370 = tpu.memref_slice %arg2[%add3A, %dma_start3A_369] : memref<2560x128xi32, #tpu.memory_space<hbm>> -> memref<8x128xi32, #tpu.memory_space<hbm>>
        %dma_start3A_371 = arith.constant 0 : i32
        %dma_start3A_372 = tpu.memref_slice %arg2[%add3A, %dma_start3A_371] : memref<2560x128xi32, #tpu.memory_space<hbm>> -> memref<8x128xi32, #tpu.memory_space<hbm>>
        tpu.enqueue_dma source(%dma_start3A_372 : memref<8x128xi32, #tpu.memory_space<hbm>>) target(%arg16 : memref<8x128xi32, #tpu.memory_space<vmem>>) target_semaphore(%run_scoped3A : memref<!tpu.dma_semaphore, #tpu.memory_space<semaphore_mem>>)
        %dma_wait3A_373 = arith.constant 0 : i32
        %dma_wait3A_374 = tpu.memref_slice %arg2[%add3A, %dma_wait3A_373] : memref<2560x128xi32, #tpu.memory_space<hbm>> -> memref<8x128xi32, #tpu.memory_space<hbm>>
        %dma_wait3A_375 = arith.constant 0 : i32
        %dma_wait3A_376 = tpu.memref_slice %arg2[%add3A, %dma_wait3A_375] : memref<2560x128xi32, #tpu.memory_space<hbm>> -> memref<8x128xi32, #tpu.memory_space<hbm>>
        tpu.wait_dma2 semaphore(%run_scoped3A : memref<!tpu.dma_semaphore, #tpu.memory_space<semaphore_mem>>) src(%dma_wait3A_376 : memref<8x128xi32, #tpu.memory_space<hbm>>) dst(%arg16 : memref<8x128xi32, #tpu.memory_space<vmem>>)
        tpu.yield
      }) : () -> ()
      "tpu.region"() ({
        %run_scoped3A = tpu.sem_alloc : memref<!tpu.dma_semaphore, #tpu.memory_space<semaphore_mem>>
        %dma_start3A_369 = arith.constant 0 : i32
        %dma_start3A_370 = tpu.memref_slice %arg3[%add3A, %dma_start3A_369] : memref<2560x128xi32, #tpu.memory_space<hbm>> -> memref<8x128xi32, #tpu.memory_space<hbm>>
        %dma_start3A_371 = arith.constant 0 : i32
        %dma_start3A_372 = tpu.memref_slice %arg3[%add3A, %dma_start3A_371] : memref<2560x128xi32, #tpu.memory_space<hbm>> -> memref<8x128xi32, #tpu.memory_space<hbm>>
        tpu.enqueue_dma source(%dma_start3A_372 : memref<8x128xi32, #tpu.memory_space<hbm>>) target(%arg17 : memref<8x128xi32, #tpu.memory_space<vmem>>) target_semaphore(%run_scoped3A : memref<!tpu.dma_semaphore, #tpu.memory_space<semaphore_mem>>)
        %dma_wait3A_373 = arith.constant 0 : i32
        %dma_wait3A_374 = tpu.memref_slice %arg3[%add3A, %dma_wait3A_373] : memref<2560x128xi32, #tpu.memory_space<hbm>> -> memref<8x128xi32, #tpu.memory_space<hbm>>
        %dma_wait3A_375 = arith.constant 0 : i32
        %dma_wait3A_376 = tpu.memref_slice %arg3[%add3A, %dma_wait3A_375] : memref<2560x128xi32, #tpu.memory_space<hbm>> -> memref<8x128xi32, #tpu.memory_space<hbm>>
        tpu.wait_dma2 semaphore(%run_scoped3A : memref<!tpu.dma_semaphore, #tpu.memory_space<semaphore_mem>>) src(%dma_wait3A_376 : memref<8x128xi32, #tpu.memory_space<hbm>>) dst(%arg17 : memref<8x128xi32, #tpu.memory_space<vmem>>)
        tpu.yield
      }) : () -> ()
      %eq3A_43 = arith.constant 0 : i32
      %eq3A_44 = arith.cmpi eq, %arg0, %eq3A_43 : i32
      %convert_element_type3A_45 = arith.extui %eq3A_44 : i1 to i32
      %cond3A_46 = arith.constant 0 : i32
      %cond3A_47 = arith.cmpi ne, %convert_element_type3A_45, %cond3A_46 : i32
      scf.if %cond3A_47 {
        %dma_start3A_369 = arith.constant 0 : i32
        %dma_start3A_370 = arith.constant 0 : i32
        %dma_start3A_371 = tpu.memref_slice %arg16[%dma_start3A_369, %dma_start3A_370] : memref<8x128xi32, #tpu.memory_space<vmem>> -> memref<1x128xi32, #tpu.memory_space<vmem>>
        %dma_start3A_372 = tpu.memref_squeeze %dma_start3A_371 : memref<1x128xi32, #tpu.memory_space<vmem>> -> memref<128xi32, #tpu.memory_space<vmem>>
        %dma_start3A_373 = arith.constant 0 : i32
        %dma_start3A_374 = arith.constant 0 : i32
        %dma_start3A_375 = tpu.memref_slice %arg4[%dma_start3A_373, %dma_start3A_374] : memref<10000x64xf32, #tpu.memory_space<hbm>> -> memref<10000x64xf32, #tpu.memory_space<hbm>>
        tpu.enqueue_indirect_dma source(%dma_start3A_375 : memref<10000x64xf32, #tpu.memory_space<hbm>>) target(%arg18 : memref<128x64xf32, #tpu.memory_space<vmem>>) offsets(%dma_start3A_372 : memref<128xi32, #tpu.memory_space<vmem>>) semaphore(%arg25 : memref<!tpu.dma_semaphore, #tpu.memory_space<semaphore_mem>>)
      } else {
      }
      %eq3A_48 = arith.constant 1 : i32
      %eq3A_49 = arith.cmpi eq, %arg0, %eq3A_48 : i32
      %convert_element_type3A_50 = arith.extui %eq3A_49 : i1 to i32
      %cond3A_51 = arith.constant 0 : i32
      %cond3A_52 = arith.cmpi ne, %convert_element_type3A_50, %cond3A_51 : i32
      scf.if %cond3A_52 {
        %dma_start3A_369 = arith.constant 0 : i32
        %dma_start3A_370 = arith.constant 0 : i32
        %dma_start3A_371 = tpu.memref_slice %arg16[%dma_start3A_369, %dma_start3A_370] : memref<8x128xi32, #tpu.memory_space<vmem>> -> memref<1x128xi32, #tpu.memory_space<vmem>>
        %dma_start3A_372 = tpu.memref_squeeze %dma_start3A_371 : memref<1x128xi32, #tpu.memory_space<vmem>> -> memref<128xi32, #tpu.memory_space<vmem>>
        %dma_start3A_373 = arith.constant 0 : i32
        %dma_start3A_374 = arith.constant 0 : i32
        %dma_start3A_375 = tpu.memref_slice %arg6[%dma_start3A_373, %dma_start3A_374] : memref<10000x64xf32, #tpu.memory_space<hbm>> -> memref<10000x64xf32, #tpu.memory_space<hbm>>
        tpu.enqueue_indirect_dma source(%dma_start3A_375 : memref<10000x64xf32, #tpu.memory_space<hbm>>) target(%arg18 : memref<128x64xf32, #tpu.memory_space<vmem>>) offsets(%dma_start3A_372 : memref<128xi32, #tpu.memory_space<vmem>>) semaphore(%arg25 : memref<!tpu.dma_semaphore, #tpu.memory_space<semaphore_mem>>)
      } else {
      }
      %dma_wait3A = arith.constant 0 : i32
      %dma_wait3A_53 = arith.constant 0 : i32
      %dma_wait3A_54 = tpu.memref_slice %arg16[%dma_wait3A, %dma_wait3A_53] : memref<8x128xi32, #tpu.memory_space<vmem>> -> memref<1x128xi32, #tpu.memory_space<vmem>>
      %dma_wait3A_55 = tpu.memref_squeeze %dma_wait3A_54 : memref<1x128xi32, #tpu.memory_space<vmem>> -> memref<128xi32, #tpu.memory_space<vmem>>
      %dma_wait3A_56 = arith.constant 0 : i32
      %dma_wait3A_57 = arith.constant 0 : i32
      %dma_wait3A_58 = tpu.memref_slice %arg4[%dma_wait3A_56, %dma_wait3A_57] : memref<10000x64xf32, #tpu.memory_space<hbm>> -> memref<10000x64xf32, #tpu.memory_space<hbm>>
      tpu.wait_indirect_dma semaphore(%arg25 : memref<!tpu.dma_semaphore, #tpu.memory_space<semaphore_mem>>) src(%dma_wait3A_58 : memref<10000x64xf32, #tpu.memory_space<hbm>>) dst(%arg18 : memref<128x64xf32, #tpu.memory_space<vmem>>)
      %dma_start3A = arith.constant 0 : i32
      %dma_start3A_59 = arith.constant 0 : i32
      %dma_start3A_60 = tpu.memref_slice %arg17[%dma_start3A, %dma_start3A_59] : memref<8x128xi32, #tpu.memory_space<vmem>> -> memref<1x128xi32, #tpu.memory_space<vmem>>
      %dma_start3A_61 = tpu.memref_squeeze %dma_start3A_60 : memref<1x128xi32, #tpu.memory_space<vmem>> -> memref<128xi32, #tpu.memory_space<vmem>>
      %dma_start3A_62 = arith.constant 0 : i32
      %dma_start3A_63 = arith.constant 0 : i32
      %dma_start3A_64 = tpu.memref_slice %arg23[%dma_start3A_62, %dma_start3A_63] : memref<10240x64xf32, #tpu.memory_space<vmem_shared>> -> memref<10240x64xf32, #tpu.memory_space<vmem_shared>>
      tpu.enqueue_indirect_dma source(%arg18 : memref<128x64xf32, #tpu.memory_space<vmem>>) target(%dma_start3A_64 : memref<10240x64xf32, #tpu.memory_space<vmem_shared>>) offsets(%dma_start3A_61 : memref<128xi32, #tpu.memory_space<vmem>>) semaphore(%arg27 : memref<!tpu.dma_semaphore, #tpu.memory_space<semaphore_mem>>) {add = true}
      %eq3A_65 = arith.constant 0 : i32
      %eq3A_66 = arith.cmpi eq, %arg0, %eq3A_65 : i32
      %convert_element_type3A_67 = arith.extui %eq3A_66 : i1 to i32
      %cond3A_68 = arith.constant 0 : i32
      %cond3A_69 = arith.cmpi ne, %convert_element_type3A_67, %cond3A_68 : i32
      scf.if %cond3A_69 {
        %dma_start3A_369 = arith.constant 0 : i32
        %dma_start3A_370 = arith.constant 0 : i32
        %dma_start3A_371 = tpu.memref_slice %arg17[%dma_start3A_369, %dma_start3A_370] : memref<8x128xi32, #tpu.memory_space<vmem>> -> memref<1x128xi32, #tpu.memory_space<vmem>>
        %dma_start3A_372 = tpu.memref_squeeze %dma_start3A_371 : memref<1x128xi32, #tpu.memory_space<vmem>> -> memref<128xi32, #tpu.memory_space<vmem>>
        %dma_start3A_373 = arith.constant 0 : i32
        %dma_start3A_374 = arith.constant 0 : i32
        %dma_start3A_375 = tpu.memref_slice %arg24[%dma_start3A_373, %dma_start3A_374] : memref<10240x8xf32, #tpu.memory_space<vmem_shared>> -> memref<10240x8xf32, #tpu.memory_space<vmem_shared>>
        tpu.enqueue_indirect_dma source(%arg20 : memref<128x8xf32, #tpu.memory_space<vmem>>) target(%dma_start3A_375 : memref<10240x8xf32, #tpu.memory_space<vmem_shared>>) offsets(%dma_start3A_372 : memref<128xi32, #tpu.memory_space<vmem>>) semaphore(%arg29 : memref<!tpu.dma_semaphore, #tpu.memory_space<semaphore_mem>>) {add = true}
      } else {
      }
      %eq3A_70 = arith.constant 0 : i32
      %eq3A_71 = arith.cmpi eq, %arg0, %eq3A_70 : i32
      %convert_element_type3A_72 = arith.extui %eq3A_71 : i1 to i32
      %cond3A_73 = arith.constant 0 : i32
      %cond3A_74 = arith.cmpi ne, %convert_element_type3A_72, %cond3A_73 : i32
      scf.if %cond3A_74 {
        %dma_start3A_369 = arith.constant 1 : i32
        %dma_start3A_370 = arith.constant 0 : i32
        %dma_start3A_371 = tpu.memref_slice %arg16[%dma_start3A_369, %dma_start3A_370] : memref<8x128xi32, #tpu.memory_space<vmem>> -> memref<1x128xi32, #tpu.memory_space<vmem>>
        %dma_start3A_372 = tpu.memref_squeeze %dma_start3A_371 : memref<1x128xi32, #tpu.memory_space<vmem>> -> memref<128xi32, #tpu.memory_space<vmem>>
        %dma_start3A_373 = arith.constant 0 : i32
        %dma_start3A_374 = arith.constant 0 : i32
        %dma_start3A_375 = tpu.memref_slice %arg4[%dma_start3A_373, %dma_start3A_374] : memref<10000x64xf32, #tpu.memory_space<hbm>> -> memref<10000x64xf32, #tpu.memory_space<hbm>>
        tpu.enqueue_indirect_dma source(%dma_start3A_375 : memref<10000x64xf32, #tpu.memory_space<hbm>>) target(%arg19 : memref<128x64xf32, #tpu.memory_space<vmem>>) offsets(%dma_start3A_372 : memref<128xi32, #tpu.memory_space<vmem>>) semaphore(%arg26 : memref<!tpu.dma_semaphore, #tpu.memory_space<semaphore_mem>>)
      } else {
      }
      %eq3A_75 = arith.constant 1 : i32
      %eq3A_76 = arith.cmpi eq, %arg0, %eq3A_75 : i32
      %convert_element_type3A_77 = arith.extui %eq3A_76 : i1 to i32
      %cond3A_78 = arith.constant 0 : i32
      %cond3A_79 = arith.cmpi ne, %convert_element_type3A_77, %cond3A_78 : i32
      scf.if %cond3A_79 {
        %dma_start3A_369 = arith.constant 1 : i32
        %dma_start3A_370 = arith.constant 0 : i32
        %dma_start3A_371 = tpu.memref_slice %arg16[%dma_start3A_369, %dma_start3A_370] : memref<8x128xi32, #tpu.memory_space<vmem>> -> memref<1x128xi32, #tpu.memory_space<vmem>>
        %dma_start3A_372 = tpu.memref_squeeze %dma_start3A_371 : memref<1x128xi32, #tpu.memory_space<vmem>> -> memref<128xi32, #tpu.memory_space<vmem>>
        %dma_start3A_373 = arith.constant 0 : i32
        %dma_start3A_374 = arith.constant 0 : i32
        %dma_start3A_375 = tpu.memref_slice %arg6[%dma_start3A_373, %dma_start3A_374] : memref<10000x64xf32, #tpu.memory_space<hbm>> -> memref<10000x64xf32, #tpu.memory_space<hbm>>
        tpu.enqueue_indirect_dma source(%dma_start3A_375 : memref<10000x64xf32, #tpu.memory_space<hbm>>) target(%arg19 : memref<128x64xf32, #tpu.memory_space<vmem>>) offsets(%dma_start3A_372 : memref<128xi32, #tpu.memory_space<vmem>>) semaphore(%arg26 : memref<!tpu.dma_semaphore, #tpu.memory_space<semaphore_mem>>)
      } else {
      }
      %dma_wait3A_80 = arith.constant 1 : i32
      %dma_wait3A_81 = arith.constant 0 : i32
      %dma_wait3A_82 = tpu.memref_slice %arg16[%dma_wait3A_80, %dma_wait3A_81] : memref<8x128xi32, #tpu.memory_space<vmem>> -> memref<1x128xi32, #tpu.memory_space<vmem>>
      %dma_wait3A_83 = tpu.memref_squeeze %dma_wait3A_82 : memref<1x128xi32, #tpu.memory_space<vmem>> -> memref<128xi32, #tpu.memory_space<vmem>>
      %dma_wait3A_84 = arith.constant 0 : i32
      %dma_wait3A_85 = arith.constant 0 : i32
      %dma_wait3A_86 = tpu.memref_slice %arg4[%dma_wait3A_84, %dma_wait3A_85] : memref<10000x64xf32, #tpu.memory_space<hbm>> -> memref<10000x64xf32, #tpu.memory_space<hbm>>
      tpu.wait_indirect_dma semaphore(%arg26 : memref<!tpu.dma_semaphore, #tpu.memory_space<semaphore_mem>>) src(%dma_wait3A_86 : memref<10000x64xf32, #tpu.memory_space<hbm>>) dst(%arg19 : memref<128x64xf32, #tpu.memory_space<vmem>>)
      %dma_start3A_87 = arith.constant 1 : i32
      %dma_start3A_88 = arith.constant 0 : i32
      %dma_start3A_89 = tpu.memref_slice %arg17[%dma_start3A_87, %dma_start3A_88] : memref<8x128xi32, #tpu.memory_space<vmem>> -> memref<1x128xi32, #tpu.memory_space<vmem>>
      %dma_start3A_90 = tpu.memref_squeeze %dma_start3A_89 : memref<1x128xi32, #tpu.memory_space<vmem>> -> memref<128xi32, #tpu.memory_space<vmem>>
      %dma_start3A_91 = arith.constant 0 : i32
      %dma_start3A_92 = arith.constant 0 : i32
      %dma_start3A_93 = tpu.memref_slice %arg23[%dma_start3A_91, %dma_start3A_92] : memref<10240x64xf32, #tpu.memory_space<vmem_shared>> -> memref<10240x64xf32, #tpu.memory_space<vmem_shared>>
      tpu.enqueue_indirect_dma source(%arg19 : memref<128x64xf32, #tpu.memory_space<vmem>>) target(%dma_start3A_93 : memref<10240x64xf32, #tpu.memory_space<vmem_shared>>) offsets(%dma_start3A_90 : memref<128xi32, #tpu.memory_space<vmem>>) semaphore(%arg28 : memref<!tpu.dma_semaphore, #tpu.memory_space<semaphore_mem>>) {add = true}
      %eq3A_94 = arith.constant 0 : i32
      %eq3A_95 = arith.cmpi eq, %arg0, %eq3A_94 : i32
      %convert_element_type3A_96 = arith.extui %eq3A_95 : i1 to i32
      %cond3A_97 = arith.constant 0 : i32
      %cond3A_98 = arith.cmpi ne, %convert_element_type3A_96, %cond3A_97 : i32
      scf.if %cond3A_98 {
        %dma_start3A_369 = arith.constant 1 : i32
        %dma_start3A_370 = arith.constant 0 : i32
        %dma_start3A_371 = tpu.memref_slice %arg17[%dma_start3A_369, %dma_start3A_370] : memref<8x128xi32, #tpu.memory_space<vmem>> -> memref<1x128xi32, #tpu.memory_space<vmem>>
        %dma_start3A_372 = tpu.memref_squeeze %dma_start3A_371 : memref<1x128xi32, #tpu.memory_space<vmem>> -> memref<128xi32, #tpu.memory_space<vmem>>
        %dma_start3A_373 = arith.constant 0 : i32
        %dma_start3A_374 = arith.constant 0 : i32
        %dma_start3A_375 = tpu.memref_slice %arg24[%dma_start3A_373, %dma_start3A_374] : memref<10240x8xf32, #tpu.memory_space<vmem_shared>> -> memref<10240x8xf32, #tpu.memory_space<vmem_shared>>
        tpu.enqueue_indirect_dma source(%arg20 : memref<128x8xf32, #tpu.memory_space<vmem>>) target(%dma_start3A_375 : memref<10240x8xf32, #tpu.memory_space<vmem_shared>>) offsets(%dma_start3A_372 : memref<128xi32, #tpu.memory_space<vmem>>) semaphore(%arg30 : memref<!tpu.dma_semaphore, #tpu.memory_space<semaphore_mem>>) {add = true}
      } else {
      }
      %dma_wait3A_99 = arith.constant 0 : i32
      %dma_wait3A_100 = arith.constant 0 : i32
      %dma_wait3A_101 = tpu.memref_slice %arg17[%dma_wait3A_99, %dma_wait3A_100] : memref<8x128xi32, #tpu.memory_space<vmem>> -> memref<1x128xi32, #tpu.memory_space<vmem>>
      %dma_wait3A_102 = tpu.memref_squeeze %dma_wait3A_101 : memref<1x128xi32, #tpu.memory_space<vmem>> -> memref<128xi32, #tpu.memory_space<vmem>>
      %dma_wait3A_103 = arith.constant 0 : i32
      %dma_wait3A_104 = arith.constant 0 : i32
      %dma_wait3A_105 = tpu.memref_slice %arg23[%dma_wait3A_103, %dma_wait3A_104] : memref<10240x64xf32, #tpu.memory_space<vmem_shared>> -> memref<10240x64xf32, #tpu.memory_space<vmem_shared>>
      tpu.wait_indirect_dma semaphore(%arg27 : memref<!tpu.dma_semaphore, #tpu.memory_space<semaphore_mem>>) src(%arg18 : memref<128x64xf32, #tpu.memory_space<vmem>>) dst(%dma_wait3A_105 : memref<10240x64xf32, #tpu.memory_space<vmem_shared>>)
      %eq3A_106 = arith.constant 0 : i32
      %eq3A_107 = arith.cmpi eq, %arg0, %eq3A_106 : i32
      %convert_element_type3A_108 = arith.extui %eq3A_107 : i1 to i32
      %cond3A_109 = arith.constant 0 : i32
      %cond3A_110 = arith.cmpi ne, %convert_element_type3A_108, %cond3A_109 : i32
      scf.if %cond3A_110 {
        %dma_wait3A_369 = arith.constant 0 : i32
        %dma_wait3A_370 = arith.constant 0 : i32
        %dma_wait3A_371 = tpu.memref_slice %arg17[%dma_wait3A_369, %dma_wait3A_370] : memref<8x128xi32, #tpu.memory_space<vmem>> -> memref<1x128xi32, #tpu.memory_space<vmem>>
        %dma_wait3A_372 = tpu.memref_squeeze %dma_wait3A_371 : memref<1x128xi32, #tpu.memory_space<vmem>> -> memref<128xi32, #tpu.memory_space<vmem>>
        %dma_wait3A_373 = arith.constant 0 : i32
        %dma_wait3A_374 = arith.constant 0 : i32
        %dma_wait3A_375 = tpu.memref_slice %arg24[%dma_wait3A_373, %dma_wait3A_374] : memref<10240x8xf32, #tpu.memory_space<vmem_shared>> -> memref<10240x8xf32, #tpu.memory_space<vmem_shared>>
        tpu.wait_indirect_dma semaphore(%arg29 : memref<!tpu.dma_semaphore, #tpu.memory_space<semaphore_mem>>) src(%arg20 : memref<128x8xf32, #tpu.memory_space<vmem>>) dst(%dma_wait3A_375 : memref<10240x8xf32, #tpu.memory_space<vmem_shared>>)
      } else {
      }
      %eq3A_111 = arith.constant 0 : i32
      %eq3A_112 = arith.cmpi eq, %arg0, %eq3A_111 : i32
      %convert_element_type3A_113 = arith.extui %eq3A_112 : i1 to i32
      %cond3A_114 = arith.constant 0 : i32
      %cond3A_115 = arith.cmpi ne, %convert_element_type3A_113, %cond3A_114 : i32
      scf.if %cond3A_115 {
        %dma_start3A_369 = arith.constant 2 : i32
        %dma_start3A_370 = arith.constant 0 : i32
        %dma_start3A_371 = tpu.memref_slice %arg16[%dma_start3A_369, %dma_start3A_370] : memref<8x128xi32, #tpu.memory_space<vmem>> -> memref<1x128xi32, #tpu.memory_space<vmem>>
        %dma_start3A_372 = tpu.memref_squeeze %dma_start3A_371 : memref<1x128xi32, #tpu.memory_space<vmem>> -> memref<128xi32, #tpu.memory_space<vmem>>
        %dma_start3A_373 = arith.constant 0 : i32
        %dma_start3A_374 = arith.constant 0 : i32
        %dma_start3A_375 = tpu.memref_slice %arg4[%dma_start3A_373, %dma_start3A_374] : memref<10000x64xf32, #tpu.memory_space<hbm>> -> memref<10000x64xf32, #tpu.memory_space<hbm>>
        tpu.enqueue_indirect_dma source(%dma_start3A_375 : memref<10000x64xf32, #tpu.memory_space<hbm>>) target(%arg18 : memref<128x64xf32, #tpu.memory_space<vmem>>) offsets(%dma_start3A_372 : memref<128xi32, #tpu.memory_space<vmem>>) semaphore(%arg25 : memref<!tpu.dma_semaphore, #tpu.memory_space<semaphore_mem>>)
      } else {
      }
      %eq3A_116 = arith.constant 1 : i32
      %eq3A_117 = arith.cmpi eq, %arg0, %eq3A_116 : i32
      %convert_element_type3A_118 = arith.extui %eq3A_117 : i1 to i32
      %cond3A_119 = arith.constant 0 : i32
      %cond3A_120 = arith.cmpi ne, %convert_element_type3A_118, %cond3A_119 : i32
      scf.if %cond3A_120 {
        %dma_start3A_369 = arith.constant 2 : i32
        %dma_start3A_370 = arith.constant 0 : i32
        %dma_start3A_371 = tpu.memref_slice %arg16[%dma_start3A_369, %dma_start3A_370] : memref<8x128xi32, #tpu.memory_space<vmem>> -> memref<1x128xi32, #tpu.memory_space<vmem>>
        %dma_start3A_372 = tpu.memref_squeeze %dma_start3A_371 : memref<1x128xi32, #tpu.memory_space<vmem>> -> memref<128xi32, #tpu.memory_space<vmem>>
        %dma_start3A_373 = arith.constant 0 : i32
        %dma_start3A_374 = arith.constant 0 : i32
        %dma_start3A_375 = tpu.memref_slice %arg6[%dma_start3A_373, %dma_start3A_374] : memref<10000x64xf32, #tpu.memory_space<hbm>> -> memref<10000x64xf32, #tpu.memory_space<hbm>>
        tpu.enqueue_indirect_dma source(%dma_start3A_375 : memref<10000x64xf32, #tpu.memory_space<hbm>>) target(%arg18 : memref<128x64xf32, #tpu.memory_space<vmem>>) offsets(%dma_start3A_372 : memref<128xi32, #tpu.memory_space<vmem>>) semaphore(%arg25 : memref<!tpu.dma_semaphore, #tpu.memory_space<semaphore_mem>>)
      } else {
      }
      %dma_wait3A_121 = arith.constant 2 : i32
      %dma_wait3A_122 = arith.constant 0 : i32
      %dma_wait3A_123 = tpu.memref_slice %arg16[%dma_wait3A_121, %dma_wait3A_122] : memref<8x128xi32, #tpu.memory_space<vmem>> -> memref<1x128xi32, #tpu.memory_space<vmem>>
      %dma_wait3A_124 = tpu.memref_squeeze %dma_wait3A_123 : memref<1x128xi32, #tpu.memory_space<vmem>> -> memref<128xi32, #tpu.memory_space<vmem>>
      %dma_wait3A_125 = arith.constant 0 : i32
      %dma_wait3A_126 = arith.constant 0 : i32
      %dma_wait3A_127 = tpu.memref_slice %arg4[%dma_wait3A_125, %dma_wait3A_126] : memref<10000x64xf32, #tpu.memory_space<hbm>> -> memref<10000x64xf32, #tpu.memory_space<hbm>>
      tpu.wait_indirect_dma semaphore(%arg25 : memref<!tpu.dma_semaphore, #tpu.memory_space<semaphore_mem>>) src(%dma_wait3A_127 : memref<10000x64xf32, #tpu.memory_space<hbm>>) dst(%arg18 : memref<128x64xf32, #tpu.memory_space<vmem>>)
      %dma_start3A_128 = arith.constant 2 : i32
      %dma_start3A_129 = arith.constant 0 : i32
      %dma_start3A_130 = tpu.memref_slice %arg17[%dma_start3A_128, %dma_start3A_129] : memref<8x128xi32, #tpu.memory_space<vmem>> -> memref<1x128xi32, #tpu.memory_space<vmem>>
      %dma_start3A_131 = tpu.memref_squeeze %dma_start3A_130 : memref<1x128xi32, #tpu.memory_space<vmem>> -> memref<128xi32, #tpu.memory_space<vmem>>
      %dma_start3A_132 = arith.constant 0 : i32
      %dma_start3A_133 = arith.constant 0 : i32
      %dma_start3A_134 = tpu.memref_slice %arg23[%dma_start3A_132, %dma_start3A_133] : memref<10240x64xf32, #tpu.memory_space<vmem_shared>> -> memref<10240x64xf32, #tpu.memory_space<vmem_shared>>
      tpu.enqueue_indirect_dma source(%arg18 : memref<128x64xf32, #tpu.memory_space<vmem>>) target(%dma_start3A_134 : memref<10240x64xf32, #tpu.memory_space<vmem_shared>>) offsets(%dma_start3A_131 : memref<128xi32, #tpu.memory_space<vmem>>) semaphore(%arg27 : memref<!tpu.dma_semaphore, #tpu.memory_space<semaphore_mem>>) {add = true}
      %eq3A_135 = arith.constant 0 : i32
      %eq3A_136 = arith.cmpi eq, %arg0, %eq3A_135 : i32
      %convert_element_type3A_137 = arith.extui %eq3A_136 : i1 to i32
      %cond3A_138 = arith.constant 0 : i32
      %cond3A_139 = arith.cmpi ne, %convert_element_type3A_137, %cond3A_138 : i32
      scf.if %cond3A_139 {
        %dma_start3A_369 = arith.constant 2 : i32
        %dma_start3A_370 = arith.constant 0 : i32
        %dma_start3A_371 = tpu.memref_slice %arg17[%dma_start3A_369, %dma_start3A_370] : memref<8x128xi32, #tpu.memory_space<vmem>> -> memref<1x128xi32, #tpu.memory_space<vmem>>
        %dma_start3A_372 = tpu.memref_squeeze %dma_start3A_371 : memref<1x128xi32, #tpu.memory_space<vmem>> -> memref<128xi32, #tpu.memory_space<vmem>>
        %dma_start3A_373 = arith.constant 0 : i32
        %dma_start3A_374 = arith.constant 0 : i32
        %dma_start3A_375 = tpu.memref_slice %arg24[%dma_start3A_373, %dma_start3A_374] : memref<10240x8xf32, #tpu.memory_space<vmem_shared>> -> memref<10240x8xf32, #tpu.memory_space<vmem_shared>>
        tpu.enqueue_indirect_dma source(%arg20 : memref<128x8xf32, #tpu.memory_space<vmem>>) target(%dma_start3A_375 : memref<10240x8xf32, #tpu.memory_space<vmem_shared>>) offsets(%dma_start3A_372 : memref<128xi32, #tpu.memory_space<vmem>>) semaphore(%arg29 : memref<!tpu.dma_semaphore, #tpu.memory_space<semaphore_mem>>) {add = true}
      } else {
      }
      %dma_wait3A_140 = arith.constant 1 : i32
      %dma_wait3A_141 = arith.constant 0 : i32
      %dma_wait3A_142 = tpu.memref_slice %arg17[%dma_wait3A_140, %dma_wait3A_141] : memref<8x128xi32, #tpu.memory_space<vmem>> -> memref<1x128xi32, #tpu.memory_space<vmem>>
      %dma_wait3A_143 = tpu.memref_squeeze %dma_wait3A_142 : memref<1x128xi32, #tpu.memory_space<vmem>> -> memref<128xi32, #tpu.memory_space<vmem>>
      %dma_wait3A_144 = arith.constant 0 : i32
      %dma_wait3A_145 = arith.constant 0 : i32
      %dma_wait3A_146 = tpu.memref_slice %arg23[%dma_wait3A_144, %dma_wait3A_145] : memref<10240x64xf32, #tpu.memory_space<vmem_shared>> -> memref<10240x64xf32, #tpu.memory_space<vmem_shared>>
      tpu.wait_indirect_dma semaphore(%arg28 : memref<!tpu.dma_semaphore, #tpu.memory_space<semaphore_mem>>) src(%arg19 : memref<128x64xf32, #tpu.memory_space<vmem>>) dst(%dma_wait3A_146 : memref<10240x64xf32, #tpu.memory_space<vmem_shared>>)
      %eq3A_147 = arith.constant 0 : i32
      %eq3A_148 = arith.cmpi eq, %arg0, %eq3A_147 : i32
      %convert_element_type3A_149 = arith.extui %eq3A_148 : i1 to i32
      %cond3A_150 = arith.constant 0 : i32
      %cond3A_151 = arith.cmpi ne, %convert_element_type3A_149, %cond3A_150 : i32
      scf.if %cond3A_151 {
        %dma_wait3A_369 = arith.constant 1 : i32
        %dma_wait3A_370 = arith.constant 0 : i32
        %dma_wait3A_371 = tpu.memref_slice %arg17[%dma_wait3A_369, %dma_wait3A_370] : memref<8x128xi32, #tpu.memory_space<vmem>> -> memref<1x128xi32, #tpu.memory_space<vmem>>
        %dma_wait3A_372 = tpu.memref_squeeze %dma_wait3A_371 : memref<1x128xi32, #tpu.memory_space<vmem>> -> memref<128xi32, #tpu.memory_space<vmem>>
        %dma_wait3A_373 = arith.constant 0 : i32
        %dma_wait3A_374 = arith.constant 0 : i32
        %dma_wait3A_375 = tpu.memref_slice %arg24[%dma_wait3A_373, %dma_wait3A_374] : memref<10240x8xf32, #tpu.memory_space<vmem_shared>> -> memref<10240x8xf32, #tpu.memory_space<vmem_shared>>
        tpu.wait_indirect_dma semaphore(%arg30 : memref<!tpu.dma_semaphore, #tpu.memory_space<semaphore_mem>>) src(%arg20 : memref<128x8xf32, #tpu.memory_space<vmem>>) dst(%dma_wait3A_375 : memref<10240x8xf32, #tpu.memory_space<vmem_shared>>)
      } else {
      }
      %eq3A_152 = arith.constant 0 : i32
      %eq3A_153 = arith.cmpi eq, %arg0, %eq3A_152 : i32
      %convert_element_type3A_154 = arith.extui %eq3A_153 : i1 to i32
      %cond3A_155 = arith.constant 0 : i32
      %cond3A_156 = arith.cmpi ne, %convert_element_type3A_154, %cond3A_155 : i32
      scf.if %cond3A_156 {
        %dma_start3A_369 = arith.constant 3 : i32
        %dma_start3A_370 = arith.constant 0 : i32
        %dma_start3A_371 = tpu.memref_slice %arg16[%dma_start3A_369, %dma_start3A_370] : memref<8x128xi32, #tpu.memory_space<vmem>> -> memref<1x128xi32, #tpu.memory_space<vmem>>
        %dma_start3A_372 = tpu.memref_squeeze %dma_start3A_371 : memref<1x128xi32, #tpu.memory_space<vmem>> -> memref<128xi32, #tpu.memory_space<vmem>>
        %dma_start3A_373 = arith.constant 0 : i32
        %dma_start3A_374 = arith.constant 0 : i32
        %dma_start3A_375 = tpu.memref_slice %arg4[%dma_start3A_373, %dma_start3A_374] : memref<10000x64xf32, #tpu.memory_space<hbm>> -> memref<10000x64xf32, #tpu.memory_space<hbm>>
        tpu.enqueue_indirect_dma source(%dma_start3A_375 : memref<10000x64xf32, #tpu.memory_space<hbm>>) target(%arg19 : memref<128x64xf32, #tpu.memory_space<vmem>>) offsets(%dma_start3A_372 : memref<128xi32, #tpu.memory_space<vmem>>) semaphore(%arg26 : memref<!tpu.dma_semaphore, #tpu.memory_space<semaphore_mem>>)
      } else {
      }
      %eq3A_157 = arith.constant 1 : i32
      %eq3A_158 = arith.cmpi eq, %arg0, %eq3A_157 : i32
      %convert_element_type3A_159 = arith.extui %eq3A_158 : i1 to i32
      %cond3A_160 = arith.constant 0 : i32
      %cond3A_161 = arith.cmpi ne, %convert_element_type3A_159, %cond3A_160 : i32
      scf.if %cond3A_161 {
        %dma_start3A_369 = arith.constant 3 : i32
        %dma_start3A_370 = arith.constant 0 : i32
        %dma_start3A_371 = tpu.memref_slice %arg16[%dma_start3A_369, %dma_start3A_370] : memref<8x128xi32, #tpu.memory_space<vmem>> -> memref<1x128xi32, #tpu.memory_space<vmem>>
        %dma_start3A_372 = tpu.memref_squeeze %dma_start3A_371 : memref<1x128xi32, #tpu.memory_space<vmem>> -> memref<128xi32, #tpu.memory_space<vmem>>
        %dma_start3A_373 = arith.constant 0 : i32
        %dma_start3A_374 = arith.constant 0 : i32
        %dma_start3A_375 = tpu.memref_slice %arg6[%dma_start3A_373, %dma_start3A_374] : memref<10000x64xf32, #tpu.memory_space<hbm>> -> memref<10000x64xf32, #tpu.memory_space<hbm>>
        tpu.enqueue_indirect_dma source(%dma_start3A_375 : memref<10000x64xf32, #tpu.memory_space<hbm>>) target(%arg19 : memref<128x64xf32, #tpu.memory_space<vmem>>) offsets(%dma_start3A_372 : memref<128xi32, #tpu.memory_space<vmem>>) semaphore(%arg26 : memref<!tpu.dma_semaphore, #tpu.memory_space<semaphore_mem>>)
      } else {
      }
      %dma_wait3A_162 = arith.constant 3 : i32
      %dma_wait3A_163 = arith.constant 0 : i32
      %dma_wait3A_164 = tpu.memref_slice %arg16[%dma_wait3A_162, %dma_wait3A_163] : memref<8x128xi32, #tpu.memory_space<vmem>> -> memref<1x128xi32, #tpu.memory_space<vmem>>
      %dma_wait3A_165 = tpu.memref_squeeze %dma_wait3A_164 : memref<1x128xi32, #tpu.memory_space<vmem>> -> memref<128xi32, #tpu.memory_space<vmem>>
      %dma_wait3A_166 = arith.constant 0 : i32
      %dma_wait3A_167 = arith.constant 0 : i32
      %dma_wait3A_168 = tpu.memref_slice %arg4[%dma_wait3A_166, %dma_wait3A_167] : memref<10000x64xf32, #tpu.memory_space<hbm>> -> memref<10000x64xf32, #tpu.memory_space<hbm>>
      tpu.wait_indirect_dma semaphore(%arg26 : memref<!tpu.dma_semaphore, #tpu.memory_space<semaphore_mem>>) src(%dma_wait3A_168 : memref<10000x64xf32, #tpu.memory_space<hbm>>) dst(%arg19 : memref<128x64xf32, #tpu.memory_space<vmem>>)
      %dma_start3A_169 = arith.constant 3 : i32
      %dma_start3A_170 = arith.constant 0 : i32
      %dma_start3A_171 = tpu.memref_slice %arg17[%dma_start3A_169, %dma_start3A_170] : memref<8x128xi32, #tpu.memory_space<vmem>> -> memref<1x128xi32, #tpu.memory_space<vmem>>
      %dma_start3A_172 = tpu.memref_squeeze %dma_start3A_171 : memref<1x128xi32, #tpu.memory_space<vmem>> -> memref<128xi32, #tpu.memory_space<vmem>>
      %dma_start3A_173 = arith.constant 0 : i32
      %dma_start3A_174 = arith.constant 0 : i32
      %dma_start3A_175 = tpu.memref_slice %arg23[%dma_start3A_173, %dma_start3A_174] : memref<10240x64xf32, #tpu.memory_space<vmem_shared>> -> memref<10240x64xf32, #tpu.memory_space<vmem_shared>>
      tpu.enqueue_indirect_dma source(%arg19 : memref<128x64xf32, #tpu.memory_space<vmem>>) target(%dma_start3A_175 : memref<10240x64xf32, #tpu.memory_space<vmem_shared>>) offsets(%dma_start3A_172 : memref<128xi32, #tpu.memory_space<vmem>>) semaphore(%arg28 : memref<!tpu.dma_semaphore, #tpu.memory_space<semaphore_mem>>) {add = true}
      %eq3A_176 = arith.constant 0 : i32
      %eq3A_177 = arith.cmpi eq, %arg0, %eq3A_176 : i32
      %convert_element_type3A_178 = arith.extui %eq3A_177 : i1 to i32
      %cond3A_179 = arith.constant 0 : i32
      %cond3A_180 = arith.cmpi ne, %convert_element_type3A_178, %cond3A_179 : i32
      scf.if %cond3A_180 {
        %dma_start3A_369 = arith.constant 3 : i32
        %dma_start3A_370 = arith.constant 0 : i32
        %dma_start3A_371 = tpu.memref_slice %arg17[%dma_start3A_369, %dma_start3A_370] : memref<8x128xi32, #tpu.memory_space<vmem>> -> memref<1x128xi32, #tpu.memory_space<vmem>>
        %dma_start3A_372 = tpu.memref_squeeze %dma_start3A_371 : memref<1x128xi32, #tpu.memory_space<vmem>> -> memref<128xi32, #tpu.memory_space<vmem>>
        %dma_start3A_373 = arith.constant 0 : i32
        %dma_start3A_374 = arith.constant 0 : i32
        %dma_start3A_375 = tpu.memref_slice %arg24[%dma_start3A_373, %dma_start3A_374] : memref<10240x8xf32, #tpu.memory_space<vmem_shared>> -> memref<10240x8xf32, #tpu.memory_space<vmem_shared>>
        tpu.enqueue_indirect_dma source(%arg20 : memref<128x8xf32, #tpu.memory_space<vmem>>) target(%dma_start3A_375 : memref<10240x8xf32, #tpu.memory_space<vmem_shared>>) offsets(%dma_start3A_372 : memref<128xi32, #tpu.memory_space<vmem>>) semaphore(%arg30 : memref<!tpu.dma_semaphore, #tpu.memory_space<semaphore_mem>>) {add = true}
      } else {
      }
      %dma_wait3A_181 = arith.constant 2 : i32
      %dma_wait3A_182 = arith.constant 0 : i32
      %dma_wait3A_183 = tpu.memref_slice %arg17[%dma_wait3A_181, %dma_wait3A_182] : memref<8x128xi32, #tpu.memory_space<vmem>> -> memref<1x128xi32, #tpu.memory_space<vmem>>
      %dma_wait3A_184 = tpu.memref_squeeze %dma_wait3A_183 : memref<1x128xi32, #tpu.memory_space<vmem>> -> memref<128xi32, #tpu.memory_space<vmem>>
      %dma_wait3A_185 = arith.constant 0 : i32
      %dma_wait3A_186 = arith.constant 0 : i32
      %dma_wait3A_187 = tpu.memref_slice %arg23[%dma_wait3A_185, %dma_wait3A_186] : memref<10240x64xf32, #tpu.memory_space<vmem_shared>> -> memref<10240x64xf32, #tpu.memory_space<vmem_shared>>
      tpu.wait_indirect_dma semaphore(%arg27 : memref<!tpu.dma_semaphore, #tpu.memory_space<semaphore_mem>>) src(%arg18 : memref<128x64xf32, #tpu.memory_space<vmem>>) dst(%dma_wait3A_187 : memref<10240x64xf32, #tpu.memory_space<vmem_shared>>)
      %eq3A_188 = arith.constant 0 : i32
      %eq3A_189 = arith.cmpi eq, %arg0, %eq3A_188 : i32
      %convert_element_type3A_190 = arith.extui %eq3A_189 : i1 to i32
      %cond3A_191 = arith.constant 0 : i32
      %cond3A_192 = arith.cmpi ne, %convert_element_type3A_190, %cond3A_191 : i32
      scf.if %cond3A_192 {
        %dma_wait3A_369 = arith.constant 2 : i32
        %dma_wait3A_370 = arith.constant 0 : i32
        %dma_wait3A_371 = tpu.memref_slice %arg17[%dma_wait3A_369, %dma_wait3A_370] : memref<8x128xi32, #tpu.memory_space<vmem>> -> memref<1x128xi32, #tpu.memory_space<vmem>>
        %dma_wait3A_372 = tpu.memref_squeeze %dma_wait3A_371 : memref<1x128xi32, #tpu.memory_space<vmem>> -> memref<128xi32, #tpu.memory_space<vmem>>
        %dma_wait3A_373 = arith.constant 0 : i32
        %dma_wait3A_374 = arith.constant 0 : i32
        %dma_wait3A_375 = tpu.memref_slice %arg24[%dma_wait3A_373, %dma_wait3A_374] : memref<10240x8xf32, #tpu.memory_space<vmem_shared>> -> memref<10240x8xf32, #tpu.memory_space<vmem_shared>>
        tpu.wait_indirect_dma semaphore(%arg29 : memref<!tpu.dma_semaphore, #tpu.memory_space<semaphore_mem>>) src(%arg20 : memref<128x8xf32, #tpu.memory_space<vmem>>) dst(%dma_wait3A_375 : memref<10240x8xf32, #tpu.memory_space<vmem_shared>>)
      } else {
      }
      %eq3A_193 = arith.constant 0 : i32
      %eq3A_194 = arith.cmpi eq, %arg0, %eq3A_193 : i32
      %convert_element_type3A_195 = arith.extui %eq3A_194 : i1 to i32
      %cond3A_196 = arith.constant 0 : i32
      %cond3A_197 = arith.cmpi ne, %convert_element_type3A_195, %cond3A_196 : i32
      scf.if %cond3A_197 {
        %dma_start3A_369 = arith.constant 4 : i32
        %dma_start3A_370 = arith.constant 0 : i32
        %dma_start3A_371 = tpu.memref_slice %arg16[%dma_start3A_369, %dma_start3A_370] : memref<8x128xi32, #tpu.memory_space<vmem>> -> memref<1x128xi32, #tpu.memory_space<vmem>>
        %dma_start3A_372 = tpu.memref_squeeze %dma_start3A_371 : memref<1x128xi32, #tpu.memory_space<vmem>> -> memref<128xi32, #tpu.memory_space<vmem>>
        %dma_start3A_373 = arith.constant 0 : i32
        %dma_start3A_374 = arith.constant 0 : i32
        %dma_start3A_375 = tpu.memref_slice %arg4[%dma_start3A_373, %dma_start3A_374] : memref<10000x64xf32, #tpu.memory_space<hbm>> -> memref<10000x64xf32, #tpu.memory_space<hbm>>
        tpu.enqueue_indirect_dma source(%dma_start3A_375 : memref<10000x64xf32, #tpu.memory_space<hbm>>) target(%arg18 : memref<128x64xf32, #tpu.memory_space<vmem>>) offsets(%dma_start3A_372 : memref<128xi32, #tpu.memory_space<vmem>>) semaphore(%arg25 : memref<!tpu.dma_semaphore, #tpu.memory_space<semaphore_mem>>)
      } else {
      }
      %eq3A_198 = arith.constant 1 : i32
      %eq3A_199 = arith.cmpi eq, %arg0, %eq3A_198 : i32
      %convert_element_type3A_200 = arith.extui %eq3A_199 : i1 to i32
      %cond3A_201 = arith.constant 0 : i32
      %cond3A_202 = arith.cmpi ne, %convert_element_type3A_200, %cond3A_201 : i32
      scf.if %cond3A_202 {
        %dma_start3A_369 = arith.constant 4 : i32
        %dma_start3A_370 = arith.constant 0 : i32
        %dma_start3A_371 = tpu.memref_slice %arg16[%dma_start3A_369, %dma_start3A_370] : memref<8x128xi32, #tpu.memory_space<vmem>> -> memref<1x128xi32, #tpu.memory_space<vmem>>
        %dma_start3A_372 = tpu.memref_squeeze %dma_start3A_371 : memref<1x128xi32, #tpu.memory_space<vmem>> -> memref<128xi32, #tpu.memory_space<vmem>>
        %dma_start3A_373 = arith.constant 0 : i32
        %dma_start3A_374 = arith.constant 0 : i32
        %dma_start3A_375 = tpu.memref_slice %arg6[%dma_start3A_373, %dma_start3A_374] : memref<10000x64xf32, #tpu.memory_space<hbm>> -> memref<10000x64xf32, #tpu.memory_space<hbm>>
        tpu.enqueue_indirect_dma source(%dma_start3A_375 : memref<10000x64xf32, #tpu.memory_space<hbm>>) target(%arg18 : memref<128x64xf32, #tpu.memory_space<vmem>>) offsets(%dma_start3A_372 : memref<128xi32, #tpu.memory_space<vmem>>) semaphore(%arg25 : memref<!tpu.dma_semaphore, #tpu.memory_space<semaphore_mem>>)
      } else {
      }
      %dma_wait3A_203 = arith.constant 4 : i32
      %dma_wait3A_204 = arith.constant 0 : i32
      %dma_wait3A_205 = tpu.memref_slice %arg16[%dma_wait3A_203, %dma_wait3A_204] : memref<8x128xi32, #tpu.memory_space<vmem>> -> memref<1x128xi32, #tpu.memory_space<vmem>>
      %dma_wait3A_206 = tpu.memref_squeeze %dma_wait3A_205 : memref<1x128xi32, #tpu.memory_space<vmem>> -> memref<128xi32, #tpu.memory_space<vmem>>
      %dma_wait3A_207 = arith.constant 0 : i32
      %dma_wait3A_208 = arith.constant 0 : i32
      %dma_wait3A_209 = tpu.memref_slice %arg4[%dma_wait3A_207, %dma_wait3A_208] : memref<10000x64xf32, #tpu.memory_space<hbm>> -> memref<10000x64xf32, #tpu.memory_space<hbm>>
      tpu.wait_indirect_dma semaphore(%arg25 : memref<!tpu.dma_semaphore, #tpu.memory_space<semaphore_mem>>) src(%dma_wait3A_209 : memref<10000x64xf32, #tpu.memory_space<hbm>>) dst(%arg18 : memref<128x64xf32, #tpu.memory_space<vmem>>)
      %dma_start3A_210 = arith.constant 4 : i32
      %dma_start3A_211 = arith.constant 0 : i32
      %dma_start3A_212 = tpu.memref_slice %arg17[%dma_start3A_210, %dma_start3A_211] : memref<8x128xi32, #tpu.memory_space<vmem>> -> memref<1x128xi32, #tpu.memory_space<vmem>>
      %dma_start3A_213 = tpu.memref_squeeze %dma_start3A_212 : memref<1x128xi32, #tpu.memory_space<vmem>> -> memref<128xi32, #tpu.memory_space<vmem>>
      %dma_start3A_214 = arith.constant 0 : i32
      %dma_start3A_215 = arith.constant 0 : i32
      %dma_start3A_216 = tpu.memref_slice %arg23[%dma_start3A_214, %dma_start3A_215] : memref<10240x64xf32, #tpu.memory_space<vmem_shared>> -> memref<10240x64xf32, #tpu.memory_space<vmem_shared>>
      tpu.enqueue_indirect_dma source(%arg18 : memref<128x64xf32, #tpu.memory_space<vmem>>) target(%dma_start3A_216 : memref<10240x64xf32, #tpu.memory_space<vmem_shared>>) offsets(%dma_start3A_213 : memref<128xi32, #tpu.memory_space<vmem>>) semaphore(%arg27 : memref<!tpu.dma_semaphore, #tpu.memory_space<semaphore_mem>>) {add = true}
      %eq3A_217 = arith.constant 0 : i32
      %eq3A_218 = arith.cmpi eq, %arg0, %eq3A_217 : i32
      %convert_element_type3A_219 = arith.extui %eq3A_218 : i1 to i32
      %cond3A_220 = arith.constant 0 : i32
      %cond3A_221 = arith.cmpi ne, %convert_element_type3A_219, %cond3A_220 : i32
      scf.if %cond3A_221 {
        %dma_start3A_369 = arith.constant 4 : i32
        %dma_start3A_370 = arith.constant 0 : i32
        %dma_start3A_371 = tpu.memref_slice %arg17[%dma_start3A_369, %dma_start3A_370] : memref<8x128xi32, #tpu.memory_space<vmem>> -> memref<1x128xi32, #tpu.memory_space<vmem>>
        %dma_start3A_372 = tpu.memref_squeeze %dma_start3A_371 : memref<1x128xi32, #tpu.memory_space<vmem>> -> memref<128xi32, #tpu.memory_space<vmem>>
        %dma_start3A_373 = arith.constant 0 : i32
        %dma_start3A_374 = arith.constant 0 : i32
        %dma_start3A_375 = tpu.memref_slice %arg24[%dma_start3A_373, %dma_start3A_374] : memref<10240x8xf32, #tpu.memory_space<vmem_shared>> -> memref<10240x8xf32, #tpu.memory_space<vmem_shared>>
        tpu.enqueue_indirect_dma source(%arg20 : memref<128x8xf32, #tpu.memory_space<vmem>>) target(%dma_start3A_375 : memref<10240x8xf32, #tpu.memory_space<vmem_shared>>) offsets(%dma_start3A_372 : memref<128xi32, #tpu.memory_space<vmem>>) semaphore(%arg29 : memref<!tpu.dma_semaphore, #tpu.memory_space<semaphore_mem>>) {add = true}
      } else {
      }
      %dma_wait3A_222 = arith.constant 3 : i32
      %dma_wait3A_223 = arith.constant 0 : i32
      %dma_wait3A_224 = tpu.memref_slice %arg17[%dma_wait3A_222, %dma_wait3A_223] : memref<8x128xi32, #tpu.memory_space<vmem>> -> memref<1x128xi32, #tpu.memory_space<vmem>>
      %dma_wait3A_225 = tpu.memref_squeeze %dma_wait3A_224 : memref<1x128xi32, #tpu.memory_space<vmem>> -> memref<128xi32, #tpu.memory_space<vmem>>
      %dma_wait3A_226 = arith.constant 0 : i32
      %dma_wait3A_227 = arith.constant 0 : i32
      %dma_wait3A_228 = tpu.memref_slice %arg23[%dma_wait3A_226, %dma_wait3A_227] : memref<10240x64xf32, #tpu.memory_space<vmem_shared>> -> memref<10240x64xf32, #tpu.memory_space<vmem_shared>>
      tpu.wait_indirect_dma semaphore(%arg28 : memref<!tpu.dma_semaphore, #tpu.memory_space<semaphore_mem>>) src(%arg19 : memref<128x64xf32, #tpu.memory_space<vmem>>) dst(%dma_wait3A_228 : memref<10240x64xf32, #tpu.memory_space<vmem_shared>>)
      %eq3A_229 = arith.constant 0 : i32
      %eq3A_230 = arith.cmpi eq, %arg0, %eq3A_229 : i32
      %convert_element_type3A_231 = arith.extui %eq3A_230 : i1 to i32
      %cond3A_232 = arith.constant 0 : i32
      %cond3A_233 = arith.cmpi ne, %convert_element_type3A_231, %cond3A_232 : i32
      scf.if %cond3A_233 {
        %dma_wait3A_369 = arith.constant 3 : i32
        %dma_wait3A_370 = arith.constant 0 : i32
        %dma_wait3A_371 = tpu.memref_slice %arg17[%dma_wait3A_369, %dma_wait3A_370] : memref<8x128xi32, #tpu.memory_space<vmem>> -> memref<1x128xi32, #tpu.memory_space<vmem>>
        %dma_wait3A_372 = tpu.memref_squeeze %dma_wait3A_371 : memref<1x128xi32, #tpu.memory_space<vmem>> -> memref<128xi32, #tpu.memory_space<vmem>>
        %dma_wait3A_373 = arith.constant 0 : i32
        %dma_wait3A_374 = arith.constant 0 : i32
        %dma_wait3A_375 = tpu.memref_slice %arg24[%dma_wait3A_373, %dma_wait3A_374] : memref<10240x8xf32, #tpu.memory_space<vmem_shared>> -> memref<10240x8xf32, #tpu.memory_space<vmem_shared>>
        tpu.wait_indirect_dma semaphore(%arg30 : memref<!tpu.dma_semaphore, #tpu.memory_space<semaphore_mem>>) src(%arg20 : memref<128x8xf32, #tpu.memory_space<vmem>>) dst(%dma_wait3A_375 : memref<10240x8xf32, #tpu.memory_space<vmem_shared>>)
      } else {
      }
      %eq3A_234 = arith.constant 0 : i32
      %eq3A_235 = arith.cmpi eq, %arg0, %eq3A_234 : i32
      %convert_element_type3A_236 = arith.extui %eq3A_235 : i1 to i32
      %cond3A_237 = arith.constant 0 : i32
      %cond3A_238 = arith.cmpi ne, %convert_element_type3A_236, %cond3A_237 : i32
      scf.if %cond3A_238 {
        %dma_start3A_369 = arith.constant 5 : i32
        %dma_start3A_370 = arith.constant 0 : i32
        %dma_start3A_371 = tpu.memref_slice %arg16[%dma_start3A_369, %dma_start3A_370] : memref<8x128xi32, #tpu.memory_space<vmem>> -> memref<1x128xi32, #tpu.memory_space<vmem>>
        %dma_start3A_372 = tpu.memref_squeeze %dma_start3A_371 : memref<1x128xi32, #tpu.memory_space<vmem>> -> memref<128xi32, #tpu.memory_space<vmem>>
        %dma_start3A_373 = arith.constant 0 : i32
        %dma_start3A_374 = arith.constant 0 : i32
        %dma_start3A_375 = tpu.memref_slice %arg4[%dma_start3A_373, %dma_start3A_374] : memref<10000x64xf32, #tpu.memory_space<hbm>> -> memref<10000x64xf32, #tpu.memory_space<hbm>>
        tpu.enqueue_indirect_dma source(%dma_start3A_375 : memref<10000x64xf32, #tpu.memory_space<hbm>>) target(%arg19 : memref<128x64xf32, #tpu.memory_space<vmem>>) offsets(%dma_start3A_372 : memref<128xi32, #tpu.memory_space<vmem>>) semaphore(%arg26 : memref<!tpu.dma_semaphore, #tpu.memory_space<semaphore_mem>>)
      } else {
      }
      %eq3A_239 = arith.constant 1 : i32
      %eq3A_240 = arith.cmpi eq, %arg0, %eq3A_239 : i32
      %convert_element_type3A_241 = arith.extui %eq3A_240 : i1 to i32
      %cond3A_242 = arith.constant 0 : i32
      %cond3A_243 = arith.cmpi ne, %convert_element_type3A_241, %cond3A_242 : i32
      scf.if %cond3A_243 {
        %dma_start3A_369 = arith.constant 5 : i32
        %dma_start3A_370 = arith.constant 0 : i32
        %dma_start3A_371 = tpu.memref_slice %arg16[%dma_start3A_369, %dma_start3A_370] : memref<8x128xi32, #tpu.memory_space<vmem>> -> memref<1x128xi32, #tpu.memory_space<vmem>>
        %dma_start3A_372 = tpu.memref_squeeze %dma_start3A_371 : memref<1x128xi32, #tpu.memory_space<vmem>> -> memref<128xi32, #tpu.memory_space<vmem>>
        %dma_start3A_373 = arith.constant 0 : i32
        %dma_start3A_374 = arith.constant 0 : i32
        %dma_start3A_375 = tpu.memref_slice %arg6[%dma_start3A_373, %dma_start3A_374] : memref<10000x64xf32, #tpu.memory_space<hbm>> -> memref<10000x64xf32, #tpu.memory_space<hbm>>
        tpu.enqueue_indirect_dma source(%dma_start3A_375 : memref<10000x64xf32, #tpu.memory_space<hbm>>) target(%arg19 : memref<128x64xf32, #tpu.memory_space<vmem>>) offsets(%dma_start3A_372 : memref<128xi32, #tpu.memory_space<vmem>>) semaphore(%arg26 : memref<!tpu.dma_semaphore, #tpu.memory_space<semaphore_mem>>)
      } else {
      }
      %dma_wait3A_244 = arith.constant 5 : i32
      %dma_wait3A_245 = arith.constant 0 : i32
      %dma_wait3A_246 = tpu.memref_slice %arg16[%dma_wait3A_244, %dma_wait3A_245] : memref<8x128xi32, #tpu.memory_space<vmem>> -> memref<1x128xi32, #tpu.memory_space<vmem>>
      %dma_wait3A_247 = tpu.memref_squeeze %dma_wait3A_246 : memref<1x128xi32, #tpu.memory_space<vmem>> -> memref<128xi32, #tpu.memory_space<vmem>>
      %dma_wait3A_248 = arith.constant 0 : i32
      %dma_wait3A_249 = arith.constant 0 : i32
      %dma_wait3A_250 = tpu.memref_slice %arg4[%dma_wait3A_248, %dma_wait3A_249] : memref<10000x64xf32, #tpu.memory_space<hbm>> -> memref<10000x64xf32, #tpu.memory_space<hbm>>
      tpu.wait_indirect_dma semaphore(%arg26 : memref<!tpu.dma_semaphore, #tpu.memory_space<semaphore_mem>>) src(%dma_wait3A_250 : memref<10000x64xf32, #tpu.memory_space<hbm>>) dst(%arg19 : memref<128x64xf32, #tpu.memory_space<vmem>>)
      %dma_start3A_251 = arith.constant 5 : i32
      %dma_start3A_252 = arith.constant 0 : i32
      %dma_start3A_253 = tpu.memref_slice %arg17[%dma_start3A_251, %dma_start3A_252] : memref<8x128xi32, #tpu.memory_space<vmem>> -> memref<1x128xi32, #tpu.memory_space<vmem>>
      %dma_start3A_254 = tpu.memref_squeeze %dma_start3A_253 : memref<1x128xi32, #tpu.memory_space<vmem>> -> memref<128xi32, #tpu.memory_space<vmem>>
      %dma_start3A_255 = arith.constant 0 : i32
      %dma_start3A_256 = arith.constant 0 : i32
      %dma_start3A_257 = tpu.memref_slice %arg23[%dma_start3A_255, %dma_start3A_256] : memref<10240x64xf32, #tpu.memory_space<vmem_shared>> -> memref<10240x64xf32, #tpu.memory_space<vmem_shared>>
      tpu.enqueue_indirect_dma source(%arg19 : memref<128x64xf32, #tpu.memory_space<vmem>>) target(%dma_start3A_257 : memref<10240x64xf32, #tpu.memory_space<vmem_shared>>) offsets(%dma_start3A_254 : memref<128xi32, #tpu.memory_space<vmem>>) semaphore(%arg28 : memref<!tpu.dma_semaphore, #tpu.memory_space<semaphore_mem>>) {add = true}
      %eq3A_258 = arith.constant 0 : i32
      %eq3A_259 = arith.cmpi eq, %arg0, %eq3A_258 : i32
      %convert_element_type3A_260 = arith.extui %eq3A_259 : i1 to i32
      %cond3A_261 = arith.constant 0 : i32
      %cond3A_262 = arith.cmpi ne, %convert_element_type3A_260, %cond3A_261 : i32
      scf.if %cond3A_262 {
        %dma_start3A_369 = arith.constant 5 : i32
        %dma_start3A_370 = arith.constant 0 : i32
        %dma_start3A_371 = tpu.memref_slice %arg17[%dma_start3A_369, %dma_start3A_370] : memref<8x128xi32, #tpu.memory_space<vmem>> -> memref<1x128xi32, #tpu.memory_space<vmem>>
        %dma_start3A_372 = tpu.memref_squeeze %dma_start3A_371 : memref<1x128xi32, #tpu.memory_space<vmem>> -> memref<128xi32, #tpu.memory_space<vmem>>
        %dma_start3A_373 = arith.constant 0 : i32
        %dma_start3A_374 = arith.constant 0 : i32
        %dma_start3A_375 = tpu.memref_slice %arg24[%dma_start3A_373, %dma_start3A_374] : memref<10240x8xf32, #tpu.memory_space<vmem_shared>> -> memref<10240x8xf32, #tpu.memory_space<vmem_shared>>
        tpu.enqueue_indirect_dma source(%arg20 : memref<128x8xf32, #tpu.memory_space<vmem>>) target(%dma_start3A_375 : memref<10240x8xf32, #tpu.memory_space<vmem_shared>>) offsets(%dma_start3A_372 : memref<128xi32, #tpu.memory_space<vmem>>) semaphore(%arg30 : memref<!tpu.dma_semaphore, #tpu.memory_space<semaphore_mem>>) {add = true}
      } else {
      }
      %dma_wait3A_263 = arith.constant 4 : i32
      %dma_wait3A_264 = arith.constant 0 : i32
      %dma_wait3A_265 = tpu.memref_slice %arg17[%dma_wait3A_263, %dma_wait3A_264] : memref<8x128xi32, #tpu.memory_space<vmem>> -> memref<1x128xi32, #tpu.memory_space<vmem>>
      %dma_wait3A_266 = tpu.memref_squeeze %dma_wait3A_265 : memref<1x128xi32, #tpu.memory_space<vmem>> -> memref<128xi32, #tpu.memory_space<vmem>>
      %dma_wait3A_267 = arith.constant 0 : i32
      %dma_wait3A_268 = arith.constant 0 : i32
      %dma_wait3A_269 = tpu.memref_slice %arg23[%dma_wait3A_267, %dma_wait3A_268] : memref<10240x64xf32, #tpu.memory_space<vmem_shared>> -> memref<10240x64xf32, #tpu.memory_space<vmem_shared>>
      tpu.wait_indirect_dma semaphore(%arg27 : memref<!tpu.dma_semaphore, #tpu.memory_space<semaphore_mem>>) src(%arg18 : memref<128x64xf32, #tpu.memory_space<vmem>>) dst(%dma_wait3A_269 : memref<10240x64xf32, #tpu.memory_space<vmem_shared>>)
      %eq3A_270 = arith.constant 0 : i32
      %eq3A_271 = arith.cmpi eq, %arg0, %eq3A_270 : i32
      %convert_element_type3A_272 = arith.extui %eq3A_271 : i1 to i32
      %cond3A_273 = arith.constant 0 : i32
      %cond3A_274 = arith.cmpi ne, %convert_element_type3A_272, %cond3A_273 : i32
      scf.if %cond3A_274 {
        %dma_wait3A_369 = arith.constant 4 : i32
        %dma_wait3A_370 = arith.constant 0 : i32
        %dma_wait3A_371 = tpu.memref_slice %arg17[%dma_wait3A_369, %dma_wait3A_370] : memref<8x128xi32, #tpu.memory_space<vmem>> -> memref<1x128xi32, #tpu.memory_space<vmem>>
        %dma_wait3A_372 = tpu.memref_squeeze %dma_wait3A_371 : memref<1x128xi32, #tpu.memory_space<vmem>> -> memref<128xi32, #tpu.memory_space<vmem>>
        %dma_wait3A_373 = arith.constant 0 : i32
        %dma_wait3A_374 = arith.constant 0 : i32
        %dma_wait3A_375 = tpu.memref_slice %arg24[%dma_wait3A_373, %dma_wait3A_374] : memref<10240x8xf32, #tpu.memory_space<vmem_shared>> -> memref<10240x8xf32, #tpu.memory_space<vmem_shared>>
        tpu.wait_indirect_dma semaphore(%arg29 : memref<!tpu.dma_semaphore, #tpu.memory_space<semaphore_mem>>) src(%arg20 : memref<128x8xf32, #tpu.memory_space<vmem>>) dst(%dma_wait3A_375 : memref<10240x8xf32, #tpu.memory_space<vmem_shared>>)
      } else {
      }
      %eq3A_275 = arith.constant 0 : i32
      %eq3A_276 = arith.cmpi eq, %arg0, %eq3A_275 : i32
      %convert_element_type3A_277 = arith.extui %eq3A_276 : i1 to i32
      %cond3A_278 = arith.constant 0 : i32
      %cond3A_279 = arith.cmpi ne, %convert_element_type3A_277, %cond3A_278 : i32
      scf.if %cond3A_279 {
        %dma_start3A_369 = arith.constant 6 : i32
        %dma_start3A_370 = arith.constant 0 : i32
        %dma_start3A_371 = tpu.memref_slice %arg16[%dma_start3A_369, %dma_start3A_370] : memref<8x128xi32, #tpu.memory_space<vmem>> -> memref<1x128xi32, #tpu.memory_space<vmem>>
        %dma_start3A_372 = tpu.memref_squeeze %dma_start3A_371 : memref<1x128xi32, #tpu.memory_space<vmem>> -> memref<128xi32, #tpu.memory_space<vmem>>
        %dma_start3A_373 = arith.constant 0 : i32
        %dma_start3A_374 = arith.constant 0 : i32
        %dma_start3A_375 = tpu.memref_slice %arg4[%dma_start3A_373, %dma_start3A_374] : memref<10000x64xf32, #tpu.memory_space<hbm>> -> memref<10000x64xf32, #tpu.memory_space<hbm>>
        tpu.enqueue_indirect_dma source(%dma_start3A_375 : memref<10000x64xf32, #tpu.memory_space<hbm>>) target(%arg18 : memref<128x64xf32, #tpu.memory_space<vmem>>) offsets(%dma_start3A_372 : memref<128xi32, #tpu.memory_space<vmem>>) semaphore(%arg25 : memref<!tpu.dma_semaphore, #tpu.memory_space<semaphore_mem>>)
      } else {
      }
      %eq3A_280 = arith.constant 1 : i32
      %eq3A_281 = arith.cmpi eq, %arg0, %eq3A_280 : i32
      %convert_element_type3A_282 = arith.extui %eq3A_281 : i1 to i32
      %cond3A_283 = arith.constant 0 : i32
      %cond3A_284 = arith.cmpi ne, %convert_element_type3A_282, %cond3A_283 : i32
      scf.if %cond3A_284 {
        %dma_start3A_369 = arith.constant 6 : i32
        %dma_start3A_370 = arith.constant 0 : i32
        %dma_start3A_371 = tpu.memref_slice %arg16[%dma_start3A_369, %dma_start3A_370] : memref<8x128xi32, #tpu.memory_space<vmem>> -> memref<1x128xi32, #tpu.memory_space<vmem>>
        %dma_start3A_372 = tpu.memref_squeeze %dma_start3A_371 : memref<1x128xi32, #tpu.memory_space<vmem>> -> memref<128xi32, #tpu.memory_space<vmem>>
        %dma_start3A_373 = arith.constant 0 : i32
        %dma_start3A_374 = arith.constant 0 : i32
        %dma_start3A_375 = tpu.memref_slice %arg6[%dma_start3A_373, %dma_start3A_374] : memref<10000x64xf32, #tpu.memory_space<hbm>> -> memref<10000x64xf32, #tpu.memory_space<hbm>>
        tpu.enqueue_indirect_dma source(%dma_start3A_375 : memref<10000x64xf32, #tpu.memory_space<hbm>>) target(%arg18 : memref<128x64xf32, #tpu.memory_space<vmem>>) offsets(%dma_start3A_372 : memref<128xi32, #tpu.memory_space<vmem>>) semaphore(%arg25 : memref<!tpu.dma_semaphore, #tpu.memory_space<semaphore_mem>>)
      } else {
      }
      %dma_wait3A_285 = arith.constant 6 : i32
      %dma_wait3A_286 = arith.constant 0 : i32
      %dma_wait3A_287 = tpu.memref_slice %arg16[%dma_wait3A_285, %dma_wait3A_286] : memref<8x128xi32, #tpu.memory_space<vmem>> -> memref<1x128xi32, #tpu.memory_space<vmem>>
      %dma_wait3A_288 = tpu.memref_squeeze %dma_wait3A_287 : memref<1x128xi32, #tpu.memory_space<vmem>> -> memref<128xi32, #tpu.memory_space<vmem>>
      %dma_wait3A_289 = arith.constant 0 : i32
      %dma_wait3A_290 = arith.constant 0 : i32
      %dma_wait3A_291 = tpu.memref_slice %arg4[%dma_wait3A_289, %dma_wait3A_290] : memref<10000x64xf32, #tpu.memory_space<hbm>> -> memref<10000x64xf32, #tpu.memory_space<hbm>>
      tpu.wait_indirect_dma semaphore(%arg25 : memref<!tpu.dma_semaphore, #tpu.memory_space<semaphore_mem>>) src(%dma_wait3A_291 : memref<10000x64xf32, #tpu.memory_space<hbm>>) dst(%arg18 : memref<128x64xf32, #tpu.memory_space<vmem>>)
      %dma_start3A_292 = arith.constant 6 : i32
      %dma_start3A_293 = arith.constant 0 : i32
      %dma_start3A_294 = tpu.memref_slice %arg17[%dma_start3A_292, %dma_start3A_293] : memref<8x128xi32, #tpu.memory_space<vmem>> -> memref<1x128xi32, #tpu.memory_space<vmem>>
      %dma_start3A_295 = tpu.memref_squeeze %dma_start3A_294 : memref<1x128xi32, #tpu.memory_space<vmem>> -> memref<128xi32, #tpu.memory_space<vmem>>
      %dma_start3A_296 = arith.constant 0 : i32
      %dma_start3A_297 = arith.constant 0 : i32
      %dma_start3A_298 = tpu.memref_slice %arg23[%dma_start3A_296, %dma_start3A_297] : memref<10240x64xf32, #tpu.memory_space<vmem_shared>> -> memref<10240x64xf32, #tpu.memory_space<vmem_shared>>
      tpu.enqueue_indirect_dma source(%arg18 : memref<128x64xf32, #tpu.memory_space<vmem>>) target(%dma_start3A_298 : memref<10240x64xf32, #tpu.memory_space<vmem_shared>>) offsets(%dma_start3A_295 : memref<128xi32, #tpu.memory_space<vmem>>) semaphore(%arg27 : memref<!tpu.dma_semaphore, #tpu.memory_space<semaphore_mem>>) {add = true}
      %eq3A_299 = arith.constant 0 : i32
      %eq3A_300 = arith.cmpi eq, %arg0, %eq3A_299 : i32
      %convert_element_type3A_301 = arith.extui %eq3A_300 : i1 to i32
      %cond3A_302 = arith.constant 0 : i32
      %cond3A_303 = arith.cmpi ne, %convert_element_type3A_301, %cond3A_302 : i32
      scf.if %cond3A_303 {
        %dma_start3A_369 = arith.constant 6 : i32
        %dma_start3A_370 = arith.constant 0 : i32
        %dma_start3A_371 = tpu.memref_slice %arg17[%dma_start3A_369, %dma_start3A_370] : memref<8x128xi32, #tpu.memory_space<vmem>> -> memref<1x128xi32, #tpu.memory_space<vmem>>
        %dma_start3A_372 = tpu.memref_squeeze %dma_start3A_371 : memref<1x128xi32, #tpu.memory_space<vmem>> -> memref<128xi32, #tpu.memory_space<vmem>>
        %dma_start3A_373 = arith.constant 0 : i32
        %dma_start3A_374 = arith.constant 0 : i32
        %dma_start3A_375 = tpu.memref_slice %arg24[%dma_start3A_373, %dma_start3A_374] : memref<10240x8xf32, #tpu.memory_space<vmem_shared>> -> memref<10240x8xf32, #tpu.memory_space<vmem_shared>>
        tpu.enqueue_indirect_dma source(%arg20 : memref<128x8xf32, #tpu.memory_space<vmem>>) target(%dma_start3A_375 : memref<10240x8xf32, #tpu.memory_space<vmem_shared>>) offsets(%dma_start3A_372 : memref<128xi32, #tpu.memory_space<vmem>>) semaphore(%arg29 : memref<!tpu.dma_semaphore, #tpu.memory_space<semaphore_mem>>) {add = true}
      } else {
      }
      %dma_wait3A_304 = arith.constant 5 : i32
      %dma_wait3A_305 = arith.constant 0 : i32
      %dma_wait3A_306 = tpu.memref_slice %arg17[%dma_wait3A_304, %dma_wait3A_305] : memref<8x128xi32, #tpu.memory_space<vmem>> -> memref<1x128xi32, #tpu.memory_space<vmem>>
      %dma_wait3A_307 = tpu.memref_squeeze %dma_wait3A_306 : memref<1x128xi32, #tpu.memory_space<vmem>> -> memref<128xi32, #tpu.memory_space<vmem>>
      %dma_wait3A_308 = arith.constant 0 : i32
      %dma_wait3A_309 = arith.constant 0 : i32
      %dma_wait3A_310 = tpu.memref_slice %arg23[%dma_wait3A_308, %dma_wait3A_309] : memref<10240x64xf32, #tpu.memory_space<vmem_shared>> -> memref<10240x64xf32, #tpu.memory_space<vmem_shared>>
      tpu.wait_indirect_dma semaphore(%arg28 : memref<!tpu.dma_semaphore, #tpu.memory_space<semaphore_mem>>) src(%arg19 : memref<128x64xf32, #tpu.memory_space<vmem>>) dst(%dma_wait3A_310 : memref<10240x64xf32, #tpu.memory_space<vmem_shared>>)
      %eq3A_311 = arith.constant 0 : i32
      %eq3A_312 = arith.cmpi eq, %arg0, %eq3A_311 : i32
      %convert_element_type3A_313 = arith.extui %eq3A_312 : i1 to i32
      %cond3A_314 = arith.constant 0 : i32
      %cond3A_315 = arith.cmpi ne, %convert_element_type3A_313, %cond3A_314 : i32
      scf.if %cond3A_315 {
        %dma_wait3A_369 = arith.constant 5 : i32
        %dma_wait3A_370 = arith.constant 0 : i32
        %dma_wait3A_371 = tpu.memref_slice %arg17[%dma_wait3A_369, %dma_wait3A_370] : memref<8x128xi32, #tpu.memory_space<vmem>> -> memref<1x128xi32, #tpu.memory_space<vmem>>
        %dma_wait3A_372 = tpu.memref_squeeze %dma_wait3A_371 : memref<1x128xi32, #tpu.memory_space<vmem>> -> memref<128xi32, #tpu.memory_space<vmem>>
        %dma_wait3A_373 = arith.constant 0 : i32
        %dma_wait3A_374 = arith.constant 0 : i32
        %dma_wait3A_375 = tpu.memref_slice %arg24[%dma_wait3A_373, %dma_wait3A_374] : memref<10240x8xf32, #tpu.memory_space<vmem_shared>> -> memref<10240x8xf32, #tpu.memory_space<vmem_shared>>
        tpu.wait_indirect_dma semaphore(%arg30 : memref<!tpu.dma_semaphore, #tpu.memory_space<semaphore_mem>>) src(%arg20 : memref<128x8xf32, #tpu.memory_space<vmem>>) dst(%dma_wait3A_375 : memref<10240x8xf32, #tpu.memory_space<vmem_shared>>)
      } else {
      }
      %eq3A_316 = arith.constant 0 : i32
      %eq3A_317 = arith.cmpi eq, %arg0, %eq3A_316 : i32
      %convert_element_type3A_318 = arith.extui %eq3A_317 : i1 to i32
      %cond3A_319 = arith.constant 0 : i32
      %cond3A_320 = arith.cmpi ne, %convert_element_type3A_318, %cond3A_319 : i32
      scf.if %cond3A_320 {
        %dma_start3A_369 = arith.constant 7 : i32
        %dma_start3A_370 = arith.constant 0 : i32
        %dma_start3A_371 = tpu.memref_slice %arg16[%dma_start3A_369, %dma_start3A_370] : memref<8x128xi32, #tpu.memory_space<vmem>> -> memref<1x128xi32, #tpu.memory_space<vmem>>
        %dma_start3A_372 = tpu.memref_squeeze %dma_start3A_371 : memref<1x128xi32, #tpu.memory_space<vmem>> -> memref<128xi32, #tpu.memory_space<vmem>>
        %dma_start3A_373 = arith.constant 0 : i32
        %dma_start3A_374 = arith.constant 0 : i32
        %dma_start3A_375 = tpu.memref_slice %arg4[%dma_start3A_373, %dma_start3A_374] : memref<10000x64xf32, #tpu.memory_space<hbm>> -> memref<10000x64xf32, #tpu.memory_space<hbm>>
        tpu.enqueue_indirect_dma source(%dma_start3A_375 : memref<10000x64xf32, #tpu.memory_space<hbm>>) target(%arg19 : memref<128x64xf32, #tpu.memory_space<vmem>>) offsets(%dma_start3A_372 : memref<128xi32, #tpu.memory_space<vmem>>) semaphore(%arg26 : memref<!tpu.dma_semaphore, #tpu.memory_space<semaphore_mem>>)
      } else {
      }
      %eq3A_321 = arith.constant 1 : i32
      %eq3A_322 = arith.cmpi eq, %arg0, %eq3A_321 : i32
      %convert_element_type3A_323 = arith.extui %eq3A_322 : i1 to i32
      %cond3A_324 = arith.constant 0 : i32
      %cond3A_325 = arith.cmpi ne, %convert_element_type3A_323, %cond3A_324 : i32
      scf.if %cond3A_325 {
        %dma_start3A_369 = arith.constant 7 : i32
        %dma_start3A_370 = arith.constant 0 : i32
        %dma_start3A_371 = tpu.memref_slice %arg16[%dma_start3A_369, %dma_start3A_370] : memref<8x128xi32, #tpu.memory_space<vmem>> -> memref<1x128xi32, #tpu.memory_space<vmem>>
        %dma_start3A_372 = tpu.memref_squeeze %dma_start3A_371 : memref<1x128xi32, #tpu.memory_space<vmem>> -> memref<128xi32, #tpu.memory_space<vmem>>
        %dma_start3A_373 = arith.constant 0 : i32
        %dma_start3A_374 = arith.constant 0 : i32
        %dma_start3A_375 = tpu.memref_slice %arg6[%dma_start3A_373, %dma_start3A_374] : memref<10000x64xf32, #tpu.memory_space<hbm>> -> memref<10000x64xf32, #tpu.memory_space<hbm>>
        tpu.enqueue_indirect_dma source(%dma_start3A_375 : memref<10000x64xf32, #tpu.memory_space<hbm>>) target(%arg19 : memref<128x64xf32, #tpu.memory_space<vmem>>) offsets(%dma_start3A_372 : memref<128xi32, #tpu.memory_space<vmem>>) semaphore(%arg26 : memref<!tpu.dma_semaphore, #tpu.memory_space<semaphore_mem>>)
      } else {
      }
      %dma_wait3A_326 = arith.constant 7 : i32
      %dma_wait3A_327 = arith.constant 0 : i32
      %dma_wait3A_328 = tpu.memref_slice %arg16[%dma_wait3A_326, %dma_wait3A_327] : memref<8x128xi32, #tpu.memory_space<vmem>> -> memref<1x128xi32, #tpu.memory_space<vmem>>
      %dma_wait3A_329 = tpu.memref_squeeze %dma_wait3A_328 : memref<1x128xi32, #tpu.memory_space<vmem>> -> memref<128xi32, #tpu.memory_space<vmem>>
      %dma_wait3A_330 = arith.constant 0 : i32
      %dma_wait3A_331 = arith.constant 0 : i32
      %dma_wait3A_332 = tpu.memref_slice %arg4[%dma_wait3A_330, %dma_wait3A_331] : memref<10000x64xf32, #tpu.memory_space<hbm>> -> memref<10000x64xf32, #tpu.memory_space<hbm>>
      tpu.wait_indirect_dma semaphore(%arg26 : memref<!tpu.dma_semaphore, #tpu.memory_space<semaphore_mem>>) src(%dma_wait3A_332 : memref<10000x64xf32, #tpu.memory_space<hbm>>) dst(%arg19 : memref<128x64xf32, #tpu.memory_space<vmem>>)
      %dma_start3A_333 = arith.constant 7 : i32
      %dma_start3A_334 = arith.constant 0 : i32
      %dma_start3A_335 = tpu.memref_slice %arg17[%dma_start3A_333, %dma_start3A_334] : memref<8x128xi32, #tpu.memory_space<vmem>> -> memref<1x128xi32, #tpu.memory_space<vmem>>
      %dma_start3A_336 = tpu.memref_squeeze %dma_start3A_335 : memref<1x128xi32, #tpu.memory_space<vmem>> -> memref<128xi32, #tpu.memory_space<vmem>>
      %dma_start3A_337 = arith.constant 0 : i32
      %dma_start3A_338 = arith.constant 0 : i32
      %dma_start3A_339 = tpu.memref_slice %arg23[%dma_start3A_337, %dma_start3A_338] : memref<10240x64xf32, #tpu.memory_space<vmem_shared>> -> memref<10240x64xf32, #tpu.memory_space<vmem_shared>>
      tpu.enqueue_indirect_dma source(%arg19 : memref<128x64xf32, #tpu.memory_space<vmem>>) target(%dma_start3A_339 : memref<10240x64xf32, #tpu.memory_space<vmem_shared>>) offsets(%dma_start3A_336 : memref<128xi32, #tpu.memory_space<vmem>>) semaphore(%arg28 : memref<!tpu.dma_semaphore, #tpu.memory_space<semaphore_mem>>) {add = true}
      %eq3A_340 = arith.constant 0 : i32
      %eq3A_341 = arith.cmpi eq, %arg0, %eq3A_340 : i32
      %convert_element_type3A_342 = arith.extui %eq3A_341 : i1 to i32
      %cond3A_343 = arith.constant 0 : i32
      %cond3A_344 = arith.cmpi ne, %convert_element_type3A_342, %cond3A_343 : i32
      scf.if %cond3A_344 {
        %dma_start3A_369 = arith.constant 7 : i32
        %dma_start3A_370 = arith.constant 0 : i32
        %dma_start3A_371 = tpu.memref_slice %arg17[%dma_start3A_369, %dma_start3A_370] : memref<8x128xi32, #tpu.memory_space<vmem>> -> memref<1x128xi32, #tpu.memory_space<vmem>>
        %dma_start3A_372 = tpu.memref_squeeze %dma_start3A_371 : memref<1x128xi32, #tpu.memory_space<vmem>> -> memref<128xi32, #tpu.memory_space<vmem>>
        %dma_start3A_373 = arith.constant 0 : i32
        %dma_start3A_374 = arith.constant 0 : i32
        %dma_start3A_375 = tpu.memref_slice %arg24[%dma_start3A_373, %dma_start3A_374] : memref<10240x8xf32, #tpu.memory_space<vmem_shared>> -> memref<10240x8xf32, #tpu.memory_space<vmem_shared>>
        tpu.enqueue_indirect_dma source(%arg20 : memref<128x8xf32, #tpu.memory_space<vmem>>) target(%dma_start3A_375 : memref<10240x8xf32, #tpu.memory_space<vmem_shared>>) offsets(%dma_start3A_372 : memref<128xi32, #tpu.memory_space<vmem>>) semaphore(%arg30 : memref<!tpu.dma_semaphore, #tpu.memory_space<semaphore_mem>>) {add = true}
      } else {
      }
      %dma_wait3A_345 = arith.constant 6 : i32
      %dma_wait3A_346 = arith.constant 0 : i32
      %dma_wait3A_347 = tpu.memref_slice %arg17[%dma_wait3A_345, %dma_wait3A_346] : memref<8x128xi32, #tpu.memory_space<vmem>> -> memref<1x128xi32, #tpu.memory_space<vmem>>
      %dma_wait3A_348 = tpu.memref_squeeze %dma_wait3A_347 : memref<1x128xi32, #tpu.memory_space<vmem>> -> memref<128xi32, #tpu.memory_space<vmem>>
      %dma_wait3A_349 = arith.constant 0 : i32
      %dma_wait3A_350 = arith.constant 0 : i32
      %dma_wait3A_351 = tpu.memref_slice %arg23[%dma_wait3A_349, %dma_wait3A_350] : memref<10240x64xf32, #tpu.memory_space<vmem_shared>> -> memref<10240x64xf32, #tpu.memory_space<vmem_shared>>
      tpu.wait_indirect_dma semaphore(%arg27 : memref<!tpu.dma_semaphore, #tpu.memory_space<semaphore_mem>>) src(%arg18 : memref<128x64xf32, #tpu.memory_space<vmem>>) dst(%dma_wait3A_351 : memref<10240x64xf32, #tpu.memory_space<vmem_shared>>)
      %dma_wait3A_352 = arith.constant 7 : i32
      %dma_wait3A_353 = arith.constant 0 : i32
      %dma_wait3A_354 = tpu.memref_slice %arg17[%dma_wait3A_352, %dma_wait3A_353] : memref<8x128xi32, #tpu.memory_space<vmem>> -> memref<1x128xi32, #tpu.memory_space<vmem>>
      %dma_wait3A_355 = tpu.memref_squeeze %dma_wait3A_354 : memref<1x128xi32, #tpu.memory_space<vmem>> -> memref<128xi32, #tpu.memory_space<vmem>>
      %dma_wait3A_356 = arith.constant 0 : i32
      %dma_wait3A_357 = arith.constant 0 : i32
      %dma_wait3A_358 = tpu.memref_slice %arg23[%dma_wait3A_356, %dma_wait3A_357] : memref<10240x64xf32, #tpu.memory_space<vmem_shared>> -> memref<10240x64xf32, #tpu.memory_space<vmem_shared>>
      tpu.wait_indirect_dma semaphore(%arg28 : memref<!tpu.dma_semaphore, #tpu.memory_space<semaphore_mem>>) src(%arg19 : memref<128x64xf32, #tpu.memory_space<vmem>>) dst(%dma_wait3A_358 : memref<10240x64xf32, #tpu.memory_space<vmem_shared>>)
      %eq3A_359 = arith.constant 0 : i32
      %eq3A_360 = arith.cmpi eq, %arg0, %eq3A_359 : i32
      %convert_element_type3A_361 = arith.extui %eq3A_360 : i1 to i32
      %cond3A_362 = arith.constant 0 : i32
      %cond3A_363 = arith.cmpi ne, %convert_element_type3A_361, %cond3A_362 : i32
      scf.if %cond3A_363 {
        %dma_wait3A_369 = arith.constant 6 : i32
        %dma_wait3A_370 = arith.constant 0 : i32
        %dma_wait3A_371 = tpu.memref_slice %arg17[%dma_wait3A_369, %dma_wait3A_370] : memref<8x128xi32, #tpu.memory_space<vmem>> -> memref<1x128xi32, #tpu.memory_space<vmem>>
        %dma_wait3A_372 = tpu.memref_squeeze %dma_wait3A_371 : memref<1x128xi32, #tpu.memory_space<vmem>> -> memref<128xi32, #tpu.memory_space<vmem>>
        %dma_wait3A_373 = arith.constant 0 : i32
        %dma_wait3A_374 = arith.constant 0 : i32
        %dma_wait3A_375 = tpu.memref_slice %arg24[%dma_wait3A_373, %dma_wait3A_374] : memref<10240x8xf32, #tpu.memory_space<vmem_shared>> -> memref<10240x8xf32, #tpu.memory_space<vmem_shared>>
        tpu.wait_indirect_dma semaphore(%arg29 : memref<!tpu.dma_semaphore, #tpu.memory_space<semaphore_mem>>) src(%arg20 : memref<128x8xf32, #tpu.memory_space<vmem>>) dst(%dma_wait3A_375 : memref<10240x8xf32, #tpu.memory_space<vmem_shared>>)
      } else {
      }
      %eq3A_364 = arith.constant 0 : i32
      %eq3A_365 = arith.cmpi eq, %arg0, %eq3A_364 : i32
      %convert_element_type3A_366 = arith.extui %eq3A_365 : i1 to i32
      %cond3A_367 = arith.constant 0 : i32
      %cond3A_368 = arith.cmpi ne, %convert_element_type3A_366, %cond3A_367 : i32
      scf.if %cond3A_368 {
        %dma_wait3A_369 = arith.constant 7 : i32
        %dma_wait3A_370 = arith.constant 0 : i32
        %dma_wait3A_371 = tpu.memref_slice %arg17[%dma_wait3A_369, %dma_wait3A_370] : memref<8x128xi32, #tpu.memory_space<vmem>> -> memref<1x128xi32, #tpu.memory_space<vmem>>
        %dma_wait3A_372 = tpu.memref_squeeze %dma_wait3A_371 : memref<1x128xi32, #tpu.memory_space<vmem>> -> memref<128xi32, #tpu.memory_space<vmem>>
        %dma_wait3A_373 = arith.constant 0 : i32
        %dma_wait3A_374 = arith.constant 0 : i32
        %dma_wait3A_375 = tpu.memref_slice %arg24[%dma_wait3A_373, %dma_wait3A_374] : memref<10240x8xf32, #tpu.memory_space<vmem_shared>> -> memref<10240x8xf32, #tpu.memory_space<vmem_shared>>
        tpu.wait_indirect_dma semaphore(%arg30 : memref<!tpu.dma_semaphore, #tpu.memory_space<semaphore_mem>>) src(%arg20 : memref<128x8xf32, #tpu.memory_space<vmem>>) dst(%dma_wait3A_375 : memref<10240x8xf32, #tpu.memory_space<vmem_shared>>)
      } else {
      }
    }
    %scan3A_5 = arith.constant 20 : i32
    %barrier3A_6 = arith.constant 0 : index
    tpu.barrier barrier_id(%barrier3A_6)
    "tpu.region"() ({
      %run_scoped3A = tpu.sem_alloc : memref<!tpu.dma_semaphore, #tpu.memory_space<semaphore_mem>>
      %dma_start3A = arith.constant 0 : i32
      %dma_start3A_38 = tpu.memref_slice %arg23[%mul3A_0, %dma_start3A] : memref<10240x64xf32, #tpu.memory_space<vmem_shared>> -> memref<640x64xf32, #tpu.memory_space<vmem_shared>>
      %dma_start3A_39 = arith.constant 0 : i32
      %dma_start3A_40 = tpu.memref_slice %arg23[%mul3A_0, %dma_start3A_39] : memref<10240x64xf32, #tpu.memory_space<vmem_shared>> -> memref<640x64xf32, #tpu.memory_space<vmem_shared>>
      tpu.enqueue_dma source(%dma_start3A_40 : memref<640x64xf32, #tpu.memory_space<vmem_shared>>) target(%arg21 : memref<640x64xf32, #tpu.memory_space<vmem>>) target_semaphore(%run_scoped3A : memref<!tpu.dma_semaphore, #tpu.memory_space<semaphore_mem>>)
      %dma_wait3A = arith.constant 0 : i32
      %dma_wait3A_41 = tpu.memref_slice %arg23[%mul3A_0, %dma_wait3A] : memref<10240x64xf32, #tpu.memory_space<vmem_shared>> -> memref<640x64xf32, #tpu.memory_space<vmem_shared>>
      %dma_wait3A_42 = arith.constant 0 : i32
      %dma_wait3A_43 = tpu.memref_slice %arg23[%mul3A_0, %dma_wait3A_42] : memref<10240x64xf32, #tpu.memory_space<vmem_shared>> -> memref<640x64xf32, #tpu.memory_space<vmem_shared>>
      tpu.wait_dma2 semaphore(%run_scoped3A : memref<!tpu.dma_semaphore, #tpu.memory_space<semaphore_mem>>) src(%dma_wait3A_43 : memref<640x64xf32, #tpu.memory_space<vmem_shared>>) dst(%arg21 : memref<640x64xf32, #tpu.memory_space<vmem>>)
      tpu.yield
    }) : () -> ()
    %eq3A = arith.constant 0 : i32
    %eq3A_7 = arith.cmpi eq, %arg0, %eq3A : i32
    %convert_element_type3A = arith.extui %eq3A_7 : i1 to i32
    %cond3A = arith.constant 0 : i32
    %cond3A_8 = arith.cmpi ne, %convert_element_type3A, %cond3A : i32
    scf.if %cond3A_8 {
      "tpu.region"() ({
        %run_scoped3A = tpu.sem_alloc : memref<!tpu.dma_semaphore, #tpu.memory_space<semaphore_mem>>
        %dma_start3A = arith.constant 0 : i32
        %dma_start3A_38 = tpu.memref_slice %arg11[%mul3A_0, %dma_start3A] : memref<10240x64xf32, #tpu.memory_space<hbm>> -> memref<640x64xf32, #tpu.memory_space<hbm>>
        %dma_start3A_39 = arith.constant 0 : i32
        %dma_start3A_40 = tpu.memref_slice %arg11[%mul3A_0, %dma_start3A_39] : memref<10240x64xf32, #tpu.memory_space<hbm>> -> memref<640x64xf32, #tpu.memory_space<hbm>>
        tpu.enqueue_dma source(%arg21 : memref<640x64xf32, #tpu.memory_space<vmem>>) target(%dma_start3A_40 : memref<640x64xf32, #tpu.memory_space<hbm>>) target_semaphore(%run_scoped3A : memref<!tpu.dma_semaphore, #tpu.memory_space<semaphore_mem>>)
        %dma_wait3A = arith.constant 0 : i32
        %dma_wait3A_41 = tpu.memref_slice %arg11[%mul3A_0, %dma_wait3A] : memref<10240x64xf32, #tpu.memory_space<hbm>> -> memref<640x64xf32, #tpu.memory_space<hbm>>
        %dma_wait3A_42 = arith.constant 0 : i32
        %dma_wait3A_43 = tpu.memref_slice %arg11[%mul3A_0, %dma_wait3A_42] : memref<10240x64xf32, #tpu.memory_space<hbm>> -> memref<640x64xf32, #tpu.memory_space<hbm>>
        tpu.wait_dma2 semaphore(%run_scoped3A : memref<!tpu.dma_semaphore, #tpu.memory_space<semaphore_mem>>) src(%arg21 : memref<640x64xf32, #tpu.memory_space<vmem>>) dst(%dma_wait3A_43 : memref<640x64xf32, #tpu.memory_space<hbm>>)
        tpu.yield
      }) : () -> ()
    } else {
    }
    %eq3A_9 = arith.constant 1 : i32
    %eq3A_10 = arith.cmpi eq, %arg0, %eq3A_9 : i32
    %convert_element_type3A_11 = arith.extui %eq3A_10 : i1 to i32
    %cond3A_12 = arith.constant 0 : i32
    %cond3A_13 = arith.cmpi ne, %convert_element_type3A_11, %cond3A_12 : i32
    scf.if %cond3A_13 {
      "tpu.region"() ({
        %run_scoped3A = tpu.sem_alloc : memref<!tpu.dma_semaphore, #tpu.memory_space<semaphore_mem>>
        %dma_start3A = arith.constant 0 : i32
        %dma_start3A_38 = tpu.memref_slice %arg13[%mul3A_0, %dma_start3A] : memref<10240x64xf32, #tpu.memory_space<hbm>> -> memref<640x64xf32, #tpu.memory_space<hbm>>
        %dma_start3A_39 = arith.constant 0 : i32
        %dma_start3A_40 = tpu.memref_slice %arg13[%mul3A_0, %dma_start3A_39] : memref<10240x64xf32, #tpu.memory_space<hbm>> -> memref<640x64xf32, #tpu.memory_space<hbm>>
        tpu.enqueue_dma source(%arg21 : memref<640x64xf32, #tpu.memory_space<vmem>>) target(%dma_start3A_40 : memref<640x64xf32, #tpu.memory_space<hbm>>) target_semaphore(%run_scoped3A : memref<!tpu.dma_semaphore, #tpu.memory_space<semaphore_mem>>)
        %dma_wait3A = arith.constant 0 : i32
        %dma_wait3A_41 = tpu.memref_slice %arg13[%mul3A_0, %dma_wait3A] : memref<10240x64xf32, #tpu.memory_space<hbm>> -> memref<640x64xf32, #tpu.memory_space<hbm>>
        %dma_wait3A_42 = arith.constant 0 : i32
        %dma_wait3A_43 = tpu.memref_slice %arg13[%mul3A_0, %dma_wait3A_42] : memref<10240x64xf32, #tpu.memory_space<hbm>> -> memref<640x64xf32, #tpu.memory_space<hbm>>
        tpu.wait_dma2 semaphore(%run_scoped3A : memref<!tpu.dma_semaphore, #tpu.memory_space<semaphore_mem>>) src(%arg21 : memref<640x64xf32, #tpu.memory_space<vmem>>) dst(%dma_wait3A_43 : memref<640x64xf32, #tpu.memory_space<hbm>>)
        tpu.yield
      }) : () -> ()
    } else {
    }
    %eq3A_14 = arith.constant 0 : i32
    %eq3A_15 = arith.cmpi eq, %arg0, %eq3A_14 : i32
    %convert_element_type3A_16 = arith.extui %eq3A_15 : i1 to i32
    %cond3A_17 = arith.constant 0 : i32
    %cond3A_18 = arith.cmpi ne, %convert_element_type3A_16, %cond3A_17 : i32
    scf.if %cond3A_18 {
      "tpu.region"() ({
        %run_scoped3A = tpu.sem_alloc : memref<!tpu.dma_semaphore, #tpu.memory_space<semaphore_mem>>
        %dma_start3A = arith.constant 0 : i32
        %dma_start3A_38 = tpu.memref_slice %arg24[%mul3A_0, %dma_start3A] : memref<10240x8xf32, #tpu.memory_space<vmem_shared>> -> memref<640x8xf32, #tpu.memory_space<vmem_shared>>
        %dma_start3A_39 = arith.constant 0 : i32
        %dma_start3A_40 = tpu.memref_slice %arg24[%mul3A_0, %dma_start3A_39] : memref<10240x8xf32, #tpu.memory_space<vmem_shared>> -> memref<640x8xf32, #tpu.memory_space<vmem_shared>>
        tpu.enqueue_dma source(%dma_start3A_40 : memref<640x8xf32, #tpu.memory_space<vmem_shared>>) target(%arg22 : memref<640x8xf32, #tpu.memory_space<vmem>>) target_semaphore(%run_scoped3A : memref<!tpu.dma_semaphore, #tpu.memory_space<semaphore_mem>>)
        %dma_wait3A = arith.constant 0 : i32
        %dma_wait3A_41 = tpu.memref_slice %arg24[%mul3A_0, %dma_wait3A] : memref<10240x8xf32, #tpu.memory_space<vmem_shared>> -> memref<640x8xf32, #tpu.memory_space<vmem_shared>>
        %dma_wait3A_42 = arith.constant 0 : i32
        %dma_wait3A_43 = tpu.memref_slice %arg24[%mul3A_0, %dma_wait3A_42] : memref<10240x8xf32, #tpu.memory_space<vmem_shared>> -> memref<640x8xf32, #tpu.memory_space<vmem_shared>>
        tpu.wait_dma2 semaphore(%run_scoped3A : memref<!tpu.dma_semaphore, #tpu.memory_space<semaphore_mem>>) src(%dma_wait3A_43 : memref<640x8xf32, #tpu.memory_space<vmem_shared>>) dst(%arg22 : memref<640x8xf32, #tpu.memory_space<vmem>>)
        tpu.yield
      }) : () -> ()
      "tpu.region"() ({
        %run_scoped3A = tpu.sem_alloc : memref<!tpu.dma_semaphore, #tpu.memory_space<semaphore_mem>>
        %dma_start3A = arith.constant 0 : i32
        %dma_start3A_38 = tpu.memref_slice %arg15[%mul3A_0, %dma_start3A] : memref<10240x8xf32, #tpu.memory_space<hbm>> -> memref<640x8xf32, #tpu.memory_space<hbm>>
        %dma_start3A_39 = arith.constant 0 : i32
        %dma_start3A_40 = tpu.memref_slice %arg15[%mul3A_0, %dma_start3A_39] : memref<10240x8xf32, #tpu.memory_space<hbm>> -> memref<640x8xf32, #tpu.memory_space<hbm>>
        tpu.enqueue_dma source(%arg22 : memref<640x8xf32, #tpu.memory_space<vmem>>) target(%dma_start3A_40 : memref<640x8xf32, #tpu.memory_space<hbm>>) target_semaphore(%run_scoped3A : memref<!tpu.dma_semaphore, #tpu.memory_space<semaphore_mem>>)
        %dma_wait3A = arith.constant 0 : i32
        %dma_wait3A_41 = tpu.memref_slice %arg15[%mul3A_0, %dma_wait3A] : memref<10240x8xf32, #tpu.memory_space<hbm>> -> memref<640x8xf32, #tpu.memory_space<hbm>>
        %dma_wait3A_42 = arith.constant 0 : i32
        %dma_wait3A_43 = tpu.memref_slice %arg15[%mul3A_0, %dma_wait3A_42] : memref<10240x8xf32, #tpu.memory_space<hbm>> -> memref<640x8xf32, #tpu.memory_space<hbm>>
        tpu.wait_dma2 semaphore(%run_scoped3A : memref<!tpu.dma_semaphore, #tpu.memory_space<semaphore_mem>>) src(%arg22 : memref<640x8xf32, #tpu.memory_space<vmem>>) dst(%dma_wait3A_43 : memref<640x8xf32, #tpu.memory_space<hbm>>)
        tpu.yield
      }) : () -> ()
    } else {
    }
    %barrier3A_19 = arith.constant 0 : index
    tpu.barrier barrier_id(%barrier3A_19)
    "tpu.region"() ({
      %run_scoped3A = tpu.sem_alloc : memref<!tpu.dma_semaphore, #tpu.memory_space<semaphore_mem>>
      tpu.enqueue_dma source(%arg8 : memref<640x64xf32, #tpu.memory_space<hbm>>) target(%arg21 : memref<640x64xf32, #tpu.memory_space<vmem>>) target_semaphore(%run_scoped3A : memref<!tpu.dma_semaphore, #tpu.memory_space<semaphore_mem>>)
      tpu.wait_dma2 semaphore(%run_scoped3A : memref<!tpu.dma_semaphore, #tpu.memory_space<semaphore_mem>>) src(%arg8 : memref<640x64xf32, #tpu.memory_space<hbm>>) dst(%arg21 : memref<640x64xf32, #tpu.memory_space<vmem>>)
      tpu.yield
    }) : () -> ()
    "tpu.region"() ({
      %run_scoped3A = tpu.sem_alloc : memref<!tpu.dma_semaphore, #tpu.memory_space<semaphore_mem>>
      %dma_start3A = arith.constant 0 : i32
      %dma_start3A_38 = tpu.memref_slice %arg23[%mul3A_0, %dma_start3A] : memref<10240x64xf32, #tpu.memory_space<vmem_shared>> -> memref<640x64xf32, #tpu.memory_space<vmem_shared>>
      %dma_start3A_39 = arith.constant 0 : i32
      %dma_start3A_40 = tpu.memref_slice %arg23[%mul3A_0, %dma_start3A_39] : memref<10240x64xf32, #tpu.memory_space<vmem_shared>> -> memref<640x64xf32, #tpu.memory_space<vmem_shared>>
      tpu.enqueue_dma source(%arg21 : memref<640x64xf32, #tpu.memory_space<vmem>>) target(%dma_start3A_40 : memref<640x64xf32, #tpu.memory_space<vmem_shared>>) target_semaphore(%run_scoped3A : memref<!tpu.dma_semaphore, #tpu.memory_space<semaphore_mem>>)
      %dma_wait3A = arith.constant 0 : i32
      %dma_wait3A_41 = tpu.memref_slice %arg23[%mul3A_0, %dma_wait3A] : memref<10240x64xf32, #tpu.memory_space<vmem_shared>> -> memref<640x64xf32, #tpu.memory_space<vmem_shared>>
      %dma_wait3A_42 = arith.constant 0 : i32
      %dma_wait3A_43 = tpu.memref_slice %arg23[%mul3A_0, %dma_wait3A_42] : memref<10240x64xf32, #tpu.memory_space<vmem_shared>> -> memref<640x64xf32, #tpu.memory_space<vmem_shared>>
      tpu.wait_dma2 semaphore(%run_scoped3A : memref<!tpu.dma_semaphore, #tpu.memory_space<semaphore_mem>>) src(%arg21 : memref<640x64xf32, #tpu.memory_space<vmem>>) dst(%dma_wait3A_43 : memref<640x64xf32, #tpu.memory_space<vmem_shared>>)
      tpu.yield
    }) : () -> ()
    %barrier3A_20 = arith.constant 0 : index
    tpu.barrier barrier_id(%barrier3A_20)
    %scan3A_21 = arith.constant 0 : i32
    %scan3A_22 = arith.constant 0 : i32
    %scan3A_23 = arith.constant 20 : i32
    %scan3A_24 = arith.addi %scan3A_22, %scan3A_23 : i32
    %scan3A_25 = arith.constant 1 : i32
    scf.for %scan3A_38 = %scan3A_22 to %scan3A_24 step %scan3A_25  : i32 {
      %mul3A_39 = arith.constant 160 : i32
      %mul3A_40 = arith.muli %arg1, %mul3A_39 : i32
      %mul3A_41 = arith.constant 8 : i32
      %mul3A_42 = arith.muli %scan3A_38, %mul3A_41 : i32
      %add3A = arith.addi %mul3A_40, %mul3A_42 : i32
      "tpu.region"() ({
        %run_scoped3A = tpu.sem_alloc : memref<!tpu.dma_semaphore, #tpu.memory_space<semaphore_mem>>
        %dma_start3A_289 = arith.constant 0 : i32
        %dma_start3A_290 = tpu.memref_slice %arg2[%add3A, %dma_start3A_289] : memref<2560x128xi32, #tpu.memory_space<hbm>> -> memref<8x128xi32, #tpu.memory_space<hbm>>
        %dma_start3A_291 = arith.constant 0 : i32
        %dma_start3A_292 = tpu.memref_slice %arg2[%add3A, %dma_start3A_291] : memref<2560x128xi32, #tpu.memory_space<hbm>> -> memref<8x128xi32, #tpu.memory_space<hbm>>
        tpu.enqueue_dma source(%dma_start3A_292 : memref<8x128xi32, #tpu.memory_space<hbm>>) target(%arg16 : memref<8x128xi32, #tpu.memory_space<vmem>>) target_semaphore(%run_scoped3A : memref<!tpu.dma_semaphore, #tpu.memory_space<semaphore_mem>>)
        %dma_wait3A_293 = arith.constant 0 : i32
        %dma_wait3A_294 = tpu.memref_slice %arg2[%add3A, %dma_wait3A_293] : memref<2560x128xi32, #tpu.memory_space<hbm>> -> memref<8x128xi32, #tpu.memory_space<hbm>>
        %dma_wait3A_295 = arith.constant 0 : i32
        %dma_wait3A_296 = tpu.memref_slice %arg2[%add3A, %dma_wait3A_295] : memref<2560x128xi32, #tpu.memory_space<hbm>> -> memref<8x128xi32, #tpu.memory_space<hbm>>
        tpu.wait_dma2 semaphore(%run_scoped3A : memref<!tpu.dma_semaphore, #tpu.memory_space<semaphore_mem>>) src(%dma_wait3A_296 : memref<8x128xi32, #tpu.memory_space<hbm>>) dst(%arg16 : memref<8x128xi32, #tpu.memory_space<vmem>>)
        tpu.yield
      }) : () -> ()
      "tpu.region"() ({
        %run_scoped3A = tpu.sem_alloc : memref<!tpu.dma_semaphore, #tpu.memory_space<semaphore_mem>>
        %dma_start3A_289 = arith.constant 0 : i32
        %dma_start3A_290 = tpu.memref_slice %arg3[%add3A, %dma_start3A_289] : memref<2560x128xi32, #tpu.memory_space<hbm>> -> memref<8x128xi32, #tpu.memory_space<hbm>>
        %dma_start3A_291 = arith.constant 0 : i32
        %dma_start3A_292 = tpu.memref_slice %arg3[%add3A, %dma_start3A_291] : memref<2560x128xi32, #tpu.memory_space<hbm>> -> memref<8x128xi32, #tpu.memory_space<hbm>>
        tpu.enqueue_dma source(%dma_start3A_292 : memref<8x128xi32, #tpu.memory_space<hbm>>) target(%arg17 : memref<8x128xi32, #tpu.memory_space<vmem>>) target_semaphore(%run_scoped3A : memref<!tpu.dma_semaphore, #tpu.memory_space<semaphore_mem>>)
        %dma_wait3A_293 = arith.constant 0 : i32
        %dma_wait3A_294 = tpu.memref_slice %arg3[%add3A, %dma_wait3A_293] : memref<2560x128xi32, #tpu.memory_space<hbm>> -> memref<8x128xi32, #tpu.memory_space<hbm>>
        %dma_wait3A_295 = arith.constant 0 : i32
        %dma_wait3A_296 = tpu.memref_slice %arg3[%add3A, %dma_wait3A_295] : memref<2560x128xi32, #tpu.memory_space<hbm>> -> memref<8x128xi32, #tpu.memory_space<hbm>>
        tpu.wait_dma2 semaphore(%run_scoped3A : memref<!tpu.dma_semaphore, #tpu.memory_space<semaphore_mem>>) src(%dma_wait3A_296 : memref<8x128xi32, #tpu.memory_space<hbm>>) dst(%arg17 : memref<8x128xi32, #tpu.memory_space<vmem>>)
        tpu.yield
      }) : () -> ()
      %eq3A_43 = arith.constant 0 : i32
      %eq3A_44 = arith.cmpi eq, %arg0, %eq3A_43 : i32
      %convert_element_type3A_45 = arith.extui %eq3A_44 : i1 to i32
      %cond3A_46 = arith.constant 0 : i32
      %cond3A_47 = arith.cmpi ne, %convert_element_type3A_45, %cond3A_46 : i32
      scf.if %cond3A_47 {
        %dma_start3A_289 = arith.constant 0 : i32
        %dma_start3A_290 = arith.constant 0 : i32
        %dma_start3A_291 = tpu.memref_slice %arg16[%dma_start3A_289, %dma_start3A_290] : memref<8x128xi32, #tpu.memory_space<vmem>> -> memref<1x128xi32, #tpu.memory_space<vmem>>
        %dma_start3A_292 = tpu.memref_squeeze %dma_start3A_291 : memref<1x128xi32, #tpu.memory_space<vmem>> -> memref<128xi32, #tpu.memory_space<vmem>>
        %dma_start3A_293 = arith.constant 0 : i32
        %dma_start3A_294 = arith.constant 0 : i32
        %dma_start3A_295 = tpu.memref_slice %arg5[%dma_start3A_293, %dma_start3A_294] : memref<10000x64xf32, #tpu.memory_space<hbm>> -> memref<10000x64xf32, #tpu.memory_space<hbm>>
        tpu.enqueue_indirect_dma source(%dma_start3A_295 : memref<10000x64xf32, #tpu.memory_space<hbm>>) target(%arg18 : memref<128x64xf32, #tpu.memory_space<vmem>>) offsets(%dma_start3A_292 : memref<128xi32, #tpu.memory_space<vmem>>) semaphore(%arg25 : memref<!tpu.dma_semaphore, #tpu.memory_space<semaphore_mem>>)
      } else {
      }
      %eq3A_48 = arith.constant 1 : i32
      %eq3A_49 = arith.cmpi eq, %arg0, %eq3A_48 : i32
      %convert_element_type3A_50 = arith.extui %eq3A_49 : i1 to i32
      %cond3A_51 = arith.constant 0 : i32
      %cond3A_52 = arith.cmpi ne, %convert_element_type3A_50, %cond3A_51 : i32
      scf.if %cond3A_52 {
        %dma_start3A_289 = arith.constant 0 : i32
        %dma_start3A_290 = arith.constant 0 : i32
        %dma_start3A_291 = tpu.memref_slice %arg16[%dma_start3A_289, %dma_start3A_290] : memref<8x128xi32, #tpu.memory_space<vmem>> -> memref<1x128xi32, #tpu.memory_space<vmem>>
        %dma_start3A_292 = tpu.memref_squeeze %dma_start3A_291 : memref<1x128xi32, #tpu.memory_space<vmem>> -> memref<128xi32, #tpu.memory_space<vmem>>
        %dma_start3A_293 = arith.constant 0 : i32
        %dma_start3A_294 = arith.constant 0 : i32
        %dma_start3A_295 = tpu.memref_slice %arg7[%dma_start3A_293, %dma_start3A_294] : memref<10000x64xf32, #tpu.memory_space<hbm>> -> memref<10000x64xf32, #tpu.memory_space<hbm>>
        tpu.enqueue_indirect_dma source(%dma_start3A_295 : memref<10000x64xf32, #tpu.memory_space<hbm>>) target(%arg18 : memref<128x64xf32, #tpu.memory_space<vmem>>) offsets(%dma_start3A_292 : memref<128xi32, #tpu.memory_space<vmem>>) semaphore(%arg25 : memref<!tpu.dma_semaphore, #tpu.memory_space<semaphore_mem>>)
      } else {
      }
      %dma_wait3A = arith.constant 0 : i32
      %dma_wait3A_53 = arith.constant 0 : i32
      %dma_wait3A_54 = tpu.memref_slice %arg16[%dma_wait3A, %dma_wait3A_53] : memref<8x128xi32, #tpu.memory_space<vmem>> -> memref<1x128xi32, #tpu.memory_space<vmem>>
      %dma_wait3A_55 = tpu.memref_squeeze %dma_wait3A_54 : memref<1x128xi32, #tpu.memory_space<vmem>> -> memref<128xi32, #tpu.memory_space<vmem>>
      %dma_wait3A_56 = arith.constant 0 : i32
      %dma_wait3A_57 = arith.constant 0 : i32
      %dma_wait3A_58 = tpu.memref_slice %arg5[%dma_wait3A_56, %dma_wait3A_57] : memref<10000x64xf32, #tpu.memory_space<hbm>> -> memref<10000x64xf32, #tpu.memory_space<hbm>>
      tpu.wait_indirect_dma semaphore(%arg25 : memref<!tpu.dma_semaphore, #tpu.memory_space<semaphore_mem>>) src(%dma_wait3A_58 : memref<10000x64xf32, #tpu.memory_space<hbm>>) dst(%arg18 : memref<128x64xf32, #tpu.memory_space<vmem>>)
      %dma_start3A = arith.constant 0 : i32
      %dma_start3A_59 = arith.constant 0 : i32
      %dma_start3A_60 = tpu.memref_slice %arg17[%dma_start3A, %dma_start3A_59] : memref<8x128xi32, #tpu.memory_space<vmem>> -> memref<1x128xi32, #tpu.memory_space<vmem>>
      %dma_start3A_61 = tpu.memref_squeeze %dma_start3A_60 : memref<1x128xi32, #tpu.memory_space<vmem>> -> memref<128xi32, #tpu.memory_space<vmem>>
      %dma_start3A_62 = arith.constant 0 : i32
      %dma_start3A_63 = arith.constant 0 : i32
      %dma_start3A_64 = tpu.memref_slice %arg23[%dma_start3A_62, %dma_start3A_63] : memref<10240x64xf32, #tpu.memory_space<vmem_shared>> -> memref<10240x64xf32, #tpu.memory_space<vmem_shared>>
      tpu.enqueue_indirect_dma source(%arg18 : memref<128x64xf32, #tpu.memory_space<vmem>>) target(%dma_start3A_64 : memref<10240x64xf32, #tpu.memory_space<vmem_shared>>) offsets(%dma_start3A_61 : memref<128xi32, #tpu.memory_space<vmem>>) semaphore(%arg27 : memref<!tpu.dma_semaphore, #tpu.memory_space<semaphore_mem>>) {add = true}
      %eq3A_65 = arith.constant 0 : i32
      %eq3A_66 = arith.cmpi eq, %arg0, %eq3A_65 : i32
      %convert_element_type3A_67 = arith.extui %eq3A_66 : i1 to i32
      %cond3A_68 = arith.constant 0 : i32
      %cond3A_69 = arith.cmpi ne, %convert_element_type3A_67, %cond3A_68 : i32
      scf.if %cond3A_69 {
        %dma_start3A_289 = arith.constant 1 : i32
        %dma_start3A_290 = arith.constant 0 : i32
        %dma_start3A_291 = tpu.memref_slice %arg16[%dma_start3A_289, %dma_start3A_290] : memref<8x128xi32, #tpu.memory_space<vmem>> -> memref<1x128xi32, #tpu.memory_space<vmem>>
        %dma_start3A_292 = tpu.memref_squeeze %dma_start3A_291 : memref<1x128xi32, #tpu.memory_space<vmem>> -> memref<128xi32, #tpu.memory_space<vmem>>
        %dma_start3A_293 = arith.constant 0 : i32
        %dma_start3A_294 = arith.constant 0 : i32
        %dma_start3A_295 = tpu.memref_slice %arg5[%dma_start3A_293, %dma_start3A_294] : memref<10000x64xf32, #tpu.memory_space<hbm>> -> memref<10000x64xf32, #tpu.memory_space<hbm>>
        tpu.enqueue_indirect_dma source(%dma_start3A_295 : memref<10000x64xf32, #tpu.memory_space<hbm>>) target(%arg19 : memref<128x64xf32, #tpu.memory_space<vmem>>) offsets(%dma_start3A_292 : memref<128xi32, #tpu.memory_space<vmem>>) semaphore(%arg26 : memref<!tpu.dma_semaphore, #tpu.memory_space<semaphore_mem>>)
      } else {
      }
      %eq3A_70 = arith.constant 1 : i32
      %eq3A_71 = arith.cmpi eq, %arg0, %eq3A_70 : i32
      %convert_element_type3A_72 = arith.extui %eq3A_71 : i1 to i32
      %cond3A_73 = arith.constant 0 : i32
      %cond3A_74 = arith.cmpi ne, %convert_element_type3A_72, %cond3A_73 : i32
      scf.if %cond3A_74 {
        %dma_start3A_289 = arith.constant 1 : i32
        %dma_start3A_290 = arith.constant 0 : i32
        %dma_start3A_291 = tpu.memref_slice %arg16[%dma_start3A_289, %dma_start3A_290] : memref<8x128xi32, #tpu.memory_space<vmem>> -> memref<1x128xi32, #tpu.memory_space<vmem>>
        %dma_start3A_292 = tpu.memref_squeeze %dma_start3A_291 : memref<1x128xi32, #tpu.memory_space<vmem>> -> memref<128xi32, #tpu.memory_space<vmem>>
        %dma_start3A_293 = arith.constant 0 : i32
        %dma_start3A_294 = arith.constant 0 : i32
        %dma_start3A_295 = tpu.memref_slice %arg7[%dma_start3A_293, %dma_start3A_294] : memref<10000x64xf32, #tpu.memory_space<hbm>> -> memref<10000x64xf32, #tpu.memory_space<hbm>>
        tpu.enqueue_indirect_dma source(%dma_start3A_295 : memref<10000x64xf32, #tpu.memory_space<hbm>>) target(%arg19 : memref<128x64xf32, #tpu.memory_space<vmem>>) offsets(%dma_start3A_292 : memref<128xi32, #tpu.memory_space<vmem>>) semaphore(%arg26 : memref<!tpu.dma_semaphore, #tpu.memory_space<semaphore_mem>>)
      } else {
      }
      %dma_wait3A_75 = arith.constant 1 : i32
      %dma_wait3A_76 = arith.constant 0 : i32
      %dma_wait3A_77 = tpu.memref_slice %arg16[%dma_wait3A_75, %dma_wait3A_76] : memref<8x128xi32, #tpu.memory_space<vmem>> -> memref<1x128xi32, #tpu.memory_space<vmem>>
      %dma_wait3A_78 = tpu.memref_squeeze %dma_wait3A_77 : memref<1x128xi32, #tpu.memory_space<vmem>> -> memref<128xi32, #tpu.memory_space<vmem>>
      %dma_wait3A_79 = arith.constant 0 : i32
      %dma_wait3A_80 = arith.constant 0 : i32
      %dma_wait3A_81 = tpu.memref_slice %arg5[%dma_wait3A_79, %dma_wait3A_80] : memref<10000x64xf32, #tpu.memory_space<hbm>> -> memref<10000x64xf32, #tpu.memory_space<hbm>>
      tpu.wait_indirect_dma semaphore(%arg26 : memref<!tpu.dma_semaphore, #tpu.memory_space<semaphore_mem>>) src(%dma_wait3A_81 : memref<10000x64xf32, #tpu.memory_space<hbm>>) dst(%arg19 : memref<128x64xf32, #tpu.memory_space<vmem>>)
      %dma_start3A_82 = arith.constant 1 : i32
      %dma_start3A_83 = arith.constant 0 : i32
      %dma_start3A_84 = tpu.memref_slice %arg17[%dma_start3A_82, %dma_start3A_83] : memref<8x128xi32, #tpu.memory_space<vmem>> -> memref<1x128xi32, #tpu.memory_space<vmem>>
      %dma_start3A_85 = tpu.memref_squeeze %dma_start3A_84 : memref<1x128xi32, #tpu.memory_space<vmem>> -> memref<128xi32, #tpu.memory_space<vmem>>
      %dma_start3A_86 = arith.constant 0 : i32
      %dma_start3A_87 = arith.constant 0 : i32
      %dma_start3A_88 = tpu.memref_slice %arg23[%dma_start3A_86, %dma_start3A_87] : memref<10240x64xf32, #tpu.memory_space<vmem_shared>> -> memref<10240x64xf32, #tpu.memory_space<vmem_shared>>
      tpu.enqueue_indirect_dma source(%arg19 : memref<128x64xf32, #tpu.memory_space<vmem>>) target(%dma_start3A_88 : memref<10240x64xf32, #tpu.memory_space<vmem_shared>>) offsets(%dma_start3A_85 : memref<128xi32, #tpu.memory_space<vmem>>) semaphore(%arg28 : memref<!tpu.dma_semaphore, #tpu.memory_space<semaphore_mem>>) {add = true}
      %dma_wait3A_89 = arith.constant 0 : i32
      %dma_wait3A_90 = arith.constant 0 : i32
      %dma_wait3A_91 = tpu.memref_slice %arg17[%dma_wait3A_89, %dma_wait3A_90] : memref<8x128xi32, #tpu.memory_space<vmem>> -> memref<1x128xi32, #tpu.memory_space<vmem>>
      %dma_wait3A_92 = tpu.memref_squeeze %dma_wait3A_91 : memref<1x128xi32, #tpu.memory_space<vmem>> -> memref<128xi32, #tpu.memory_space<vmem>>
      %dma_wait3A_93 = arith.constant 0 : i32
      %dma_wait3A_94 = arith.constant 0 : i32
      %dma_wait3A_95 = tpu.memref_slice %arg23[%dma_wait3A_93, %dma_wait3A_94] : memref<10240x64xf32, #tpu.memory_space<vmem_shared>> -> memref<10240x64xf32, #tpu.memory_space<vmem_shared>>
      tpu.wait_indirect_dma semaphore(%arg27 : memref<!tpu.dma_semaphore, #tpu.memory_space<semaphore_mem>>) src(%arg18 : memref<128x64xf32, #tpu.memory_space<vmem>>) dst(%dma_wait3A_95 : memref<10240x64xf32, #tpu.memory_space<vmem_shared>>)
      %eq3A_96 = arith.constant 0 : i32
      %eq3A_97 = arith.cmpi eq, %arg0, %eq3A_96 : i32
      %convert_element_type3A_98 = arith.extui %eq3A_97 : i1 to i32
      %cond3A_99 = arith.constant 0 : i32
      %cond3A_100 = arith.cmpi ne, %convert_element_type3A_98, %cond3A_99 : i32
      scf.if %cond3A_100 {
        %dma_start3A_289 = arith.constant 2 : i32
        %dma_start3A_290 = arith.constant 0 : i32
        %dma_start3A_291 = tpu.memref_slice %arg16[%dma_start3A_289, %dma_start3A_290] : memref<8x128xi32, #tpu.memory_space<vmem>> -> memref<1x128xi32, #tpu.memory_space<vmem>>
        %dma_start3A_292 = tpu.memref_squeeze %dma_start3A_291 : memref<1x128xi32, #tpu.memory_space<vmem>> -> memref<128xi32, #tpu.memory_space<vmem>>
        %dma_start3A_293 = arith.constant 0 : i32
        %dma_start3A_294 = arith.constant 0 : i32
        %dma_start3A_295 = tpu.memref_slice %arg5[%dma_start3A_293, %dma_start3A_294] : memref<10000x64xf32, #tpu.memory_space<hbm>> -> memref<10000x64xf32, #tpu.memory_space<hbm>>
        tpu.enqueue_indirect_dma source(%dma_start3A_295 : memref<10000x64xf32, #tpu.memory_space<hbm>>) target(%arg18 : memref<128x64xf32, #tpu.memory_space<vmem>>) offsets(%dma_start3A_292 : memref<128xi32, #tpu.memory_space<vmem>>) semaphore(%arg25 : memref<!tpu.dma_semaphore, #tpu.memory_space<semaphore_mem>>)
      } else {
      }
      %eq3A_101 = arith.constant 1 : i32
      %eq3A_102 = arith.cmpi eq, %arg0, %eq3A_101 : i32
      %convert_element_type3A_103 = arith.extui %eq3A_102 : i1 to i32
      %cond3A_104 = arith.constant 0 : i32
      %cond3A_105 = arith.cmpi ne, %convert_element_type3A_103, %cond3A_104 : i32
      scf.if %cond3A_105 {
        %dma_start3A_289 = arith.constant 2 : i32
        %dma_start3A_290 = arith.constant 0 : i32
        %dma_start3A_291 = tpu.memref_slice %arg16[%dma_start3A_289, %dma_start3A_290] : memref<8x128xi32, #tpu.memory_space<vmem>> -> memref<1x128xi32, #tpu.memory_space<vmem>>
        %dma_start3A_292 = tpu.memref_squeeze %dma_start3A_291 : memref<1x128xi32, #tpu.memory_space<vmem>> -> memref<128xi32, #tpu.memory_space<vmem>>
        %dma_start3A_293 = arith.constant 0 : i32
        %dma_start3A_294 = arith.constant 0 : i32
        %dma_start3A_295 = tpu.memref_slice %arg7[%dma_start3A_293, %dma_start3A_294] : memref<10000x64xf32, #tpu.memory_space<hbm>> -> memref<10000x64xf32, #tpu.memory_space<hbm>>
        tpu.enqueue_indirect_dma source(%dma_start3A_295 : memref<10000x64xf32, #tpu.memory_space<hbm>>) target(%arg18 : memref<128x64xf32, #tpu.memory_space<vmem>>) offsets(%dma_start3A_292 : memref<128xi32, #tpu.memory_space<vmem>>) semaphore(%arg25 : memref<!tpu.dma_semaphore, #tpu.memory_space<semaphore_mem>>)
      } else {
      }
      %dma_wait3A_106 = arith.constant 2 : i32
      %dma_wait3A_107 = arith.constant 0 : i32
      %dma_wait3A_108 = tpu.memref_slice %arg16[%dma_wait3A_106, %dma_wait3A_107] : memref<8x128xi32, #tpu.memory_space<vmem>> -> memref<1x128xi32, #tpu.memory_space<vmem>>
      %dma_wait3A_109 = tpu.memref_squeeze %dma_wait3A_108 : memref<1x128xi32, #tpu.memory_space<vmem>> -> memref<128xi32, #tpu.memory_space<vmem>>
      %dma_wait3A_110 = arith.constant 0 : i32
      %dma_wait3A_111 = arith.constant 0 : i32
      %dma_wait3A_112 = tpu.memref_slice %arg5[%dma_wait3A_110, %dma_wait3A_111] : memref<10000x64xf32, #tpu.memory_space<hbm>> -> memref<10000x64xf32, #tpu.memory_space<hbm>>
      tpu.wait_indirect_dma semaphore(%arg25 : memref<!tpu.dma_semaphore, #tpu.memory_space<semaphore_mem>>) src(%dma_wait3A_112 : memref<10000x64xf32, #tpu.memory_space<hbm>>) dst(%arg18 : memref<128x64xf32, #tpu.memory_space<vmem>>)
      %dma_start3A_113 = arith.constant 2 : i32
      %dma_start3A_114 = arith.constant 0 : i32
      %dma_start3A_115 = tpu.memref_slice %arg17[%dma_start3A_113, %dma_start3A_114] : memref<8x128xi32, #tpu.memory_space<vmem>> -> memref<1x128xi32, #tpu.memory_space<vmem>>
      %dma_start3A_116 = tpu.memref_squeeze %dma_start3A_115 : memref<1x128xi32, #tpu.memory_space<vmem>> -> memref<128xi32, #tpu.memory_space<vmem>>
      %dma_start3A_117 = arith.constant 0 : i32
      %dma_start3A_118 = arith.constant 0 : i32
      %dma_start3A_119 = tpu.memref_slice %arg23[%dma_start3A_117, %dma_start3A_118] : memref<10240x64xf32, #tpu.memory_space<vmem_shared>> -> memref<10240x64xf32, #tpu.memory_space<vmem_shared>>
      tpu.enqueue_indirect_dma source(%arg18 : memref<128x64xf32, #tpu.memory_space<vmem>>) target(%dma_start3A_119 : memref<10240x64xf32, #tpu.memory_space<vmem_shared>>) offsets(%dma_start3A_116 : memref<128xi32, #tpu.memory_space<vmem>>) semaphore(%arg27 : memref<!tpu.dma_semaphore, #tpu.memory_space<semaphore_mem>>) {add = true}
      %dma_wait3A_120 = arith.constant 1 : i32
      %dma_wait3A_121 = arith.constant 0 : i32
      %dma_wait3A_122 = tpu.memref_slice %arg17[%dma_wait3A_120, %dma_wait3A_121] : memref<8x128xi32, #tpu.memory_space<vmem>> -> memref<1x128xi32, #tpu.memory_space<vmem>>
      %dma_wait3A_123 = tpu.memref_squeeze %dma_wait3A_122 : memref<1x128xi32, #tpu.memory_space<vmem>> -> memref<128xi32, #tpu.memory_space<vmem>>
      %dma_wait3A_124 = arith.constant 0 : i32
      %dma_wait3A_125 = arith.constant 0 : i32
      %dma_wait3A_126 = tpu.memref_slice %arg23[%dma_wait3A_124, %dma_wait3A_125] : memref<10240x64xf32, #tpu.memory_space<vmem_shared>> -> memref<10240x64xf32, #tpu.memory_space<vmem_shared>>
      tpu.wait_indirect_dma semaphore(%arg28 : memref<!tpu.dma_semaphore, #tpu.memory_space<semaphore_mem>>) src(%arg19 : memref<128x64xf32, #tpu.memory_space<vmem>>) dst(%dma_wait3A_126 : memref<10240x64xf32, #tpu.memory_space<vmem_shared>>)
      %eq3A_127 = arith.constant 0 : i32
      %eq3A_128 = arith.cmpi eq, %arg0, %eq3A_127 : i32
      %convert_element_type3A_129 = arith.extui %eq3A_128 : i1 to i32
      %cond3A_130 = arith.constant 0 : i32
      %cond3A_131 = arith.cmpi ne, %convert_element_type3A_129, %cond3A_130 : i32
      scf.if %cond3A_131 {
        %dma_start3A_289 = arith.constant 3 : i32
        %dma_start3A_290 = arith.constant 0 : i32
        %dma_start3A_291 = tpu.memref_slice %arg16[%dma_start3A_289, %dma_start3A_290] : memref<8x128xi32, #tpu.memory_space<vmem>> -> memref<1x128xi32, #tpu.memory_space<vmem>>
        %dma_start3A_292 = tpu.memref_squeeze %dma_start3A_291 : memref<1x128xi32, #tpu.memory_space<vmem>> -> memref<128xi32, #tpu.memory_space<vmem>>
        %dma_start3A_293 = arith.constant 0 : i32
        %dma_start3A_294 = arith.constant 0 : i32
        %dma_start3A_295 = tpu.memref_slice %arg5[%dma_start3A_293, %dma_start3A_294] : memref<10000x64xf32, #tpu.memory_space<hbm>> -> memref<10000x64xf32, #tpu.memory_space<hbm>>
        tpu.enqueue_indirect_dma source(%dma_start3A_295 : memref<10000x64xf32, #tpu.memory_space<hbm>>) target(%arg19 : memref<128x64xf32, #tpu.memory_space<vmem>>) offsets(%dma_start3A_292 : memref<128xi32, #tpu.memory_space<vmem>>) semaphore(%arg26 : memref<!tpu.dma_semaphore, #tpu.memory_space<semaphore_mem>>)
      } else {
      }
      %eq3A_132 = arith.constant 1 : i32
      %eq3A_133 = arith.cmpi eq, %arg0, %eq3A_132 : i32
      %convert_element_type3A_134 = arith.extui %eq3A_133 : i1 to i32
      %cond3A_135 = arith.constant 0 : i32
      %cond3A_136 = arith.cmpi ne, %convert_element_type3A_134, %cond3A_135 : i32
      scf.if %cond3A_136 {
        %dma_start3A_289 = arith.constant 3 : i32
        %dma_start3A_290 = arith.constant 0 : i32
        %dma_start3A_291 = tpu.memref_slice %arg16[%dma_start3A_289, %dma_start3A_290] : memref<8x128xi32, #tpu.memory_space<vmem>> -> memref<1x128xi32, #tpu.memory_space<vmem>>
        %dma_start3A_292 = tpu.memref_squeeze %dma_start3A_291 : memref<1x128xi32, #tpu.memory_space<vmem>> -> memref<128xi32, #tpu.memory_space<vmem>>
        %dma_start3A_293 = arith.constant 0 : i32
        %dma_start3A_294 = arith.constant 0 : i32
        %dma_start3A_295 = tpu.memref_slice %arg7[%dma_start3A_293, %dma_start3A_294] : memref<10000x64xf32, #tpu.memory_space<hbm>> -> memref<10000x64xf32, #tpu.memory_space<hbm>>
        tpu.enqueue_indirect_dma source(%dma_start3A_295 : memref<10000x64xf32, #tpu.memory_space<hbm>>) target(%arg19 : memref<128x64xf32, #tpu.memory_space<vmem>>) offsets(%dma_start3A_292 : memref<128xi32, #tpu.memory_space<vmem>>) semaphore(%arg26 : memref<!tpu.dma_semaphore, #tpu.memory_space<semaphore_mem>>)
      } else {
      }
      %dma_wait3A_137 = arith.constant 3 : i32
      %dma_wait3A_138 = arith.constant 0 : i32
      %dma_wait3A_139 = tpu.memref_slice %arg16[%dma_wait3A_137, %dma_wait3A_138] : memref<8x128xi32, #tpu.memory_space<vmem>> -> memref<1x128xi32, #tpu.memory_space<vmem>>
      %dma_wait3A_140 = tpu.memref_squeeze %dma_wait3A_139 : memref<1x128xi32, #tpu.memory_space<vmem>> -> memref<128xi32, #tpu.memory_space<vmem>>
      %dma_wait3A_141 = arith.constant 0 : i32
      %dma_wait3A_142 = arith.constant 0 : i32
      %dma_wait3A_143 = tpu.memref_slice %arg5[%dma_wait3A_141, %dma_wait3A_142] : memref<10000x64xf32, #tpu.memory_space<hbm>> -> memref<10000x64xf32, #tpu.memory_space<hbm>>
      tpu.wait_indirect_dma semaphore(%arg26 : memref<!tpu.dma_semaphore, #tpu.memory_space<semaphore_mem>>) src(%dma_wait3A_143 : memref<10000x64xf32, #tpu.memory_space<hbm>>) dst(%arg19 : memref<128x64xf32, #tpu.memory_space<vmem>>)
      %dma_start3A_144 = arith.constant 3 : i32
      %dma_start3A_145 = arith.constant 0 : i32
      %dma_start3A_146 = tpu.memref_slice %arg17[%dma_start3A_144, %dma_start3A_145] : memref<8x128xi32, #tpu.memory_space<vmem>> -> memref<1x128xi32, #tpu.memory_space<vmem>>
      %dma_start3A_147 = tpu.memref_squeeze %dma_start3A_146 : memref<1x128xi32, #tpu.memory_space<vmem>> -> memref<128xi32, #tpu.memory_space<vmem>>
      %dma_start3A_148 = arith.constant 0 : i32
      %dma_start3A_149 = arith.constant 0 : i32
      %dma_start3A_150 = tpu.memref_slice %arg23[%dma_start3A_148, %dma_start3A_149] : memref<10240x64xf32, #tpu.memory_space<vmem_shared>> -> memref<10240x64xf32, #tpu.memory_space<vmem_shared>>
      tpu.enqueue_indirect_dma source(%arg19 : memref<128x64xf32, #tpu.memory_space<vmem>>) target(%dma_start3A_150 : memref<10240x64xf32, #tpu.memory_space<vmem_shared>>) offsets(%dma_start3A_147 : memref<128xi32, #tpu.memory_space<vmem>>) semaphore(%arg28 : memref<!tpu.dma_semaphore, #tpu.memory_space<semaphore_mem>>) {add = true}
      %dma_wait3A_151 = arith.constant 2 : i32
      %dma_wait3A_152 = arith.constant 0 : i32
      %dma_wait3A_153 = tpu.memref_slice %arg17[%dma_wait3A_151, %dma_wait3A_152] : memref<8x128xi32, #tpu.memory_space<vmem>> -> memref<1x128xi32, #tpu.memory_space<vmem>>
      %dma_wait3A_154 = tpu.memref_squeeze %dma_wait3A_153 : memref<1x128xi32, #tpu.memory_space<vmem>> -> memref<128xi32, #tpu.memory_space<vmem>>
      %dma_wait3A_155 = arith.constant 0 : i32
      %dma_wait3A_156 = arith.constant 0 : i32
      %dma_wait3A_157 = tpu.memref_slice %arg23[%dma_wait3A_155, %dma_wait3A_156] : memref<10240x64xf32, #tpu.memory_space<vmem_shared>> -> memref<10240x64xf32, #tpu.memory_space<vmem_shared>>
      tpu.wait_indirect_dma semaphore(%arg27 : memref<!tpu.dma_semaphore, #tpu.memory_space<semaphore_mem>>) src(%arg18 : memref<128x64xf32, #tpu.memory_space<vmem>>) dst(%dma_wait3A_157 : memref<10240x64xf32, #tpu.memory_space<vmem_shared>>)
      %eq3A_158 = arith.constant 0 : i32
      %eq3A_159 = arith.cmpi eq, %arg0, %eq3A_158 : i32
      %convert_element_type3A_160 = arith.extui %eq3A_159 : i1 to i32
      %cond3A_161 = arith.constant 0 : i32
      %cond3A_162 = arith.cmpi ne, %convert_element_type3A_160, %cond3A_161 : i32
      scf.if %cond3A_162 {
        %dma_start3A_289 = arith.constant 4 : i32
        %dma_start3A_290 = arith.constant 0 : i32
        %dma_start3A_291 = tpu.memref_slice %arg16[%dma_start3A_289, %dma_start3A_290] : memref<8x128xi32, #tpu.memory_space<vmem>> -> memref<1x128xi32, #tpu.memory_space<vmem>>
        %dma_start3A_292 = tpu.memref_squeeze %dma_start3A_291 : memref<1x128xi32, #tpu.memory_space<vmem>> -> memref<128xi32, #tpu.memory_space<vmem>>
        %dma_start3A_293 = arith.constant 0 : i32
        %dma_start3A_294 = arith.constant 0 : i32
        %dma_start3A_295 = tpu.memref_slice %arg5[%dma_start3A_293, %dma_start3A_294] : memref<10000x64xf32, #tpu.memory_space<hbm>> -> memref<10000x64xf32, #tpu.memory_space<hbm>>
        tpu.enqueue_indirect_dma source(%dma_start3A_295 : memref<10000x64xf32, #tpu.memory_space<hbm>>) target(%arg18 : memref<128x64xf32, #tpu.memory_space<vmem>>) offsets(%dma_start3A_292 : memref<128xi32, #tpu.memory_space<vmem>>) semaphore(%arg25 : memref<!tpu.dma_semaphore, #tpu.memory_space<semaphore_mem>>)
      } else {
      }
      %eq3A_163 = arith.constant 1 : i32
      %eq3A_164 = arith.cmpi eq, %arg0, %eq3A_163 : i32
      %convert_element_type3A_165 = arith.extui %eq3A_164 : i1 to i32
      %cond3A_166 = arith.constant 0 : i32
      %cond3A_167 = arith.cmpi ne, %convert_element_type3A_165, %cond3A_166 : i32
      scf.if %cond3A_167 {
        %dma_start3A_289 = arith.constant 4 : i32
        %dma_start3A_290 = arith.constant 0 : i32
        %dma_start3A_291 = tpu.memref_slice %arg16[%dma_start3A_289, %dma_start3A_290] : memref<8x128xi32, #tpu.memory_space<vmem>> -> memref<1x128xi32, #tpu.memory_space<vmem>>
        %dma_start3A_292 = tpu.memref_squeeze %dma_start3A_291 : memref<1x128xi32, #tpu.memory_space<vmem>> -> memref<128xi32, #tpu.memory_space<vmem>>
        %dma_start3A_293 = arith.constant 0 : i32
        %dma_start3A_294 = arith.constant 0 : i32
        %dma_start3A_295 = tpu.memref_slice %arg7[%dma_start3A_293, %dma_start3A_294] : memref<10000x64xf32, #tpu.memory_space<hbm>> -> memref<10000x64xf32, #tpu.memory_space<hbm>>
        tpu.enqueue_indirect_dma source(%dma_start3A_295 : memref<10000x64xf32, #tpu.memory_space<hbm>>) target(%arg18 : memref<128x64xf32, #tpu.memory_space<vmem>>) offsets(%dma_start3A_292 : memref<128xi32, #tpu.memory_space<vmem>>) semaphore(%arg25 : memref<!tpu.dma_semaphore, #tpu.memory_space<semaphore_mem>>)
      } else {
      }
      %dma_wait3A_168 = arith.constant 4 : i32
      %dma_wait3A_169 = arith.constant 0 : i32
      %dma_wait3A_170 = tpu.memref_slice %arg16[%dma_wait3A_168, %dma_wait3A_169] : memref<8x128xi32, #tpu.memory_space<vmem>> -> memref<1x128xi32, #tpu.memory_space<vmem>>
      %dma_wait3A_171 = tpu.memref_squeeze %dma_wait3A_170 : memref<1x128xi32, #tpu.memory_space<vmem>> -> memref<128xi32, #tpu.memory_space<vmem>>
      %dma_wait3A_172 = arith.constant 0 : i32
      %dma_wait3A_173 = arith.constant 0 : i32
      %dma_wait3A_174 = tpu.memref_slice %arg5[%dma_wait3A_172, %dma_wait3A_173] : memref<10000x64xf32, #tpu.memory_space<hbm>> -> memref<10000x64xf32, #tpu.memory_space<hbm>>
      tpu.wait_indirect_dma semaphore(%arg25 : memref<!tpu.dma_semaphore, #tpu.memory_space<semaphore_mem>>) src(%dma_wait3A_174 : memref<10000x64xf32, #tpu.memory_space<hbm>>) dst(%arg18 : memref<128x64xf32, #tpu.memory_space<vmem>>)
      %dma_start3A_175 = arith.constant 4 : i32
      %dma_start3A_176 = arith.constant 0 : i32
      %dma_start3A_177 = tpu.memref_slice %arg17[%dma_start3A_175, %dma_start3A_176] : memref<8x128xi32, #tpu.memory_space<vmem>> -> memref<1x128xi32, #tpu.memory_space<vmem>>
      %dma_start3A_178 = tpu.memref_squeeze %dma_start3A_177 : memref<1x128xi32, #tpu.memory_space<vmem>> -> memref<128xi32, #tpu.memory_space<vmem>>
      %dma_start3A_179 = arith.constant 0 : i32
      %dma_start3A_180 = arith.constant 0 : i32
      %dma_start3A_181 = tpu.memref_slice %arg23[%dma_start3A_179, %dma_start3A_180] : memref<10240x64xf32, #tpu.memory_space<vmem_shared>> -> memref<10240x64xf32, #tpu.memory_space<vmem_shared>>
      tpu.enqueue_indirect_dma source(%arg18 : memref<128x64xf32, #tpu.memory_space<vmem>>) target(%dma_start3A_181 : memref<10240x64xf32, #tpu.memory_space<vmem_shared>>) offsets(%dma_start3A_178 : memref<128xi32, #tpu.memory_space<vmem>>) semaphore(%arg27 : memref<!tpu.dma_semaphore, #tpu.memory_space<semaphore_mem>>) {add = true}
      %dma_wait3A_182 = arith.constant 3 : i32
      %dma_wait3A_183 = arith.constant 0 : i32
      %dma_wait3A_184 = tpu.memref_slice %arg17[%dma_wait3A_182, %dma_wait3A_183] : memref<8x128xi32, #tpu.memory_space<vmem>> -> memref<1x128xi32, #tpu.memory_space<vmem>>
      %dma_wait3A_185 = tpu.memref_squeeze %dma_wait3A_184 : memref<1x128xi32, #tpu.memory_space<vmem>> -> memref<128xi32, #tpu.memory_space<vmem>>
      %dma_wait3A_186 = arith.constant 0 : i32
      %dma_wait3A_187 = arith.constant 0 : i32
      %dma_wait3A_188 = tpu.memref_slice %arg23[%dma_wait3A_186, %dma_wait3A_187] : memref<10240x64xf32, #tpu.memory_space<vmem_shared>> -> memref<10240x64xf32, #tpu.memory_space<vmem_shared>>
      tpu.wait_indirect_dma semaphore(%arg28 : memref<!tpu.dma_semaphore, #tpu.memory_space<semaphore_mem>>) src(%arg19 : memref<128x64xf32, #tpu.memory_space<vmem>>) dst(%dma_wait3A_188 : memref<10240x64xf32, #tpu.memory_space<vmem_shared>>)
      %eq3A_189 = arith.constant 0 : i32
      %eq3A_190 = arith.cmpi eq, %arg0, %eq3A_189 : i32
      %convert_element_type3A_191 = arith.extui %eq3A_190 : i1 to i32
      %cond3A_192 = arith.constant 0 : i32
      %cond3A_193 = arith.cmpi ne, %convert_element_type3A_191, %cond3A_192 : i32
      scf.if %cond3A_193 {
        %dma_start3A_289 = arith.constant 5 : i32
        %dma_start3A_290 = arith.constant 0 : i32
        %dma_start3A_291 = tpu.memref_slice %arg16[%dma_start3A_289, %dma_start3A_290] : memref<8x128xi32, #tpu.memory_space<vmem>> -> memref<1x128xi32, #tpu.memory_space<vmem>>
        %dma_start3A_292 = tpu.memref_squeeze %dma_start3A_291 : memref<1x128xi32, #tpu.memory_space<vmem>> -> memref<128xi32, #tpu.memory_space<vmem>>
        %dma_start3A_293 = arith.constant 0 : i32
        %dma_start3A_294 = arith.constant 0 : i32
        %dma_start3A_295 = tpu.memref_slice %arg5[%dma_start3A_293, %dma_start3A_294] : memref<10000x64xf32, #tpu.memory_space<hbm>> -> memref<10000x64xf32, #tpu.memory_space<hbm>>
        tpu.enqueue_indirect_dma source(%dma_start3A_295 : memref<10000x64xf32, #tpu.memory_space<hbm>>) target(%arg19 : memref<128x64xf32, #tpu.memory_space<vmem>>) offsets(%dma_start3A_292 : memref<128xi32, #tpu.memory_space<vmem>>) semaphore(%arg26 : memref<!tpu.dma_semaphore, #tpu.memory_space<semaphore_mem>>)
      } else {
      }
      %eq3A_194 = arith.constant 1 : i32
      %eq3A_195 = arith.cmpi eq, %arg0, %eq3A_194 : i32
      %convert_element_type3A_196 = arith.extui %eq3A_195 : i1 to i32
      %cond3A_197 = arith.constant 0 : i32
      %cond3A_198 = arith.cmpi ne, %convert_element_type3A_196, %cond3A_197 : i32
      scf.if %cond3A_198 {
        %dma_start3A_289 = arith.constant 5 : i32
        %dma_start3A_290 = arith.constant 0 : i32
        %dma_start3A_291 = tpu.memref_slice %arg16[%dma_start3A_289, %dma_start3A_290] : memref<8x128xi32, #tpu.memory_space<vmem>> -> memref<1x128xi32, #tpu.memory_space<vmem>>
        %dma_start3A_292 = tpu.memref_squeeze %dma_start3A_291 : memref<1x128xi32, #tpu.memory_space<vmem>> -> memref<128xi32, #tpu.memory_space<vmem>>
        %dma_start3A_293 = arith.constant 0 : i32
        %dma_start3A_294 = arith.constant 0 : i32
        %dma_start3A_295 = tpu.memref_slice %arg7[%dma_start3A_293, %dma_start3A_294] : memref<10000x64xf32, #tpu.memory_space<hbm>> -> memref<10000x64xf32, #tpu.memory_space<hbm>>
        tpu.enqueue_indirect_dma source(%dma_start3A_295 : memref<10000x64xf32, #tpu.memory_space<hbm>>) target(%arg19 : memref<128x64xf32, #tpu.memory_space<vmem>>) offsets(%dma_start3A_292 : memref<128xi32, #tpu.memory_space<vmem>>) semaphore(%arg26 : memref<!tpu.dma_semaphore, #tpu.memory_space<semaphore_mem>>)
      } else {
      }
      %dma_wait3A_199 = arith.constant 5 : i32
      %dma_wait3A_200 = arith.constant 0 : i32
      %dma_wait3A_201 = tpu.memref_slice %arg16[%dma_wait3A_199, %dma_wait3A_200] : memref<8x128xi32, #tpu.memory_space<vmem>> -> memref<1x128xi32, #tpu.memory_space<vmem>>
      %dma_wait3A_202 = tpu.memref_squeeze %dma_wait3A_201 : memref<1x128xi32, #tpu.memory_space<vmem>> -> memref<128xi32, #tpu.memory_space<vmem>>
      %dma_wait3A_203 = arith.constant 0 : i32
      %dma_wait3A_204 = arith.constant 0 : i32
      %dma_wait3A_205 = tpu.memref_slice %arg5[%dma_wait3A_203, %dma_wait3A_204] : memref<10000x64xf32, #tpu.memory_space<hbm>> -> memref<10000x64xf32, #tpu.memory_space<hbm>>
      tpu.wait_indirect_dma semaphore(%arg26 : memref<!tpu.dma_semaphore, #tpu.memory_space<semaphore_mem>>) src(%dma_wait3A_205 : memref<10000x64xf32, #tpu.memory_space<hbm>>) dst(%arg19 : memref<128x64xf32, #tpu.memory_space<vmem>>)
      %dma_start3A_206 = arith.constant 5 : i32
      %dma_start3A_207 = arith.constant 0 : i32
      %dma_start3A_208 = tpu.memref_slice %arg17[%dma_start3A_206, %dma_start3A_207] : memref<8x128xi32, #tpu.memory_space<vmem>> -> memref<1x128xi32, #tpu.memory_space<vmem>>
      %dma_start3A_209 = tpu.memref_squeeze %dma_start3A_208 : memref<1x128xi32, #tpu.memory_space<vmem>> -> memref<128xi32, #tpu.memory_space<vmem>>
      %dma_start3A_210 = arith.constant 0 : i32
      %dma_start3A_211 = arith.constant 0 : i32
      %dma_start3A_212 = tpu.memref_slice %arg23[%dma_start3A_210, %dma_start3A_211] : memref<10240x64xf32, #tpu.memory_space<vmem_shared>> -> memref<10240x64xf32, #tpu.memory_space<vmem_shared>>
      tpu.enqueue_indirect_dma source(%arg19 : memref<128x64xf32, #tpu.memory_space<vmem>>) target(%dma_start3A_212 : memref<10240x64xf32, #tpu.memory_space<vmem_shared>>) offsets(%dma_start3A_209 : memref<128xi32, #tpu.memory_space<vmem>>) semaphore(%arg28 : memref<!tpu.dma_semaphore, #tpu.memory_space<semaphore_mem>>) {add = true}
      %dma_wait3A_213 = arith.constant 4 : i32
      %dma_wait3A_214 = arith.constant 0 : i32
      %dma_wait3A_215 = tpu.memref_slice %arg17[%dma_wait3A_213, %dma_wait3A_214] : memref<8x128xi32, #tpu.memory_space<vmem>> -> memref<1x128xi32, #tpu.memory_space<vmem>>
      %dma_wait3A_216 = tpu.memref_squeeze %dma_wait3A_215 : memref<1x128xi32, #tpu.memory_space<vmem>> -> memref<128xi32, #tpu.memory_space<vmem>>
      %dma_wait3A_217 = arith.constant 0 : i32
      %dma_wait3A_218 = arith.constant 0 : i32
      %dma_wait3A_219 = tpu.memref_slice %arg23[%dma_wait3A_217, %dma_wait3A_218] : memref<10240x64xf32, #tpu.memory_space<vmem_shared>> -> memref<10240x64xf32, #tpu.memory_space<vmem_shared>>
      tpu.wait_indirect_dma semaphore(%arg27 : memref<!tpu.dma_semaphore, #tpu.memory_space<semaphore_mem>>) src(%arg18 : memref<128x64xf32, #tpu.memory_space<vmem>>) dst(%dma_wait3A_219 : memref<10240x64xf32, #tpu.memory_space<vmem_shared>>)
      %eq3A_220 = arith.constant 0 : i32
      %eq3A_221 = arith.cmpi eq, %arg0, %eq3A_220 : i32
      %convert_element_type3A_222 = arith.extui %eq3A_221 : i1 to i32
      %cond3A_223 = arith.constant 0 : i32
      %cond3A_224 = arith.cmpi ne, %convert_element_type3A_222, %cond3A_223 : i32
      scf.if %cond3A_224 {
        %dma_start3A_289 = arith.constant 6 : i32
        %dma_start3A_290 = arith.constant 0 : i32
        %dma_start3A_291 = tpu.memref_slice %arg16[%dma_start3A_289, %dma_start3A_290] : memref<8x128xi32, #tpu.memory_space<vmem>> -> memref<1x128xi32, #tpu.memory_space<vmem>>
        %dma_start3A_292 = tpu.memref_squeeze %dma_start3A_291 : memref<1x128xi32, #tpu.memory_space<vmem>> -> memref<128xi32, #tpu.memory_space<vmem>>
        %dma_start3A_293 = arith.constant 0 : i32
        %dma_start3A_294 = arith.constant 0 : i32
        %dma_start3A_295 = tpu.memref_slice %arg5[%dma_start3A_293, %dma_start3A_294] : memref<10000x64xf32, #tpu.memory_space<hbm>> -> memref<10000x64xf32, #tpu.memory_space<hbm>>
        tpu.enqueue_indirect_dma source(%dma_start3A_295 : memref<10000x64xf32, #tpu.memory_space<hbm>>) target(%arg18 : memref<128x64xf32, #tpu.memory_space<vmem>>) offsets(%dma_start3A_292 : memref<128xi32, #tpu.memory_space<vmem>>) semaphore(%arg25 : memref<!tpu.dma_semaphore, #tpu.memory_space<semaphore_mem>>)
      } else {
      }
      %eq3A_225 = arith.constant 1 : i32
      %eq3A_226 = arith.cmpi eq, %arg0, %eq3A_225 : i32
      %convert_element_type3A_227 = arith.extui %eq3A_226 : i1 to i32
      %cond3A_228 = arith.constant 0 : i32
      %cond3A_229 = arith.cmpi ne, %convert_element_type3A_227, %cond3A_228 : i32
      scf.if %cond3A_229 {
        %dma_start3A_289 = arith.constant 6 : i32
        %dma_start3A_290 = arith.constant 0 : i32
        %dma_start3A_291 = tpu.memref_slice %arg16[%dma_start3A_289, %dma_start3A_290] : memref<8x128xi32, #tpu.memory_space<vmem>> -> memref<1x128xi32, #tpu.memory_space<vmem>>
        %dma_start3A_292 = tpu.memref_squeeze %dma_start3A_291 : memref<1x128xi32, #tpu.memory_space<vmem>> -> memref<128xi32, #tpu.memory_space<vmem>>
        %dma_start3A_293 = arith.constant 0 : i32
        %dma_start3A_294 = arith.constant 0 : i32
        %dma_start3A_295 = tpu.memref_slice %arg7[%dma_start3A_293, %dma_start3A_294] : memref<10000x64xf32, #tpu.memory_space<hbm>> -> memref<10000x64xf32, #tpu.memory_space<hbm>>
        tpu.enqueue_indirect_dma source(%dma_start3A_295 : memref<10000x64xf32, #tpu.memory_space<hbm>>) target(%arg18 : memref<128x64xf32, #tpu.memory_space<vmem>>) offsets(%dma_start3A_292 : memref<128xi32, #tpu.memory_space<vmem>>) semaphore(%arg25 : memref<!tpu.dma_semaphore, #tpu.memory_space<semaphore_mem>>)
      } else {
      }
      %dma_wait3A_230 = arith.constant 6 : i32
      %dma_wait3A_231 = arith.constant 0 : i32
      %dma_wait3A_232 = tpu.memref_slice %arg16[%dma_wait3A_230, %dma_wait3A_231] : memref<8x128xi32, #tpu.memory_space<vmem>> -> memref<1x128xi32, #tpu.memory_space<vmem>>
      %dma_wait3A_233 = tpu.memref_squeeze %dma_wait3A_232 : memref<1x128xi32, #tpu.memory_space<vmem>> -> memref<128xi32, #tpu.memory_space<vmem>>
      %dma_wait3A_234 = arith.constant 0 : i32
      %dma_wait3A_235 = arith.constant 0 : i32
      %dma_wait3A_236 = tpu.memref_slice %arg5[%dma_wait3A_234, %dma_wait3A_235] : memref<10000x64xf32, #tpu.memory_space<hbm>> -> memref<10000x64xf32, #tpu.memory_space<hbm>>
      tpu.wait_indirect_dma semaphore(%arg25 : memref<!tpu.dma_semaphore, #tpu.memory_space<semaphore_mem>>) src(%dma_wait3A_236 : memref<10000x64xf32, #tpu.memory_space<hbm>>) dst(%arg18 : memref<128x64xf32, #tpu.memory_space<vmem>>)
      %dma_start3A_237 = arith.constant 6 : i32
      %dma_start3A_238 = arith.constant 0 : i32
      %dma_start3A_239 = tpu.memref_slice %arg17[%dma_start3A_237, %dma_start3A_238] : memref<8x128xi32, #tpu.memory_space<vmem>> -> memref<1x128xi32, #tpu.memory_space<vmem>>
      %dma_start3A_240 = tpu.memref_squeeze %dma_start3A_239 : memref<1x128xi32, #tpu.memory_space<vmem>> -> memref<128xi32, #tpu.memory_space<vmem>>
      %dma_start3A_241 = arith.constant 0 : i32
      %dma_start3A_242 = arith.constant 0 : i32
      %dma_start3A_243 = tpu.memref_slice %arg23[%dma_start3A_241, %dma_start3A_242] : memref<10240x64xf32, #tpu.memory_space<vmem_shared>> -> memref<10240x64xf32, #tpu.memory_space<vmem_shared>>
      tpu.enqueue_indirect_dma source(%arg18 : memref<128x64xf32, #tpu.memory_space<vmem>>) target(%dma_start3A_243 : memref<10240x64xf32, #tpu.memory_space<vmem_shared>>) offsets(%dma_start3A_240 : memref<128xi32, #tpu.memory_space<vmem>>) semaphore(%arg27 : memref<!tpu.dma_semaphore, #tpu.memory_space<semaphore_mem>>) {add = true}
      %dma_wait3A_244 = arith.constant 5 : i32
      %dma_wait3A_245 = arith.constant 0 : i32
      %dma_wait3A_246 = tpu.memref_slice %arg17[%dma_wait3A_244, %dma_wait3A_245] : memref<8x128xi32, #tpu.memory_space<vmem>> -> memref<1x128xi32, #tpu.memory_space<vmem>>
      %dma_wait3A_247 = tpu.memref_squeeze %dma_wait3A_246 : memref<1x128xi32, #tpu.memory_space<vmem>> -> memref<128xi32, #tpu.memory_space<vmem>>
      %dma_wait3A_248 = arith.constant 0 : i32
      %dma_wait3A_249 = arith.constant 0 : i32
      %dma_wait3A_250 = tpu.memref_slice %arg23[%dma_wait3A_248, %dma_wait3A_249] : memref<10240x64xf32, #tpu.memory_space<vmem_shared>> -> memref<10240x64xf32, #tpu.memory_space<vmem_shared>>
      tpu.wait_indirect_dma semaphore(%arg28 : memref<!tpu.dma_semaphore, #tpu.memory_space<semaphore_mem>>) src(%arg19 : memref<128x64xf32, #tpu.memory_space<vmem>>) dst(%dma_wait3A_250 : memref<10240x64xf32, #tpu.memory_space<vmem_shared>>)
      %eq3A_251 = arith.constant 0 : i32
      %eq3A_252 = arith.cmpi eq, %arg0, %eq3A_251 : i32
      %convert_element_type3A_253 = arith.extui %eq3A_252 : i1 to i32
      %cond3A_254 = arith.constant 0 : i32
      %cond3A_255 = arith.cmpi ne, %convert_element_type3A_253, %cond3A_254 : i32
      scf.if %cond3A_255 {
        %dma_start3A_289 = arith.constant 7 : i32
        %dma_start3A_290 = arith.constant 0 : i32
        %dma_start3A_291 = tpu.memref_slice %arg16[%dma_start3A_289, %dma_start3A_290] : memref<8x128xi32, #tpu.memory_space<vmem>> -> memref<1x128xi32, #tpu.memory_space<vmem>>
        %dma_start3A_292 = tpu.memref_squeeze %dma_start3A_291 : memref<1x128xi32, #tpu.memory_space<vmem>> -> memref<128xi32, #tpu.memory_space<vmem>>
        %dma_start3A_293 = arith.constant 0 : i32
        %dma_start3A_294 = arith.constant 0 : i32
        %dma_start3A_295 = tpu.memref_slice %arg5[%dma_start3A_293, %dma_start3A_294] : memref<10000x64xf32, #tpu.memory_space<hbm>> -> memref<10000x64xf32, #tpu.memory_space<hbm>>
        tpu.enqueue_indirect_dma source(%dma_start3A_295 : memref<10000x64xf32, #tpu.memory_space<hbm>>) target(%arg19 : memref<128x64xf32, #tpu.memory_space<vmem>>) offsets(%dma_start3A_292 : memref<128xi32, #tpu.memory_space<vmem>>) semaphore(%arg26 : memref<!tpu.dma_semaphore, #tpu.memory_space<semaphore_mem>>)
      } else {
      }
      %eq3A_256 = arith.constant 1 : i32
      %eq3A_257 = arith.cmpi eq, %arg0, %eq3A_256 : i32
      %convert_element_type3A_258 = arith.extui %eq3A_257 : i1 to i32
      %cond3A_259 = arith.constant 0 : i32
      %cond3A_260 = arith.cmpi ne, %convert_element_type3A_258, %cond3A_259 : i32
      scf.if %cond3A_260 {
        %dma_start3A_289 = arith.constant 7 : i32
        %dma_start3A_290 = arith.constant 0 : i32
        %dma_start3A_291 = tpu.memref_slice %arg16[%dma_start3A_289, %dma_start3A_290] : memref<8x128xi32, #tpu.memory_space<vmem>> -> memref<1x128xi32, #tpu.memory_space<vmem>>
        %dma_start3A_292 = tpu.memref_squeeze %dma_start3A_291 : memref<1x128xi32, #tpu.memory_space<vmem>> -> memref<128xi32, #tpu.memory_space<vmem>>
        %dma_start3A_293 = arith.constant 0 : i32
        %dma_start3A_294 = arith.constant 0 : i32
        %dma_start3A_295 = tpu.memref_slice %arg7[%dma_start3A_293, %dma_start3A_294] : memref<10000x64xf32, #tpu.memory_space<hbm>> -> memref<10000x64xf32, #tpu.memory_space<hbm>>
        tpu.enqueue_indirect_dma source(%dma_start3A_295 : memref<10000x64xf32, #tpu.memory_space<hbm>>) target(%arg19 : memref<128x64xf32, #tpu.memory_space<vmem>>) offsets(%dma_start3A_292 : memref<128xi32, #tpu.memory_space<vmem>>) semaphore(%arg26 : memref<!tpu.dma_semaphore, #tpu.memory_space<semaphore_mem>>)
      } else {
      }
      %dma_wait3A_261 = arith.constant 7 : i32
      %dma_wait3A_262 = arith.constant 0 : i32
      %dma_wait3A_263 = tpu.memref_slice %arg16[%dma_wait3A_261, %dma_wait3A_262] : memref<8x128xi32, #tpu.memory_space<vmem>> -> memref<1x128xi32, #tpu.memory_space<vmem>>
      %dma_wait3A_264 = tpu.memref_squeeze %dma_wait3A_263 : memref<1x128xi32, #tpu.memory_space<vmem>> -> memref<128xi32, #tpu.memory_space<vmem>>
      %dma_wait3A_265 = arith.constant 0 : i32
      %dma_wait3A_266 = arith.constant 0 : i32
      %dma_wait3A_267 = tpu.memref_slice %arg5[%dma_wait3A_265, %dma_wait3A_266] : memref<10000x64xf32, #tpu.memory_space<hbm>> -> memref<10000x64xf32, #tpu.memory_space<hbm>>
      tpu.wait_indirect_dma semaphore(%arg26 : memref<!tpu.dma_semaphore, #tpu.memory_space<semaphore_mem>>) src(%dma_wait3A_267 : memref<10000x64xf32, #tpu.memory_space<hbm>>) dst(%arg19 : memref<128x64xf32, #tpu.memory_space<vmem>>)
      %dma_start3A_268 = arith.constant 7 : i32
      %dma_start3A_269 = arith.constant 0 : i32
      %dma_start3A_270 = tpu.memref_slice %arg17[%dma_start3A_268, %dma_start3A_269] : memref<8x128xi32, #tpu.memory_space<vmem>> -> memref<1x128xi32, #tpu.memory_space<vmem>>
      %dma_start3A_271 = tpu.memref_squeeze %dma_start3A_270 : memref<1x128xi32, #tpu.memory_space<vmem>> -> memref<128xi32, #tpu.memory_space<vmem>>
      %dma_start3A_272 = arith.constant 0 : i32
      %dma_start3A_273 = arith.constant 0 : i32
      %dma_start3A_274 = tpu.memref_slice %arg23[%dma_start3A_272, %dma_start3A_273] : memref<10240x64xf32, #tpu.memory_space<vmem_shared>> -> memref<10240x64xf32, #tpu.memory_space<vmem_shared>>
      tpu.enqueue_indirect_dma source(%arg19 : memref<128x64xf32, #tpu.memory_space<vmem>>) target(%dma_start3A_274 : memref<10240x64xf32, #tpu.memory_space<vmem_shared>>) offsets(%dma_start3A_271 : memref<128xi32, #tpu.memory_space<vmem>>) semaphore(%arg28 : memref<!tpu.dma_semaphore, #tpu.memory_space<semaphore_mem>>) {add = true}
      %dma_wait3A_275 = arith.constant 6 : i32
      %dma_wait3A_276 = arith.constant 0 : i32
      %dma_wait3A_277 = tpu.memref_slice %arg17[%dma_wait3A_275, %dma_wait3A_276] : memref<8x128xi32, #tpu.memory_space<vmem>> -> memref<1x128xi32, #tpu.memory_space<vmem>>
      %dma_wait3A_278 = tpu.memref_squeeze %dma_wait3A_277 : memref<1x128xi32, #tpu.memory_space<vmem>> -> memref<128xi32, #tpu.memory_space<vmem>>
      %dma_wait3A_279 = arith.constant 0 : i32
      %dma_wait3A_280 = arith.constant 0 : i32
      %dma_wait3A_281 = tpu.memref_slice %arg23[%dma_wait3A_279, %dma_wait3A_280] : memref<10240x64xf32, #tpu.memory_space<vmem_shared>> -> memref<10240x64xf32, #tpu.memory_space<vmem_shared>>
      tpu.wait_indirect_dma semaphore(%arg27 : memref<!tpu.dma_semaphore, #tpu.memory_space<semaphore_mem>>) src(%arg18 : memref<128x64xf32, #tpu.memory_space<vmem>>) dst(%dma_wait3A_281 : memref<10240x64xf32, #tpu.memory_space<vmem_shared>>)
      %dma_wait3A_282 = arith.constant 7 : i32
      %dma_wait3A_283 = arith.constant 0 : i32
      %dma_wait3A_284 = tpu.memref_slice %arg17[%dma_wait3A_282, %dma_wait3A_283] : memref<8x128xi32, #tpu.memory_space<vmem>> -> memref<1x128xi32, #tpu.memory_space<vmem>>
      %dma_wait3A_285 = tpu.memref_squeeze %dma_wait3A_284 : memref<1x128xi32, #tpu.memory_space<vmem>> -> memref<128xi32, #tpu.memory_space<vmem>>
      %dma_wait3A_286 = arith.constant 0 : i32
      %dma_wait3A_287 = arith.constant 0 : i32
      %dma_wait3A_288 = tpu.memref_slice %arg23[%dma_wait3A_286, %dma_wait3A_287] : memref<10240x64xf32, #tpu.memory_space<vmem_shared>> -> memref<10240x64xf32, #tpu.memory_space<vmem_shared>>
      tpu.wait_indirect_dma semaphore(%arg28 : memref<!tpu.dma_semaphore, #tpu.memory_space<semaphore_mem>>) src(%arg19 : memref<128x64xf32, #tpu.memory_space<vmem>>) dst(%dma_wait3A_288 : memref<10240x64xf32, #tpu.memory_space<vmem_shared>>)
    }
    %scan3A_26 = arith.constant 20 : i32
    %barrier3A_27 = arith.constant 0 : index
    tpu.barrier barrier_id(%barrier3A_27)
    "tpu.region"() ({
      %run_scoped3A = tpu.sem_alloc : memref<!tpu.dma_semaphore, #tpu.memory_space<semaphore_mem>>
      %dma_start3A = arith.constant 0 : i32
      %dma_start3A_38 = tpu.memref_slice %arg23[%mul3A_0, %dma_start3A] : memref<10240x64xf32, #tpu.memory_space<vmem_shared>> -> memref<640x64xf32, #tpu.memory_space<vmem_shared>>
      %dma_start3A_39 = arith.constant 0 : i32
      %dma_start3A_40 = tpu.memref_slice %arg23[%mul3A_0, %dma_start3A_39] : memref<10240x64xf32, #tpu.memory_space<vmem_shared>> -> memref<640x64xf32, #tpu.memory_space<vmem_shared>>
      tpu.enqueue_dma source(%dma_start3A_40 : memref<640x64xf32, #tpu.memory_space<vmem_shared>>) target(%arg21 : memref<640x64xf32, #tpu.memory_space<vmem>>) target_semaphore(%run_scoped3A : memref<!tpu.dma_semaphore, #tpu.memory_space<semaphore_mem>>)
      %dma_wait3A = arith.constant 0 : i32
      %dma_wait3A_41 = tpu.memref_slice %arg23[%mul3A_0, %dma_wait3A] : memref<10240x64xf32, #tpu.memory_space<vmem_shared>> -> memref<640x64xf32, #tpu.memory_space<vmem_shared>>
      %dma_wait3A_42 = arith.constant 0 : i32
      %dma_wait3A_43 = tpu.memref_slice %arg23[%mul3A_0, %dma_wait3A_42] : memref<10240x64xf32, #tpu.memory_space<vmem_shared>> -> memref<640x64xf32, #tpu.memory_space<vmem_shared>>
      tpu.wait_dma2 semaphore(%run_scoped3A : memref<!tpu.dma_semaphore, #tpu.memory_space<semaphore_mem>>) src(%dma_wait3A_43 : memref<640x64xf32, #tpu.memory_space<vmem_shared>>) dst(%arg21 : memref<640x64xf32, #tpu.memory_space<vmem>>)
      tpu.yield
    }) : () -> ()
    %eq3A_28 = arith.constant 0 : i32
    %eq3A_29 = arith.cmpi eq, %arg0, %eq3A_28 : i32
    %convert_element_type3A_30 = arith.extui %eq3A_29 : i1 to i32
    %cond3A_31 = arith.constant 0 : i32
    %cond3A_32 = arith.cmpi ne, %convert_element_type3A_30, %cond3A_31 : i32
    scf.if %cond3A_32 {
      "tpu.region"() ({
        %run_scoped3A = tpu.sem_alloc : memref<!tpu.dma_semaphore, #tpu.memory_space<semaphore_mem>>
        %dma_start3A = arith.constant 0 : i32
        %dma_start3A_38 = tpu.memref_slice %arg12[%mul3A_0, %dma_start3A] : memref<10240x64xf32, #tpu.memory_space<hbm>> -> memref<640x64xf32, #tpu.memory_space<hbm>>
        %dma_start3A_39 = arith.constant 0 : i32
        %dma_start3A_40 = tpu.memref_slice %arg12[%mul3A_0, %dma_start3A_39] : memref<10240x64xf32, #tpu.memory_space<hbm>> -> memref<640x64xf32, #tpu.memory_space<hbm>>
        tpu.enqueue_dma source(%arg21 : memref<640x64xf32, #tpu.memory_space<vmem>>) target(%dma_start3A_40 : memref<640x64xf32, #tpu.memory_space<hbm>>) target_semaphore(%run_scoped3A : memref<!tpu.dma_semaphore, #tpu.memory_space<semaphore_mem>>)
        %dma_wait3A = arith.constant 0 : i32
        %dma_wait3A_41 = tpu.memref_slice %arg12[%mul3A_0, %dma_wait3A] : memref<10240x64xf32, #tpu.memory_space<hbm>> -> memref<640x64xf32, #tpu.memory_space<hbm>>
        %dma_wait3A_42 = arith.constant 0 : i32
        %dma_wait3A_43 = tpu.memref_slice %arg12[%mul3A_0, %dma_wait3A_42] : memref<10240x64xf32, #tpu.memory_space<hbm>> -> memref<640x64xf32, #tpu.memory_space<hbm>>
        tpu.wait_dma2 semaphore(%run_scoped3A : memref<!tpu.dma_semaphore, #tpu.memory_space<semaphore_mem>>) src(%arg21 : memref<640x64xf32, #tpu.memory_space<vmem>>) dst(%dma_wait3A_43 : memref<640x64xf32, #tpu.memory_space<hbm>>)
        tpu.yield
      }) : () -> ()
    } else {
    }
    %eq3A_33 = arith.constant 1 : i32
    %eq3A_34 = arith.cmpi eq, %arg0, %eq3A_33 : i32
    %convert_element_type3A_35 = arith.extui %eq3A_34 : i1 to i32
    %cond3A_36 = arith.constant 0 : i32
    %cond3A_37 = arith.cmpi ne, %convert_element_type3A_35, %cond3A_36 : i32
    scf.if %cond3A_37 {
      "tpu.region"() ({
        %run_scoped3A = tpu.sem_alloc : memref<!tpu.dma_semaphore, #tpu.memory_space<semaphore_mem>>
        %dma_start3A = arith.constant 0 : i32
        %dma_start3A_38 = tpu.memref_slice %arg14[%mul3A_0, %dma_start3A] : memref<10240x64xf32, #tpu.memory_space<hbm>> -> memref<640x64xf32, #tpu.memory_space<hbm>>
        %dma_start3A_39 = arith.constant 0 : i32
        %dma_start3A_40 = tpu.memref_slice %arg14[%mul3A_0, %dma_start3A_39] : memref<10240x64xf32, #tpu.memory_space<hbm>> -> memref<640x64xf32, #tpu.memory_space<hbm>>
        tpu.enqueue_dma source(%arg21 : memref<640x64xf32, #tpu.memory_space<vmem>>) target(%dma_start3A_40 : memref<640x64xf32, #tpu.memory_space<hbm>>) target_semaphore(%run_scoped3A : memref<!tpu.dma_semaphore, #tpu.memory_space<semaphore_mem>>)
        %dma_wait3A = arith.constant 0 : i32
        %dma_wait3A_41 = tpu.memref_slice %arg14[%mul3A_0, %dma_wait3A] : memref<10240x64xf32, #tpu.memory_space<hbm>> -> memref<640x64xf32, #tpu.memory_space<hbm>>
        %dma_wait3A_42 = arith.constant 0 : i32
        %dma_wait3A_43 = tpu.memref_slice %arg14[%mul3A_0, %dma_wait3A_42] : memref<10240x64xf32, #tpu.memory_space<hbm>> -> memref<640x64xf32, #tpu.memory_space<hbm>>
        tpu.wait_dma2 semaphore(%run_scoped3A : memref<!tpu.dma_semaphore, #tpu.memory_space<semaphore_mem>>) src(%arg21 : memref<640x64xf32, #tpu.memory_space<vmem>>) dst(%dma_wait3A_43 : memref<640x64xf32, #tpu.memory_space<hbm>>)
        tpu.yield
      }) : () -> ()
    } else {
    }
    return
  }
}

module attributes {stable_mosaic.version = 14 : i64} {
  func.func @_msg_body(%arg0: i32, %arg1: memref<1000x128xf32, #tpu.memory_space<vmem>>, %arg2: memref<1000x128xf32, #tpu.memory_space<vmem>>, %arg3: memref<128x128xf32, #tpu.memory_space<vmem>>, %arg4: memref<128x128xf32, #tpu.memory_space<vmem>>, %arg5: memref<1x128xf32, #tpu.memory_space<vmem>>, %arg6: memref<1x128xf32, #tpu.memory_space<vmem>>, %arg7: memref<1x128xf32, #tpu.memory_space<vmem>>, %arg8: memref<1000x64xf32, #tpu.memory_space<vmem>>, %arg9: memref<1000x64xf32, #tpu.memory_space<vmem>>) attributes {dimension_semantics = [#tpu.dimension_semantics<arbitrary>], iteration_bounds = array<i64: 10>, scalar_prefetch = 0 : i64, scratch_operands = 0 : i64, tpu.core_type = #tpu.core_type<tc>, window_params = [{transform_indices = @transform_0, window_bounds = array<i64: 1000, 128>}, {transform_indices = @transform_1, window_bounds = array<i64: 1000, 128>}, {pipeline_mode = #tpu.pipeline_mode<synchronous>, transform_indices = @transform_2, window_bounds = array<i64: 128, 128>}, {pipeline_mode = #tpu.pipeline_mode<synchronous>, transform_indices = @transform_3, window_bounds = array<i64: 128, 128>}, {pipeline_mode = #tpu.pipeline_mode<synchronous>, transform_indices = @transform_4, window_bounds = array<i64: 1, 128>}, {pipeline_mode = #tpu.pipeline_mode<synchronous>, transform_indices = @transform_5, window_bounds = array<i64: 1, 128>}, {pipeline_mode = #tpu.pipeline_mode<synchronous>, transform_indices = @transform_6, window_bounds = array<i64: 1, 128>}, {transform_indices = @transform_7, window_bounds = array<i64: 1000, 64>}, {transform_indices = @transform_8, window_bounds = array<i64: 1000, 64>}]} {
    %get3A = arith.constant 0 : index
    %get3A_0 = arith.constant 0 : index
    %get3A_1 = vector.load %arg1[%get3A, %get3A_0] : memref<1000x128xf32, #tpu.memory_space<vmem>>, vector<1000x128xf32>
    %get3A_2 = arith.constant 0 : index
    %get3A_3 = arith.constant 0 : index
    %get3A_4 = vector.load %arg3[%get3A_2, %get3A_3] : memref<128x128xf32, #tpu.memory_space<vmem>>, vector<128x128xf32>
    %dot_general3A = arith.constant dense<0.000000e+00> : vector<1000x128xf32>
    %dot_general3A_5 = tpu.matmul %get3A_1, %get3A_4, %dot_general3A {dimension_numbers = #tpu.dot_dimension_numbers<[1], [0], [0], [1], [0, 0, 1, 1], [], []>, transpose_lhs_hint = false} : vector<1000x128xf32>, vector<128x128xf32>, vector<1000x128xf32> -> vector<1000x128xf32>
    %get3A_6 = arith.constant 0 : index
    %get3A_7 = arith.constant 0 : index
    %get3A_8 = vector.load %arg2[%get3A_6, %get3A_7] : memref<1000x128xf32, #tpu.memory_space<vmem>>, vector<1000x128xf32>
    %get3A_9 = arith.constant 0 : index
    %get3A_10 = arith.constant 0 : index
    %get3A_11 = vector.load %arg4[%get3A_9, %get3A_10] : memref<128x128xf32, #tpu.memory_space<vmem>>, vector<128x128xf32>
    %dot_general3A_12 = arith.constant dense<0.000000e+00> : vector<1000x128xf32>
    %dot_general3A_13 = tpu.matmul %get3A_8, %get3A_11, %dot_general3A_12 {dimension_numbers = #tpu.dot_dimension_numbers<[1], [0], [0], [1], [0, 0, 1, 1], [], []>, transpose_lhs_hint = false} : vector<1000x128xf32>, vector<128x128xf32>, vector<1000x128xf32> -> vector<1000x128xf32>
    %add3A = arith.addf %dot_general3A_5, %dot_general3A_13 : vector<1000x128xf32>
    %get3A_14 = arith.constant 0 : index
    %get3A_15 = arith.constant 0 : index
    %get3A_16 = vector.load %arg5[%get3A_14, %get3A_15] : memref<1x128xf32, #tpu.memory_space<vmem>>, vector<1x128xf32>
    %add3A_17 = vector.broadcast %get3A_16 : vector<1x128xf32> to vector<1000x128xf32>
    %add3A_18 = arith.addf %add3A, %add3A_17 : vector<1000x128xf32>
    %reduce_sum3A = arith.constant dense<0.000000e+00> : vector<1000xf32>
    %reduce_sum3A_19 = vector.multi_reduction <add>, %add3A_18, %reduce_sum3A [1] : vector<1000x128xf32> to vector<1000xf32>
    %broadcast_in_dim3A = vector.shape_cast %reduce_sum3A_19 : vector<1000xf32> to vector<1000x1xf32>
    %div3A = arith.constant 1.280000e+02 : f32
    %div3A_20 = vector.broadcast %div3A : f32 to vector<1000x1xf32>
    %div3A_21 = arith.divf %broadcast_in_dim3A, %div3A_20 : vector<1000x1xf32>
    %sub3A = vector.broadcast %div3A_21 : vector<1000x1xf32> to vector<1000x128xf32>
    %sub3A_22 = arith.subf %add3A_18, %sub3A : vector<1000x128xf32>
    %integer_pow3A = arith.mulf %sub3A_22, %sub3A_22 : vector<1000x128xf32>
    %reduce_sum3A_23 = arith.constant dense<0.000000e+00> : vector<1000xf32>
    %reduce_sum3A_24 = vector.multi_reduction <add>, %integer_pow3A, %reduce_sum3A_23 [1] : vector<1000x128xf32> to vector<1000xf32>
    %broadcast_in_dim3A_25 = vector.shape_cast %reduce_sum3A_24 : vector<1000xf32> to vector<1000x1xf32>
    %div3A_26 = arith.constant 1.280000e+02 : f32
    %div3A_27 = vector.broadcast %div3A_26 : f32 to vector<1000x1xf32>
    %div3A_28 = arith.divf %broadcast_in_dim3A_25, %div3A_27 : vector<1000x1xf32>
    %sub3A_29 = vector.broadcast %div3A_21 : vector<1000x1xf32> to vector<1000x128xf32>
    %sub3A_30 = arith.subf %add3A_18, %sub3A_29 : vector<1000x128xf32>
    %add3A_31 = arith.constant 9.99999974E-6 : f32
    %add3A_32 = vector.broadcast %add3A_31 : f32 to vector<1000x1xf32>
    %add3A_33 = arith.addf %div3A_28, %add3A_32 : vector<1000x1xf32>
    %sqrt3A = math.sqrt %add3A_33 : vector<1000x1xf32>
    %div3A_34 = vector.broadcast %sqrt3A : vector<1000x1xf32> to vector<1000x128xf32>
    %div3A_35 = arith.divf %sub3A_30, %div3A_34 : vector<1000x128xf32>
    %get3A_36 = arith.constant 0 : index
    %get3A_37 = arith.constant 0 : index
    %get3A_38 = vector.load %arg6[%get3A_36, %get3A_37] : memref<1x128xf32, #tpu.memory_space<vmem>>, vector<1x128xf32>
    %mul3A = vector.broadcast %get3A_38 : vector<1x128xf32> to vector<1000x128xf32>
    %mul3A_39 = arith.mulf %div3A_35, %mul3A : vector<1000x128xf32>
    %get3A_40 = arith.constant 0 : index
    %get3A_41 = arith.constant 0 : index
    %get3A_42 = vector.load %arg7[%get3A_40, %get3A_41] : memref<1x128xf32, #tpu.memory_space<vmem>>, vector<1x128xf32>
    %add3A_43 = vector.broadcast %get3A_42 : vector<1x128xf32> to vector<1000x128xf32>
    %add3A_44 = arith.addf %mul3A_39, %add3A_43 : vector<1000x128xf32>
    %max3A = arith.constant 0.000000e+00 : f32
    %max3A_45 = vector.broadcast %max3A : f32 to vector<1000x128xf32>
    %max3A_46 = arith.maximumf %add3A_44, %max3A_45 : vector<1000x128xf32>
    %slice3A = vector.extract_strided_slice %max3A_46 {offsets = [0, 0], sizes = [1000, 64], strides = [1, 1]} : vector<1000x128xf32> to vector<1000x64xf32>
    %swap3A = arith.constant 0 : index
    %swap3A_47 = arith.constant 0 : index
    %swap3A_48 = vector.load %arg8[%swap3A, %swap3A_47] : memref<1000x64xf32, #tpu.memory_space<vmem>>, vector<1000x64xf32>
    tpu.vector_store %arg8[%swap3A, %swap3A_47], %slice3A {strides = array<i32>} : memref<1000x64xf32, #tpu.memory_space<vmem>>, vector<1000x64xf32>,
    %slice3A_49 = vector.extract_strided_slice %max3A_46 {offsets = [0, 64], sizes = [1000, 64], strides = [1, 1]} : vector<1000x128xf32> to vector<1000x64xf32>
    %swap3A_50 = arith.constant 0 : index
    %swap3A_51 = arith.constant 0 : index
    %swap3A_52 = vector.load %arg9[%swap3A_50, %swap3A_51] : memref<1000x64xf32, #tpu.memory_space<vmem>>, vector<1000x64xf32>
    tpu.vector_store %arg9[%swap3A_50, %swap3A_51], %slice3A_49 {strides = array<i32>} : memref<1000x64xf32, #tpu.memory_space<vmem>>, vector<1000x64xf32>,
    return
  }
  func.func @transform_0(%arg0: i32) -> (i32, i32) {
    %c0_i32 = arith.constant 0 : i32
    %c0_i32_0 = arith.constant 0 : i32
    return %arg0, %c0_i32 : i32, i32
  }
  func.func @transform_1(%arg0: i32) -> (i32, i32) {
    %c0_i32 = arith.constant 0 : i32
    %c0_i32_0 = arith.constant 0 : i32
    return %arg0, %c0_i32 : i32, i32
  }
  func.func @transform_2(%arg0: i32) -> (i32, i32) {
    %c0_i32 = arith.constant 0 : i32
    %c0_i32_0 = arith.constant 0 : i32
    %c0_i32_1 = arith.constant 0 : i32
    return %c0_i32, %c0_i32_0 : i32, i32
  }
  func.func @transform_3(%arg0: i32) -> (i32, i32) {
    %c0_i32 = arith.constant 0 : i32
    %c0_i32_0 = arith.constant 0 : i32
    %c0_i32_1 = arith.constant 0 : i32
    return %c0_i32, %c0_i32_0 : i32, i32
  }
  func.func @transform_4(%arg0: i32) -> (i32, i32) {
    %c0_i32 = arith.constant 0 : i32
    %c0_i32_0 = arith.constant 0 : i32
    %c0_i32_1 = arith.constant 0 : i32
    return %c0_i32, %c0_i32_0 : i32, i32
  }
  func.func @transform_5(%arg0: i32) -> (i32, i32) {
    %c0_i32 = arith.constant 0 : i32
    %c0_i32_0 = arith.constant 0 : i32
    %c0_i32_1 = arith.constant 0 : i32
    return %c0_i32, %c0_i32_0 : i32, i32
  }
  func.func @transform_6(%arg0: i32) -> (i32, i32) {
    %c0_i32 = arith.constant 0 : i32
    %c0_i32_0 = arith.constant 0 : i32
    %c0_i32_1 = arith.constant 0 : i32
    return %c0_i32, %c0_i32_0 : i32, i32
  }
  func.func @transform_7(%arg0: i32) -> (i32, i32) {
    %c0_i32 = arith.constant 0 : i32
    %c0_i32_0 = arith.constant 0 : i32
    return %arg0, %c0_i32 : i32, i32
  }
  func.func @transform_8(%arg0: i32) -> (i32, i32) {
    %c0_i32 = arith.constant 0 : i32
    %c0_i32_0 = arith.constant 0 : i32
    return %arg0, %c0_i32 : i32, i32
  }
}

module attributes {stable_mosaic.version = 14 : i64} {
  func.func @_fin_body(%arg0: i32, %arg1: memref<1000x128xf32, #tpu.memory_space<vmem>>, %arg2: memref<1000x64xf32, #tpu.memory_space<vmem>>, %arg3: memref<1000x64xf32, #tpu.memory_space<vmem>>, %arg4: memref<1000x64xf32, #tpu.memory_space<vmem>>, %arg5: memref<1000x64xf32, #tpu.memory_space<vmem>>, %arg6: memref<1000x8xf32, #tpu.memory_space<vmem>>, %arg7: memref<128x128xf32, #tpu.memory_space<vmem>>, %arg8: memref<128x128xf32, #tpu.memory_space<vmem>>, %arg9: memref<1x128xf32, #tpu.memory_space<vmem>>, %arg10: memref<128x128xf32, #tpu.memory_space<vmem>>, %arg11: memref<128x128xf32, #tpu.memory_space<vmem>>, %arg12: memref<1x128xf32, #tpu.memory_space<vmem>>, %arg13: memref<1000x128xf32, #tpu.memory_space<vmem>>) attributes {dimension_semantics = [#tpu.dimension_semantics<arbitrary>], iteration_bounds = array<i64: 10>, scalar_prefetch = 0 : i64, scratch_operands = 0 : i64, tpu.core_type = #tpu.core_type<tc>, window_params = [{transform_indices = @transform_0, window_bounds = array<i64: 1000, 128>}, {transform_indices = @transform_1, window_bounds = array<i64: 1000, 64>}, {transform_indices = @transform_2, window_bounds = array<i64: 1000, 64>}, {transform_indices = @transform_3, window_bounds = array<i64: 1000, 64>}, {transform_indices = @transform_4, window_bounds = array<i64: 1000, 64>}, {transform_indices = @transform_5, window_bounds = array<i64: 1000, 8>}, {pipeline_mode = #tpu.pipeline_mode<synchronous>, transform_indices = @transform_6, window_bounds = array<i64: 128, 128>}, {pipeline_mode = #tpu.pipeline_mode<synchronous>, transform_indices = @transform_7, window_bounds = array<i64: 128, 128>}, {pipeline_mode = #tpu.pipeline_mode<synchronous>, transform_indices = @transform_8, window_bounds = array<i64: 1, 128>}, {pipeline_mode = #tpu.pipeline_mode<synchronous>, transform_indices = @transform_9, window_bounds = array<i64: 128, 128>}, {pipeline_mode = #tpu.pipeline_mode<synchronous>, transform_indices = @transform_10, window_bounds = array<i64: 128, 128>}, {pipeline_mode = #tpu.pipeline_mode<synchronous>, transform_indices = @transform_11, window_bounds = array<i64: 1, 128>}, {transform_indices = @transform_12, window_bounds = array<i64: 1000, 128>}]} {
    %get3A = arith.constant 0 : index
    %get3A_0 = arith.constant 0 : index
    %get3A_1 = vector.load %arg6[%get3A, %get3A_0] : memref<1000x8xf32, #tpu.memory_space<vmem>>, vector<1000x8xf32>
    %slice3A = vector.extract_strided_slice %get3A_1 {offsets = [0, 0], sizes = [1000, 1], strides = [1, 1]} : vector<1000x8xf32> to vector<1000x1xf32>
    %gt3A = arith.constant 0.000000e+00 : f32
    %gt3A_2 = vector.broadcast %gt3A : f32 to vector<1000x1xf32>
    %gt3A_3 = arith.cmpf ogt, %slice3A, %gt3A_2 : vector<1000x1xf32>
    %jit3A = arith.constant 1.000000e+00 : f32
    %broadcast_in_dim3A = vector.broadcast %jit3A : f32 to vector<1000x1xf32>
    %select_n3A = arith.select %gt3A_3, %slice3A, %broadcast_in_dim3A : vector<1000x1xi1>, vector<1000x1xf32>
    %div3A = arith.constant 1.000000e+00 : f32
    %div3A_4 = vector.broadcast %div3A : f32 to vector<1000x1xf32>
    %div3A_5 = arith.divf %div3A_4, %select_n3A : vector<1000x1xf32>
    %get3A_6 = arith.constant 0 : index
    %get3A_7 = arith.constant 0 : index
    %get3A_8 = vector.load %arg1[%get3A_6, %get3A_7] : memref<1000x128xf32, #tpu.memory_space<vmem>>, vector<1000x128xf32>
    %get3A_9 = arith.constant 0 : index
    %get3A_10 = arith.constant 0 : index
    %get3A_11 = vector.load %arg2[%get3A_9, %get3A_10] : memref<1000x64xf32, #tpu.memory_space<vmem>>, vector<1000x64xf32>
    %get3A_12 = arith.constant 0 : index
    %get3A_13 = arith.constant 0 : index
    %get3A_14 = vector.load %arg3[%get3A_12, %get3A_13] : memref<1000x64xf32, #tpu.memory_space<vmem>>, vector<1000x64xf32>
    %concatenate3A = tpu.concatenate %get3A_11, %get3A_14 in 1 : vector<1000x64xf32>, vector<1000x64xf32> -> vector<1000x128xf32>
    %mul3A = vector.broadcast %div3A_5 : vector<1000x1xf32> to vector<1000x128xf32>
    %mul3A_15 = arith.mulf %concatenate3A, %mul3A : vector<1000x128xf32>
    %get3A_16 = arith.constant 0 : index
    %get3A_17 = arith.constant 0 : index
    %get3A_18 = vector.load %arg4[%get3A_16, %get3A_17] : memref<1000x64xf32, #tpu.memory_space<vmem>>, vector<1000x64xf32>
    %get3A_19 = arith.constant 0 : index
    %get3A_20 = arith.constant 0 : index
    %get3A_21 = vector.load %arg5[%get3A_19, %get3A_20] : memref<1000x64xf32, #tpu.memory_space<vmem>>, vector<1000x64xf32>
    %concatenate3A_22 = tpu.concatenate %get3A_18, %get3A_21 in 1 : vector<1000x64xf32>, vector<1000x64xf32> -> vector<1000x128xf32>
    %mul3A_23 = vector.broadcast %div3A_5 : vector<1000x1xf32> to vector<1000x128xf32>
    %mul3A_24 = arith.mulf %concatenate3A_22, %mul3A_23 : vector<1000x128xf32>
    %get3A_25 = arith.constant 0 : index
    %get3A_26 = arith.constant 0 : index
    %get3A_27 = vector.load %arg7[%get3A_25, %get3A_26] : memref<128x128xf32, #tpu.memory_space<vmem>>, vector<128x128xf32>
    %dot_general3A = arith.constant dense<0.000000e+00> : vector<1000x128xf32>
    %dot_general3A_28 = tpu.matmul %get3A_8, %get3A_27, %dot_general3A {dimension_numbers = #tpu.dot_dimension_numbers<[1], [0], [0], [1], [0, 0, 1, 1], [], []>, transpose_lhs_hint = false} : vector<1000x128xf32>, vector<128x128xf32>, vector<1000x128xf32> -> vector<1000x128xf32>
    %get3A_29 = arith.constant 0 : index
    %get3A_30 = arith.constant 0 : index
    %get3A_31 = vector.load %arg8[%get3A_29, %get3A_30] : memref<128x128xf32, #tpu.memory_space<vmem>>, vector<128x128xf32>
    %dot_general3A_32 = arith.constant dense<0.000000e+00> : vector<1000x128xf32>
    %dot_general3A_33 = tpu.matmul %mul3A_15, %get3A_31, %dot_general3A_32 {dimension_numbers = #tpu.dot_dimension_numbers<[1], [0], [0], [1], [0, 0, 1, 1], [], []>, transpose_lhs_hint = false} : vector<1000x128xf32>, vector<128x128xf32>, vector<1000x128xf32> -> vector<1000x128xf32>
    %add3A = arith.addf %dot_general3A_28, %dot_general3A_33 : vector<1000x128xf32>
    %get3A_34 = arith.constant 0 : index
    %get3A_35 = arith.constant 0 : index
    %get3A_36 = vector.load %arg9[%get3A_34, %get3A_35] : memref<1x128xf32, #tpu.memory_space<vmem>>, vector<1x128xf32>
    %add3A_37 = vector.broadcast %get3A_36 : vector<1x128xf32> to vector<1000x128xf32>
    %add3A_38 = arith.addf %add3A, %add3A_37 : vector<1000x128xf32>
    %get3A_39 = arith.constant 0 : index
    %get3A_40 = arith.constant 0 : index
    %get3A_41 = vector.load %arg10[%get3A_39, %get3A_40] : memref<128x128xf32, #tpu.memory_space<vmem>>, vector<128x128xf32>
    %dot_general3A_42 = arith.constant dense<0.000000e+00> : vector<1000x128xf32>
    %dot_general3A_43 = tpu.matmul %add3A_38, %get3A_41, %dot_general3A_42 {dimension_numbers = #tpu.dot_dimension_numbers<[1], [0], [0], [1], [0, 0, 1, 1], [], []>, transpose_lhs_hint = false} : vector<1000x128xf32>, vector<128x128xf32>, vector<1000x128xf32> -> vector<1000x128xf32>
    %get3A_44 = arith.constant 0 : index
    %get3A_45 = arith.constant 0 : index
    %get3A_46 = vector.load %arg11[%get3A_44, %get3A_45] : memref<128x128xf32, #tpu.memory_space<vmem>>, vector<128x128xf32>
    %dot_general3A_47 = arith.constant dense<0.000000e+00> : vector<1000x128xf32>
    %dot_general3A_48 = tpu.matmul %mul3A_24, %get3A_46, %dot_general3A_47 {dimension_numbers = #tpu.dot_dimension_numbers<[1], [0], [0], [1], [0, 0, 1, 1], [], []>, transpose_lhs_hint = false} : vector<1000x128xf32>, vector<128x128xf32>, vector<1000x128xf32> -> vector<1000x128xf32>
    %add3A_49 = arith.addf %dot_general3A_43, %dot_general3A_48 : vector<1000x128xf32>
    %get3A_50 = arith.constant 0 : index
    %get3A_51 = arith.constant 0 : index
    %get3A_52 = vector.load %arg12[%get3A_50, %get3A_51] : memref<1x128xf32, #tpu.memory_space<vmem>>, vector<1x128xf32>
    %add3A_53 = vector.broadcast %get3A_52 : vector<1x128xf32> to vector<1000x128xf32>
    %add3A_54 = arith.addf %add3A_49, %add3A_53 : vector<1000x128xf32>
    %logistic3A = arith.negf %add3A_54 : vector<1000x128xf32>
    %logistic3A_55 = math.exp %logistic3A : vector<1000x128xf32>
    %logistic3A_56 = arith.constant 1.000000e+00 : f32
    %logistic3A_57 = vector.broadcast %logistic3A_56 : f32 to vector<1000x128xf32>
    %logistic3A_58 = arith.addf %logistic3A_57, %logistic3A_55 : vector<1000x128xf32>
    %logistic3A_59 = arith.divf %logistic3A_57, %logistic3A_58 : vector<1000x128xf32>
    %mul3A_60 = arith.mulf %logistic3A_59, %add3A_38 : vector<1000x128xf32>
    %sub3A = arith.constant 1.000000e+00 : f32
    %sub3A_61 = vector.broadcast %sub3A : f32 to vector<1000x128xf32>
    %sub3A_62 = arith.subf %sub3A_61, %logistic3A_59 : vector<1000x128xf32>
    %mul3A_63 = arith.mulf %sub3A_62, %mul3A_24 : vector<1000x128xf32>
    %add3A_64 = arith.addf %mul3A_60, %mul3A_63 : vector<1000x128xf32>
    %swap3A = arith.constant 0 : index
    %swap3A_65 = arith.constant 0 : index
    %swap3A_66 = vector.load %arg13[%swap3A, %swap3A_65] : memref<1000x128xf32, #tpu.memory_space<vmem>>, vector<1000x128xf32>
    tpu.vector_store %arg13[%swap3A, %swap3A_65], %add3A_64 {strides = array<i32>} : memref<1000x128xf32, #tpu.memory_space<vmem>>, vector<1000x128xf32>,
    return
  }
  func.func @transform_0(%arg0: i32) -> (i32, i32) {
    %c0_i32 = arith.constant 0 : i32
    %c0_i32_0 = arith.constant 0 : i32
    return %arg0, %c0_i32 : i32, i32
  }
  func.func @transform_1(%arg0: i32) -> (i32, i32) {
    %c0_i32 = arith.constant 0 : i32
    %c0_i32_0 = arith.constant 0 : i32
    return %arg0, %c0_i32 : i32, i32
  }
  func.func @transform_2(%arg0: i32) -> (i32, i32) {
    %c0_i32 = arith.constant 0 : i32
    %c0_i32_0 = arith.constant 0 : i32
    return %arg0, %c0_i32 : i32, i32
  }
  func.func @transform_3(%arg0: i32) -> (i32, i32) {
    %c0_i32 = arith.constant 0 : i32
    %c0_i32_0 = arith.constant 0 : i32
    return %arg0, %c0_i32 : i32, i32
  }
  func.func @transform_4(%arg0: i32) -> (i32, i32) {
    %c0_i32 = arith.constant 0 : i32
    %c0_i32_0 = arith.constant 0 : i32
    return %arg0, %c0_i32 : i32, i32
  }
  func.func @transform_5(%arg0: i32) -> (i32, i32) {
    %c0_i32 = arith.constant 0 : i32
    %c0_i32_0 = arith.constant 0 : i32
    return %arg0, %c0_i32 : i32, i32
  }
  func.func @transform_6(%arg0: i32) -> (i32, i32) {
    %c0_i32 = arith.constant 0 : i32
    %c0_i32_0 = arith.constant 0 : i32
    %c0_i32_1 = arith.constant 0 : i32
    return %c0_i32, %c0_i32_0 : i32, i32
  }
  func.func @transform_7(%arg0: i32) -> (i32, i32) {
    %c0_i32 = arith.constant 0 : i32
    %c0_i32_0 = arith.constant 0 : i32
    %c0_i32_1 = arith.constant 0 : i32
    return %c0_i32, %c0_i32_0 : i32, i32
  }
  func.func @transform_8(%arg0: i32) -> (i32, i32) {
    %c0_i32 = arith.constant 0 : i32
    %c0_i32_0 = arith.constant 0 : i32
    %c0_i32_1 = arith.constant 0 : i32
    return %c0_i32, %c0_i32_0 : i32, i32
  }
  func.func @transform_9(%arg0: i32) -> (i32, i32) {
    %c0_i32 = arith.constant 0 : i32
    %c0_i32_0 = arith.constant 0 : i32
    %c0_i32_1 = arith.constant 0 : i32
    return %c0_i32, %c0_i32_0 : i32, i32
  }
  func.func @transform_10(%arg0: i32) -> (i32, i32) {
    %c0_i32 = arith.constant 0 : i32
    %c0_i32_0 = arith.constant 0 : i32
    %c0_i32_1 = arith.constant 0 : i32
    return %c0_i32, %c0_i32_0 : i32, i32
  }
  func.func @transform_11(%arg0: i32) -> (i32, i32) {
    %c0_i32 = arith.constant 0 : i32
    %c0_i32_0 = arith.constant 0 : i32
    %c0_i32_1 = arith.constant 0 : i32
    return %c0_i32, %c0_i32_0 : i32, i32
  }
  func.func @transform_12(%arg0: i32) -> (i32, i32) {
    %c0_i32 = arith.constant 0 : i32
    %c0_i32_0 = arith.constant 0 : i32
    return %arg0, %c0_i32 : i32, i32
  }
}

</mosaic_0001>

<sc_bundles>
// kernel: kernel.5.cloned.1.call-start
scs
__scs_entry_jumppad:
0x0: {  	(pc) =	sbr.rel $0x88, $3  }
0x1: {  	(tag) =	ssettag $0x0;
	lr =	simm.s32 $0x1  }
0x2: {  	[smem:$0x3F95] =	sst lr;
	_ =	strace $0xD0000000  }
0x3: {  	_ = 	snop  }
0x4: {  	_ = 	snop  }
0x5: {  	_ = 	snop  }
0x6: {  	_ = 	snop  }
0x7: {  	_ = 	snop  }
__scs_overlays_trampoline_lowered:
0x8: {  	[smem:$0x3FA4] =	sst s0  }
0x9: {  	[smem:$0x3FA5] =	sst s1  }
0xa: {  	[smem:$0x3FA6] =	sst s2  }
0xb: {  	[smem:$0x3FA7] =	sst s3  }
0xc: {  	[smem:$0x3FA8] =	sst s4  }
0xd: {  	[smem:$0x3FA9] =	sst s5  }
0xe: {  	[smem:$0x3FAA] =	sst s6  }
0xf: {  	[smem:$0x3FAB] =	sst s7  }
0x10: {  	[smem:$0x3FAC] =	sst s8  }
0x11: {  	[smem:$0x3FAD] =	sst s9;
	s0 =	simm.s32 @!p0 $0x0  }
0x12: {  	s1 =	sld [smem:$0x3F93];
	s0 =	simm.s32 @p0 $0x1  }
0x13: {  	[smem:$0x3FAE] =	sst s0;
	s0 =	simm.s32 @!p1 $0x0  }
0x14: {  	s2 =	sld [smem:$0x3F92];
	s0 =	simm.s32 @p1 $0x1  }
0x15: {  	[smem:$0x3FAF] =	sst s0;
	s0 =	simm.s32 @!p2 $0x0  }
0x16: {  	s3 =	sld [smem:$0x3FDB];
	s0 =	simm.s32 @p2 $0x1  }
0x17: {  	s4 =	simm.s32 $0x1BF5;
	[smem:$0x3FB1] =	sst s0  }
0x18: {  	s0 =	sld [smem:$0x3F94];
	_ =	swait.ge [sflag:s4], $0x0  }
0x19: {  	s7 =	sld [smem:$0x3F95]  }
0x1a: {  	s8 =	sadd.s32 $0xFFFFE003, lr  }
0x1b: {  	s9 =	sadd.s32 $0xFFFFFEF7, lr;
	s5 =	simm.s32 $0xFFFFFFFF;
	p2 =	slt.u32 s8, $0xFFFFF086  }
0x1c: {  	p1 =	slt.u32 s9, $0xF7A;
	s5 =	simm.s32 @!p2 $0x0  }
0x1d: {  	s5 =	simm.s32 @p1 $0x1;
	p0 =	seq.s32 s7, s2  }
0x1e: {  	s7 =	smul.u32 @!p0 $0xF7A, s2;
	p2 =	seq.s32 @!p0 s5, $0x0  }
0x1f: {  	s9 =	smul.u32 $0xF7A, s1;
	s8 =	simm.s32 @!p0 $0x1BF5;
	p2 =	por !p2, p0  }
0x20: {  	[sflag:s8] =	ssyncset.s32 @!p0 $0xFFFFF086;
	s6 =	sadd.s32 @!p0 s3, s7;
	s7 =	simm.s32 @!p0 $0x108  }
0x21: {  	s3 =	sadd.s32 s3, s9;
	s6 =	sadd.s32 @!p0 $0x88, s6;
	s7 =	simm.s32 @p2 $0x1082  }
0x22: {  	[simem:s7], [sflag:s8] =	dma.local @!p0 [hbm:s6], $0xF7A  }
0x23: {  	s9 =	sor.u32 $0xD0000000, s2;
	s6 =	simm.s32 $0x108;
	_ =	swait.ge @!p0 [sflag:s8], $0x0  }
0x24: {  	s3 =	sadd.s32 $0x88, s3;
	s6 =	simm.s32 @!p1 $0x1082;
	[sflag:s4] =	ssyncset.s32 $0xFFFFF086  }
0x25: {  	[simem:s6], [sflag:s4] =	dma.local [hbm:s3], $0xF7A  }
0x26: {  	[smem:$0x3F95] =	sst s1;
	(tag) =	ssettag s2;
	_ =	strace s9  }
0x27: {  	s1 =	sld [smem:$0x3FA5]  }
0x28: {  	s2 =	sld [smem:$0x3FA6]  }
0x29: {  	s4 =	sld [smem:$0x3FA8]  }
0x2a: {  	p0 =	seq.s32 s5, $0x0;
	s5 =	sld [smem:$0x3FA9]  }
0x2b: {  	s6 =	sld [smem:$0x3FAA]  }
0x2c: {  	s7 =	sld [smem:$0x3FAB]  }
0x2d: {  	s3 =	simm.s32 $0x108;
	s8 =	sld [smem:$0x3FAC]  }
0x2e: {  	s3 =	simm.s32 @!p0 $0x1082;
	s9 =	sld [smem:$0x3FAD]  }
0x2f: {  	lr =	sadd.s32 s0, s3;
	s0 =	sld [smem:$0x3FA4]  }
0x30: {  	s3 =	sld [smem:$0x3FA7]  }
0x31: {  	[smem:$0x3FB0] =	sst s10  }
0x32: {  	s10 =	sld [smem:$0x3FAE];
	_ =	sdelay $0x3  }
0x33: {  	p0 =	seq.s32 s10, $0x1;
	s10 =	sld [smem:$0x3FB0];
	_ =	sdelay $0x3  }
0x34: {  	[smem:$0x3FB0] =	sst s10  }
0x35: {  	s10 =	sld [smem:$0x3FAF];
	_ =	sdelay $0x3  }
0x36: {  	p1 =	seq.s32 s10, $0x1;
	s10 =	sld [smem:$0x3FB0];
	_ =	sdelay $0x3  }
0x37: {  	[smem:$0x3FB0] =	sst s10  }
0x38: {  	s10 =	sld [smem:$0x3FB1]  }
0x39: {  	_ = 	snop;
	(pc) =	sbr.ind lr, $3  }
0x3a: {  	_ = 	snop  }
0x3b: {  	_ = 	snop  }
0x3c: {  	p2 =	seq.s32 s10, $0x1;
	s10 =	sld [smem:$0x3FB0]  }
0x3d: {  	_ =	shalt  }
0x3e: {  	_ =	shalt  }
0x3f: {  	_ =	shalt  }
0x40: {  	_ =	shalt  }
0x41: {  	_ =	shalt  }
0x42: {  	_ =	shalt  }
0x43: {  	_ =	shalt  }
0x44: {  	_ =	shalt  }
0x45: {  	_ =	shalt  }
0x46: {  	_ =	shalt  }
0x47: {  	_ =	shalt  }
0x48: {  	_ =	shalt  }
0x49: {  	_ =	shalt  }
0x4a: {  	_ =	shalt  }
0x4b: {  	_ =	shalt  }
0x4c: {  	_ =	shalt  }
0x4d: {  	_ =	shalt  }
0x4e: {  	_ =	shalt  }
0x4f: {  	_ =	shalt  }
0x50: {  	_ =	shalt  }
0x51: {  	_ =	shalt  }
0x52: {  	_ =	shalt  }
0x53: {  	_ =	shalt  }
0x54: {  	_ =	shalt  }
0x55: {  	_ =	shalt  }
0x56: {  	_ =	shalt  }
0x57: {  	_ =	shalt  }
0x58: {  	_ =	shalt  }
0x59: {  	_ =	shalt  }
0x5a: {  	_ =	shalt  }
0x5b: {  	_ =	shalt  }
0x5c: {  	_ =	shalt  }
0x5d: {  	_ =	shalt  }
0x5e: {  	_ =	shalt  }
0x5f: {  	_ =	shalt  }
0x60: {  	_ =	shalt  }
0x61: {  	_ =	shalt  }
0x62: {  	_ =	shalt  }
0x63: {  	_ =	shalt  }
0x64: {  	_ =	shalt  }
0x65: {  	_ =	shalt  }
0x66: {  	_ =	shalt  }
0x67: {  	_ =	shalt  }
0x68: {  	_ =	shalt  }
0x69: {  	_ =	shalt  }
0x6a: {  	_ =	shalt  }
0x6b: {  	_ =	shalt  }
0x6c: {  	_ =	shalt  }
0x6d: {  	_ =	shalt  }
0x6e: {  	_ =	shalt  }
0x6f: {  	_ =	shalt  }
0x70: {  	_ =	shalt  }
0x71: {  	_ =	shalt  }
0x72: {  	_ =	shalt  }
0x73: {  	_ =	shalt  }
0x74: {  	_ =	shalt  }
0x75: {  	_ =	shalt  }
0x76: {  	_ =	shalt  }
0x77: {  	_ =	shalt  }
0x78: {  	_ =	shalt  }
0x79: {  	_ =	shalt  }
0x7a: {  	_ =	shalt  }
0x7b: {  	_ =	shalt  }
0x7c: {  	_ =	shalt  }
0x7d: {  	_ =	shalt  }
0x7e: {  	_ =	shalt  }
0x7f: {  	_ =	shalt  }
0x80: {  	_ =	shalt  }
0x81: {  	_ =	shalt  }
0x82: {  	_ =	shalt  }
0x83: {  	_ =	shalt  }
0x84: {  	_ =	shalt  }
0x85: {  	_ =	shalt  }
0x86: {  	_ =	shalt  }
0x87: {  	_ =	shalt  }
.Lfunc_end0:
.L_simem_size_0:
called_computation_lowered:
.L_overlay_start_0:
0x88: {  	s2 =	sld [smem:$0x3FD9]  }
0x89: {  	s3 =	sld [smem:$0x3FFE];
	_ =	sdelay $0x1  }
0x8a: {  	s1 =	srdreg.scid  }
0x8b: {  	s0 =	sand.u32 $0x1, s1  }
0x8c: {  	s17 =	sshll.u32 s0, $0xA;
	s2 =	sadd.s32 s3, s2  }
0x8d: {  	s2 =	sadd.s32 s2, s17  }
0x8e: {  	[smem:$0x3FBC] =	sst s2  }
0x8f: {  	_ = 	snop  }
0x90: {  	s2 =	sld [smem:$0x3FD0];
	(tm) =	ssettm $0x1  }
0x91: {  	s18 =	sld [smem:$0x3FFB];
	_ =	sdelay $0x3  }
0x92: {  	_ =	strace s18  }
0x93: {  	s3 =	sld [smem:$0x3FFC];
	_ =	sdelay $0x3  }
0x94: {  	_ =	strace s3  }
0x95: {  	s3 =	sld [smem:$0x3FFD];
	_ =	sdelay $0x3  }
0x96: {  	_ =	strace s3  }
0x97: {  	_ =	strace $0x8FFFFFFF  }
0x98: {  	s19 =	sld [smem:$0x3FDB];
	_ =	sdelay $0x1  }
0x99: {  	s4 =	simm.s32 $_scs_section_size  }
0x9a: {  	s5 =	simm.s32 $_size__tile_overlayer_lowered;
	s6 =	simm.s32 $_tile_overlayer_lowered  }
0x9b: {  	s22 =	simm.s32 $0x1BFF;
	s21 =	sshll.u32 s6, $0x1;
	s3 =	sadd.s32 s4, s19  }
0x9c: {  	s7 =	simm.s32 $0x0;
	s20 =	sshll.u32 s5, $0x1;
	s5 =	sadd.s32 s21, s3  }
0x9d: {  	[timem:s7], [sflag:s22] =	dma.local [hbm:s5], s20  }
0x9e: {  	_ =	swait.ge [sflag:s22], s20  }
0x9f: {  	s4 =	ssub.s32 $0x0, s20;
	[sflag:s22] =	ssyncset.done $0x0  }
0xa0: {  	[sflag:s22] =	ssyncadd.s32 s4;
	_ =	sdelay $0x1  }
0xa1: {  	s23 =	simm.s32 $0x1B8B  }
0xa2: {  	_ =	swait.ge [sflag:s23], $0x1  }
0xa3: {  	[sflag:s23] =	ssyncset.done $0x0  }
0xa4: {  	s25 =	simm.s32 $0x1B8E;
	s24 =	sld [smem:$0x3FFE];
	[sflag:s23] =	ssyncadd.s32 $0xFFFFFFFF  }
0xa5: {  	s26 =	simm.s32 $execute0_lowered;
	[smem:$0x3FD2] =	sst s25  }
0xa6: {  	s5 =	sshll.u32 s26, $0x1;
	_ =	strace $0x80000046;
	[dreg:$0x1] =	wrdreg $0xFFFFFFFF  }
0xa7: {  	s28 =	simm.s32 $_size_execute0_lowered;
	s3 =	sadd.s32 s3, s5;
	[dreg:$0x0] =	wrdreg $0x0  }
0xa8: {  	s5 =	sshll.u32 s28, $0x1;
	[dreg:$0x2] =	wrdreg s3  }
0xa9: {  	[dreg:$0x3] =	wrdreg s5  }
0xaa: {  	[dreg:$0x4] =	wrdreg $0xC0  }
0xab: {  	_ =	task [dreg:s7], $0x5FFFF  }
0xac: {  	[dreg:$0x1] =	wrdreg $0xFFFFFFFF  }
0xad: {  	[dreg:$0x0] =	wrdreg $0x60  }
0xae: {  	[dreg:$0x2] =	wrdreg s24  }
0xaf: {  	[dreg:$0x3] =	wrdreg s2  }
0xb0: {  	[dreg:$0x4] =	wrdreg $0x1A0000  }
0xb1: {  	[dreg:$0x5] =	wrdreg $0x100000  }
0xb2: {  	[dreg:$0x6] =	wrdreg $0x9  }
0xb3: {  	_ =	task.clear_ibuf [dreg:s7], $0x7FFFF;
	_ =	strace $0x90000046  }
0xb4: {  	s29 =	simm.s32 $0x9;
	_ =	strace $0x80000048  }
0xb5: {  	_ =	swait.ge [sflag:s29], $0x1  }
0xb6: {  	[sflag:s29] =	ssyncadd.s32 $0xFFFFFFFF  }
0xb7: {  	_ =	strace $0x90000048  }
0xb8: {  	_ =	sfence  }
0xb9: {  	s30 =	sld [smem:$0x0];
	_ =	sdelay $0x2  }
0xba: {  	s31 =	sshll.u32 s1, $0xD;
	s1 =	sshrl.u32 s1, $0x2  }
0xbb: {  	s3 =	sand.u32 $0x4000, s31;
	s1 =	sadd.s32 s1, s30  }
0xbc: {  	s0 =	sor.u32 s3, s0;
	s1 =	sshll.u32 s1, $0x11  }
0xbd: {  	s0 =	sor.u32 s1, s0  }
0xbe: {  	s0 =	sadd.s32 $0x8F2B, s0  }
0xbf: {  	[sflag:s0] =	ssyncadd.remote.s32 $0x1  }
0xc0: {  	_ =	sfence.sel $0xFFFF  }
0xc1: {  	[dreg:$0x0] =	wrdreg $0xFFFFFFFF;
	(pc) =	sbr.abs _section_cstart, $3  }
0xc2: {  	[dreg:$0x1] =	wrdreg $0xFFFFFFFF  }
0xc3: {  	_ =	task.clear_ibuf [dreg:s7], $0x2FFFF;
	_ =	strace $0x9FFFFFFF  }
0xc4: {  	(tm) =	ssettm $0x7FFFFFFF  }
0xc5: {  	_ =	shalt  }
tec
execute0_lowered:
.L_overlay_start_1:
0x0: {  	(tag) =	ssettag $0x1  }
0x1: {  	s0 =	rddreg [dreg:$0x0]  }
0x2: {  	s1 =	rddreg [dreg:$0x1]  }
0x3: {  	s2 =	rddreg [dreg:$0x2]  }
0x4: {  	s3 =	rddreg [dreg:$0x3]  }
0x5: {  	s4 =	simm.s32 $0x0;
	s10 =	stileid.u32;
	s9 =	srdreg.scid  }
0x6: {  	s21 =	simm.s32 $0x7;
	s31 =	simm.s32 $0x480;
	s28 =	simm.s32 $0x1  }
0x7: {  	s29 =	simm.s32 $0x100;
	s18 =	simm.s32 $0x780;
	[smem:$0x7FF] =	sst s4  }
0x8: {  	s5 =	smul.u32 $0xA00, s10;
	s19 =	sadd.s32 $0x3DA00, s0;
	s6 =	sadd.s32 $0x2A000, s0  }
0x9: {  	s23 =	sadd.s32 $0x2C00, s0;
	s7 =	sadd.s32 $0x16600, s0;
	s30 =	sadd.s32 $0x65A00, s0  }
0xa: {  	s8 =	sadd.s32 $0x65600, s0;
	s22 =	smul.u32 $0xA000, s10;
	s11 =	sadd.s32 $0x65400, s0  }
0xb: {  	s10 =	smul.u32 $0x1400, s10;
	_ =	strace $0x80000047;
	[dreg:$0x9] =	wrdreg s8  }
0xc: {  	s9 =	sand.u32 $0x1, s9;
	s17 =	sadd.s32 $0x8EE00, s0;
	[dreg:$0xa] =	wrdreg s11  }
0xd: {  	s11 =	sadd.s32 $0x66E00, s0;
	s13 =	ssub.s32 $0x2, s9;
	p0 =	seq.s32 s9, $0x0  }
0xe: {  	p1 =	sne.s32 s9, $0x0;
	[dreg:$0x6] =	wrdreg s31;
	s8 =	simm.s32 $0x3  }
0xf: {  	[dreg:$0x8] =	wrdreg s30;
	s5 =	sadd.s32 s5, s0;
	s12 =	sshrl.u32 s22, $0x3  }
0x10: {  	s15 =	sshrl.u32 s10, $0x3;
	s16 =	sshrl.u32 s13, $0x1;
	s17 =	smov.u32 @p0 s11  }
0x11: {  	s7 =	smov.u32 @p0 s6;
	s11 =	simm.s32 $0x4;
	s6 =	simm.s32 $0x0  }
0x12: {  	s14 =	sadd.s32 s12, s0;
	s0 =	sadd.s32 s15, s0;
	s1 =	sadd.s32 s1, s12  }
0x13: {  	s13 =	ssub.s32 s13, s16;
	s26 =	sadd.s32 s17, s12;
	[dreg:$0xe] =	wrdreg s1  }
0x14: {  	s15 =	sadd.s32 s10, s2;
	s16 =	sadd.s32 s22, s3;
	[dreg:$0x11] =	wrdreg s26  }
0x15: {  	s20 =	sadd.s32 $0x51400, s5;
	s22 =	simm.s32 $0x400;
	[dreg:$0xb] =	wrdreg s15  }
0x16: {  	s17 =	simm.s32 $0x500;
	s24 =	sadd.s32 $0x7AE00, s14;
	[dreg:$0xc] =	wrdreg s16  }
0x17: {  	s0 =	sadd.s32 $0xA2E00, s0;
	s25 =	smax.u32 s13, $0x1;
	[dreg:$0x7] =	wrdreg s20  }
0x18: {  	s14 =	simm.s32 $0x4C00;
	s26 =	simm.s32 $0x800;
	[dreg:$0xd] =	wrdreg s24  }
0x19: {  	s1 =	simm.s32 $0x2;
	[dreg:$0xf] =	wrdreg s0;
	s0 =	smov.u32 s23  }
0x1a: {  	[dreg:$0x10] =	wrdreg s25;
	s24 =	sadd.s32 $0x5B400, s5;
	s0 =	smov.u32 @p0 s19  }
0x1b: {  	s25 =	simm.s32 $0x80;
	[dreg:$0x5] =	wrdreg s0;
	s0 =	simm.s32 $0x2800  }
.LBB2_1:
0x1c: {  	[dreg:$0x12] =	wrdreg s6  }
0x1d: {  	s5 =	rddreg [dreg:$0xa];
	s10 =	simm.s32 $0x4800  }
0x1e: {  	[tilespmem:s10], [sflag:$0x7] =	stream.linear.gather [hbm4b:s5+s4], $0x400, $0x38;
	[tilespmem:$0x1B400] =	vst v63  }
0x1f: {  	_ =	swait.ge [sflag:s21], $0x400  }
0x20: {  	[sflag:s21] =	ssyncset.done $0x0  }
0x21: {  	s13 =	simm.s32 $0xEC00;
	s12 =	rddreg [dreg:$0x9];
	[sflag:s21] =	ssyncadd.s32 $0xFFFFFC00  }
0x22: {  	[tilespmem:s13], [sflag:$0x7] =	stream.linear.gather [hbm4b:s12+s4], $0x1400, $0x38;
	[tilespmem:$0x1B400] =	vst v63  }
0x23: {  	_ =	swait.ge [sflag:s21], $0x1400  }
0x24: {  	[sflag:s21] =	ssyncset.done $0x0  }
0x25: {  	[sflag:s21] =	ssyncadd.s32 $0xFFFFEC00  }
0x26: {  	[spmem:s15] =	stream.linear.scatter [tilespmem:s13], [sflag:$0x7], $0x1400, $0x38;
	[tilespmem:$0x1B400] =	vst v63  }
0x27: {  	_ =	swait.ge [sflag:s21], $0x1400  }
0x28: {  	[sflag:s21] =	ssyncset.done $0x0  }
0x29: {  	[sflag:s21] =	ssyncadd.s32 $0xFFFFEC00  }
0x2a: {  	[tilespmem:s14], [sflag:$0x7] =	stream.linear.gather [hbm4b:s30+s4], $0xA000, $0x38;
	[tilespmem:$0x1B400] =	vst v63  }
0x2b: {  	_ =	swait.ge [sflag:s21], $0xA000  }
0x2c: {  	[sflag:s21] =	ssyncset.done $0x0  }
0x2d: {  	[sflag:s21] =	ssyncadd.s32 $0xFFFF6000  }
0x2e: {  	[spmem:s16] =	stream.linear.scatter [tilespmem:s14], [sflag:$0x7], $0xA000, $0x38;
	[tilespmem:$0x1B400] =	vst v63  }
0x2f: {  	_ =	swait.ge [sflag:s21], $0xA000  }
0x30: {  	[sflag:s21] =	ssyncset.done $0x0  }
0x31: {  	[sflag:s21] =	ssyncadd.s32 $0xFFFF6000  }
0x32: {  	s6 =	sadd.s32 $0x0, s24;
	[bflag:$0x0] =	sbarrier.arrive $0xFFFF  }
0x33: {  	[tilespmem:s4], [sflag:$0x7] =	stream.linear.gather [hbm4b:s6+s4], $0x400, $0x38;
	[tilespmem:$0x1B400] =	vst v63  }
0x34: {  	_ =	swait.ge [sflag:s21], $0x400  }
0x35: {  	[sflag:s21] =	ssyncset.done $0x0  }
0x36: {  	s9 =	sadd.s32 $0x0, s20;
	[sflag:s21] =	ssyncadd.s32 $0xFFFFFC00  }
0x37: {  	[tilespmem:s22], [sflag:$0x7] =	stream.linear.gather [hbm4b:s9+s4], $0x400, $0x38;
	[tilespmem:$0x1B400] =	vst v63  }
0x38: {  	_ =	swait.ge [sflag:s21], $0x400  }
0x39: {  	[sflag:s21] =	ssyncset.done $0x0  }
0x3a: {  	s10 =	rddreg [dreg:$0x5];
	[sflag:s21] =	ssyncadd.s32 $0xFFFFFC00  }
0x3b: {  	[tilespmem:s26], [sflag:$0x1] =	stream.indirect.gather [hbm4b:s10+s25], $0x40, s4, s25, $0xb8;
	[tilespmem:$0x1B400] =	vst v63  }
0x3c: {  	_ =	swait.ge [sflag:s28], $0x2000  }
0x3d: {  	[sflag:s28] =	ssyncset.done $0x0  }
0x3e: {  	[sflag:s28] =	ssyncadd.s32 $0xFFFFE000  }
0x3f: {  	[spmem:s3] =	stream.indirect.scatter.add.f32 [tilespmem:s26], [sflag:$0x3], $0x40, s22, s25, $0xb8;
	[tilespmem:$0x1B400] =	vst v63  }
0x40: {  	s5 =	simm.s32 @p1 $0x80;
	s6 =	simm.s32 @p1 $0x2;
	s9 =	simm.s32 @p1 $0x2800  }
0x41: {  	[tilespmem:s9], [sflag:$0x2] =	stream.indirect.gather @p1 [hbm4b:s23+s5], $0x40, s5, s5, $0xb8;
	[tilespmem:$0x1B400] =	vst v63  }
0x42: {  	_ =	swait.ge @p1 [sflag:s6], $0x2000  }
0x43: {  	[sflag:s6] =	ssyncset.done @p1 $0x0  }
0x44: {  	s30 =	simm.s32 @p1 $0x3;
	s10 =	simm.s32 @p1 $0x480;
	[sflag:s6] =	ssyncadd.s32 @p1 $0xFFFFE000  }
0x45: {  	[spmem:s3] =	stream.indirect.scatter.add.f32 @p1 [tilespmem:s9], [sflag:$0x4], $0x40, s10, s5, $0xb8;
	[tilespmem:$0x1B400] =	vst v63  }
0x46: {  	_ =	swait.ge @p1 [sflag:s30], $0x2000  }
0x47: {  	s31 =	simm.s32 @!p1 $0x4800;
	[sflag:s30] =	ssyncset.done @p1 $0x0  }
0x48: {  	s20 =	simm.s32 @!p1 $0x80;
	s5 =	simm.s32 @!p1 $0x400;
	[sflag:s30] =	ssyncadd.s32 @p1 $0xFFFFE000  }
0x49: {  	[spmem:s2] =	stream.indirect.scatter.add.f32 @!p1 [tilespmem:s31], [sflag:$0x5], $0x8, s5, s20, $0xb8;
	[tilespmem:$0x1B400] =	vst v63  }
0x4a: {  	s22 =	simm.s32 @!p1 $0x2;
	s5 =	simm.s32 @!p1 $0x2800  }
0x4b: {  	[tilespmem:s5], [sflag:$0x2] =	stream.indirect.gather @!p1 [hbm4b:s19+s20], $0x40, s20, s20, $0xb8;
	[tilespmem:$0x1B400] =	vst v63  }
0x4c: {  	_ =	swait.ge @!p1 [sflag:s22], $0x2000  }
0x4d: {  	[sflag:s22] =	ssyncset.done @!p1 $0x0  }
0x4e: {  	s9 =	simm.s32 @!p1 $0x480;
	[sflag:s22] =	ssyncadd.s32 @!p1 $0xFFFFE000  }
0x4f: {  	[spmem:s3] =	stream.indirect.scatter.add.f32 @!p1 [tilespmem:s5], [sflag:$0x4], $0x40, s9, s20, $0xb8;
	[tilespmem:$0x1B400] =	vst v63  }
0x50: {  	s14 =	simm.s32 @!p1 $0x3  }
0x51: {  	[spmem:s2] =	stream.indirect.scatter.add.f32 @!p1 [tilespmem:s31], [sflag:$0x6], $0x8, s9, s20, $0xb8;
	[tilespmem:$0x1B400] =	vst v63  }
0x52: {  	_ =	swait.ge @!p1 [sflag:s14], $0x2000  }
0x53: {  	[sflag:s14] =	ssyncset.done @!p1 $0x0  }
0x54: {  	s15 =	simm.s32 @!p1 $0x5;
	[sflag:s14] =	ssyncadd.s32 @!p1 $0xFFFFE000  }
0x55: {  	_ =	swait.ge @!p1 [sflag:s15], $0x400  }
0x56: {  	s5 =	smov.u32 s19;
	[sflag:s15] =	ssyncset.done @!p1 $0x0  }
0x57: {  	s5 =	smov.u32 @p1 s23;
	[sflag:s15] =	ssyncadd.s32 @!p1 $0xFFFFFC00  }
0x58: {  	[tilespmem:s26], [sflag:$0x1] =	stream.indirect.gather [hbm4b:s5+s25], $0x40, s29, s25, $0xb8;
	[tilespmem:$0x1B400] =	vst v63  }
0x59: {  	_ =	swait.ge [sflag:s28], $0x2000  }
0x5a: {  	[sflag:s28] =	ssyncset.done $0x0  }
0x5b: {  	s16 =	simm.s32 @p1 $0x4;
	[sflag:s28] =	ssyncadd.s32 $0xFFFFE000  }
0x5c: {  	[spmem:s3] =	stream.indirect.scatter.add.f32 [tilespmem:s26], [sflag:$0x3], $0x40, s17, s25, $0xb8;
	[tilespmem:$0x1B400] =	vst v63  }
0x5d: {  	_ =	swait.ge @p1 [sflag:s16], $0x2000  }
0x5e: {  	[sflag:s16] =	ssyncset.done @p1 $0x0  }
0x5f: {  	s9 =	simm.s32 @!p1 $0x500;
	s29 =	simm.s32 @!p1 $0x4;
	[sflag:s16] =	ssyncadd.s32 @p1 $0xFFFFE000  }
0x60: {  	[spmem:s2] =	stream.indirect.scatter.add.f32 @!p1 [tilespmem:s31], [sflag:$0x5], $0x8, s9, s20, $0xb8;
	[tilespmem:$0x1B400] =	vst v63  }
0x61: {  	_ =	swait.ge @!p1 [sflag:s29], $0x2000  }
0x62: {  	[sflag:s29] =	ssyncset.done @!p1 $0x0  }
0x63: {  	s9 =	simm.s32 @!p1 $0x6;
	[sflag:s29] =	ssyncadd.s32 @!p1 $0xFFFFE000  }
0x64: {  	_ =	swait.ge @!p1 [sflag:s9], $0x400  }
0x65: {  	[sflag:s9] =	ssyncset.done @!p1 $0x0  }
0x66: {  	s12 =	simm.s32 $0x180;
	[sflag:s9] =	ssyncadd.s32 @!p1 $0xFFFFFC00  }
0x67: {  	[tilespmem:s0], [sflag:$0x2] =	stream.indirect.gather [hbm4b:s5+s25], $0x40, s12, s25, $0xb8;
	[tilespmem:$0x1B400] =	vst v63  }
0x68: {  	_ =	swait.ge [sflag:s1], $0x2000  }
0x69: {  	[sflag:s1] =	ssyncset.done $0x0  }
0x6a: {  	s13 =	simm.s32 $0x580;
	[sflag:s1] =	ssyncadd.s32 $0xFFFFE000  }
0x6b: {  	[spmem:s3] =	stream.indirect.scatter.add.f32 [tilespmem:s0], [sflag:$0x4], $0x40, s13, s25, $0xb8;
	[tilespmem:$0x1B400] =	vst v63  }
0x6c: {  	_ =	swait.ge @p1 [sflag:s30], $0x2000  }
0x6d: {  	[sflag:s30] =	ssyncset.done @p1 $0x0  }
0x6e: {  	s10 =	simm.s32 @!p1 $0x580;
	[sflag:s30] =	ssyncadd.s32 @p1 $0xFFFFE000  }
0x6f: {  	[spmem:s2] =	stream.indirect.scatter.add.f32 @!p1 [tilespmem:s31], [sflag:$0x6], $0x8, s10, s20, $0xb8;
	[tilespmem:$0x1B400] =	vst v63  }
0x70: {  	_ =	swait.ge @!p1 [sflag:s14], $0x2000  }
0x71: {  	[sflag:s14] =	ssyncset.done @!p1 $0x0  }
0x72: {  	[sflag:s14] =	ssyncadd.s32 @!p1 $0xFFFFE000  }
0x73: {  	_ =	swait.ge @!p1 [sflag:s15], $0x400  }
0x74: {  	[sflag:s15] =	ssyncset.done @!p1 $0x0  }
0x75: {  	s17 =	simm.s32 $0x200;
	[sflag:s15] =	ssyncadd.s32 @!p1 $0xFFFFFC00  }
0x76: {  	[tilespmem:s26], [sflag:$0x1] =	stream.indirect.gather [hbm4b:s5+s25], $0x40, s17, s25, $0xb8;
	[tilespmem:$0x1B400] =	vst v63  }
0x77: {  	_ =	swait.ge [sflag:s28], $0x2000  }
0x78: {  	[sflag:s28] =	ssyncset.done $0x0  }
0x79: {  	s12 =	simm.s32 $0x600;
	[sflag:s28] =	ssyncadd.s32 $0xFFFFE000  }
0x7a: {  	[spmem:s3] =	stream.indirect.scatter.add.f32 [tilespmem:s26], [sflag:$0x3], $0x40, s12, s25, $0xb8;
	[tilespmem:$0x1B400] =	vst v63  }
0x7b: {  	_ =	swait.ge @p1 [sflag:s16], $0x2000  }
0x7c: {  	[sflag:s16] =	ssyncset.done @p1 $0x0  }
0x7d: {  	s10 =	simm.s32 @!p1 $0x600;
	[sflag:s16] =	ssyncadd.s32 @p1 $0xFFFFE000  }
0x7e: {  	[spmem:s2] =	stream.indirect.scatter.add.f32 @!p1 [tilespmem:s31], [sflag:$0x5], $0x8, s10, s20, $0xb8;
	[tilespmem:$0x1B400] =	vst v63  }
0x7f: {  	_ =	swait.ge @!p1 [sflag:s29], $0x2000  }
0x80: {  	[sflag:s29] =	ssyncset.done @!p1 $0x0  }
0x81: {  	[sflag:s29] =	ssyncadd.s32 @!p1 $0xFFFFE000  }
0x82: {  	_ =	swait.ge @!p1 [sflag:s9], $0x400  }
0x83: {  	[sflag:s9] =	ssyncset.done @!p1 $0x0  }
0x84: {  	s13 =	simm.s32 $0x280;
	[sflag:s9] =	ssyncadd.s32 @!p1 $0xFFFFFC00  }
0x85: {  	[tilespmem:s0], [sflag:$0x2] =	stream.indirect.gather [hbm4b:s5+s25], $0x40, s13, s25, $0xb8;
	[tilespmem:$0x1B400] =	vst v63  }
0x86: {  	_ =	swait.ge [sflag:s1], $0x2000  }
0x87: {  	[sflag:s1] =	ssyncset.done $0x0  }
0x88: {  	s17 =	simm.s32 $0x680;
	[sflag:s1] =	ssyncadd.s32 $0xFFFFE000  }
0x89: {  	[spmem:s3] =	stream.indirect.scatter.add.f32 [tilespmem:s0], [sflag:$0x4], $0x40, s17, s25, $0xb8;
	[tilespmem:$0x1B400] =	vst v63  }
0x8a: {  	_ =	swait.ge @p1 [sflag:s30], $0x2000  }
0x8b: {  	[sflag:s30] =	ssyncset.done @p1 $0x0  }
0x8c: {  	s10 =	simm.s32 @!p1 $0x680;
	[sflag:s30] =	ssyncadd.s32 @p1 $0xFFFFE000  }
0x8d: {  	[spmem:s2] =	stream.indirect.scatter.add.f32 @!p1 [tilespmem:s31], [sflag:$0x6], $0x8, s10, s20, $0xb8;
	[tilespmem:$0x1B400] =	vst v63  }
0x8e: {  	_ =	swait.ge @!p1 [sflag:s14], $0x2000  }
0x8f: {  	[sflag:s14] =	ssyncset.done @!p1 $0x0  }
0x90: {  	[sflag:s14] =	ssyncadd.s32 @!p1 $0xFFFFE000  }
0x91: {  	_ =	swait.ge @!p1 [sflag:s15], $0x400  }
0x92: {  	[sflag:s15] =	ssyncset.done @!p1 $0x0  }
0x93: {  	s12 =	simm.s32 $0x300;
	[sflag:s15] =	ssyncadd.s32 @!p1 $0xFFFFFC00  }
0x94: {  	[tilespmem:s26], [sflag:$0x1] =	stream.indirect.gather [hbm4b:s5+s25], $0x40, s12, s25, $0xb8;
	[tilespmem:$0x1B400] =	vst v63  }
0x95: {  	_ =	swait.ge [sflag:s28], $0x2000  }
0x96: {  	[sflag:s28] =	ssyncset.done $0x0  }
0x97: {  	s13 =	simm.s32 $0x700;
	[sflag:s28] =	ssyncadd.s32 $0xFFFFE000  }
0x98: {  	[spmem:s3] =	stream.indirect.scatter.add.f32 [tilespmem:s26], [sflag:$0x3], $0x40, s13, s25, $0xb8;
	[tilespmem:$0x1B400] =	vst v63  }
0x99: {  	_ =	swait.ge @p1 [sflag:s16], $0x2000  }
0x9a: {  	[sflag:s16] =	ssyncset.done @p1 $0x0  }
0x9b: {  	s10 =	simm.s32 @!p1 $0x700;
	[sflag:s16] =	ssyncadd.s32 @p1 $0xFFFFE000  }
0x9c: {  	[spmem:s2] =	stream.indirect.scatter.add.f32 @!p1 [tilespmem:s31], [sflag:$0x5], $0x8, s10, s20, $0xb8;
	[tilespmem:$0x1B400] =	vst v63  }
0x9d: {  	_ =	swait.ge @!p1 [sflag:s29], $0x2000  }
0x9e: {  	[sflag:s29] =	ssyncset.done @!p1 $0x0  }
0x9f: {  	[sflag:s29] =	ssyncadd.s32 @!p1 $0xFFFFE000  }
0xa0: {  	_ =	swait.ge @!p1 [sflag:s9], $0x400  }
0xa1: {  	[sflag:s9] =	ssyncset.done @!p1 $0x0  }
0xa2: {  	s17 =	simm.s32 $0x380;
	[sflag:s9] =	ssyncadd.s32 @!p1 $0xFFFFFC00  }
0xa3: {  	[tilespmem:s0], [sflag:$0x2] =	stream.indirect.gather [hbm4b:s5+s25], $0x40, s17, s25, $0xb8;
	[tilespmem:$0x1B400] =	vst v63  }
0xa4: {  	_ =	swait.ge [sflag:s1], $0x2000  }
0xa5: {  	[sflag:s1] =	ssyncset.done $0x0  }
0xa6: {  	[sflag:s1] =	ssyncadd.s32 $0xFFFFE000  }
0xa7: {  	[spmem:s3] =	stream.indirect.scatter.add.f32 [tilespmem:s0], [sflag:$0x4], $0x40, s18, s25, $0xb8;
	[tilespmem:$0x1B400] =	vst v63  }
0xa8: {  	_ =	swait.ge @p1 [sflag:s30], $0x2000  }
0xa9: {  	[sflag:s30] =	ssyncset.done @p1 $0x0  }
0xaa: {  	[sflag:s30] =	ssyncadd.s32 @p1 $0xFFFFE000  }
0xab: {  	_ =	swait.ge @p1 [sflag:s16], $0x2000  }
0xac: {  	[sflag:s16] =	ssyncset.done @p1 $0x0  }
0xad: {  	s10 =	simm.s32 @!p1 $0x780;
	[sflag:s16] =	ssyncadd.s32 @p1 $0xFFFFE000  }
0xae: {  	[spmem:s2] =	stream.indirect.scatter.add.f32 @!p1 [tilespmem:s31], [sflag:$0x6], $0x8, s10, s20, $0xb8;
	[tilespmem:$0x1B400] =	vst v63  }
0xaf: {  	_ =	swait.ge @!p1 [sflag:s14], $0x2000  }
0xb0: {  	[sflag:s14] =	ssyncset.done @!p1 $0x0  }
0xb1: {  	[sflag:s14] =	ssyncadd.s32 @!p1 $0xFFFFE000  }
0xb2: {  	_ =	swait.ge @!p1 [sflag:s29], $0x2000  }
0xb3: {  	[sflag:s29] =	ssyncset.done @!p1 $0x0  }
0xb4: {  	[sflag:s29] =	ssyncadd.s32 @!p1 $0xFFFFE000  }
0xb5: {  	_ =	swait.ge @!p1 [sflag:s15], $0x400  }
0xb6: {  	[sflag:s15] =	ssyncset.done @!p1 $0x0  }
0xb7: {  	[sflag:s15] =	ssyncadd.s32 @!p1 $0xFFFFFC00  }
0xb8: {  	_ =	swait.ge @!p1 [sflag:s9], $0x400  }
0xb9: {  	s17 =	simm.s32 $0x80;
	s18 =	simm.s32 $0x100;
	[sflag:s9] =	ssyncset.done @!p1 $0x0  }
.LBB2_2:
0xba: {  	s13 =	sadd.s32 s17, s24;
	[sflag:s9] =	ssyncadd.s32 @!p1 $0xFFFFFC00  }
0xbb: {  	[tilespmem:s4], [sflag:$0x7] =	stream.linear.gather [hbm4b:s13+s4], $0x400, $0x38;
	[tilespmem:$0x1B400] =	vst v63  }
0xbc: {  	s12 =	smov.u32 s23;
	s23 =	smov.u32 s19;
	_ =	swait.ge [sflag:s21], $0x400  }
0xbd: {  	s10 =	smov.u32 s24;
	[sflag:s21] =	ssyncset.done $0x0;
	s13 =	rddreg [dreg:$0x7]  }
0xbe: {  	s24 =	smov.u32 s18;
	[sflag:s21] =	ssyncadd.s32 $0xFFFFFC00;
	s19 =	sadd.s32 s17, s13  }
0xbf: {  	s17 =	smov.u32 s24;
	s24 =	smov.u32 s10;
	s10 =	simm.s32 $0x400  }
0xc0: {  	[tilespmem:s10], [sflag:$0x7] =	stream.linear.gather [hbm4b:s19+s4], $0x400, $0x38;
	[tilespmem:$0x1B400] =	vst v63  }
0xc1: {  	_ =	swait.ge [sflag:s21], $0x400  }
0xc2: {  	[sflag:s21] =	ssyncset.done $0x0  }
0xc3: {  	s13 =	rddreg [dreg:$0x5];
	[sflag:s21] =	ssyncadd.s32 $0xFFFFFC00  }
0xc4: {  	[tilespmem:s26], [sflag:$0x1] =	stream.indirect.gather [hbm4b:s13+s25], $0x40, s4, s25, $0xb8;
	[tilespmem:$0x1B400] =	vst v63  }
0xc5: {  	_ =	swait.ge [sflag:s28], $0x2000  }
0xc6: {  	[sflag:s28] =	ssyncset.done $0x0  }
0xc7: {  	s19 =	smov.u32 s23;
	[sflag:s28] =	ssyncadd.s32 $0xFFFFE000  }
0xc8: {  	[spmem:s3] =	stream.indirect.scatter.add.f32 [tilespmem:s26], [sflag:$0x3], $0x40, s10, s25, $0xb8;
	[tilespmem:$0x1B400] =	vst v63  }
0xc9: {  	s23 =	smov.u32 s12;
	s12 =	simm.s32 @p1 $0x2800;
	s10 =	simm.s32 @p1 $0x80  }
0xca: {  	[tilespmem:s12], [sflag:$0x2] =	stream.indirect.gather @p1 [hbm4b:s23+s10], $0x40, s10, s10, $0xb8;
	[tilespmem:$0x1B400] =	vst v63  }
0xcb: {  	_ =	swait.ge @p1 [sflag:s6], $0x2000  }
0xcc: {  	[sflag:s6] =	ssyncset.done @p1 $0x0  }
0xcd: {  	s13 =	simm.s32 @p1 $0x480;
	[sflag:s6] =	ssyncadd.s32 @p1 $0xFFFFE000  }
0xce: {  	[spmem:s3] =	stream.indirect.scatter.add.f32 @p1 [tilespmem:s12], [sflag:$0x4], $0x40, s13, s10, $0xb8;
	[tilespmem:$0x1B400] =	vst v63  }
0xcf: {  	_ =	swait.ge @p1 [sflag:s30], $0x2000  }
0xd0: {  	[sflag:s30] =	ssyncset.done @p1 $0x0  }
0xd1: {  	s10 =	simm.s32 @!p1 $0x400;
	[sflag:s30] =	ssyncadd.s32 @p1 $0xFFFFE000  }
0xd2: {  	[spmem:s2] =	stream.indirect.scatter.add.f32 @!p1 [tilespmem:s31], [sflag:$0x5], $0x8, s10, s20, $0xb8;
	[tilespmem:$0x1B400] =	vst v63  }
0xd3: {  	s10 =	simm.s32 @!p1 $0x2800  }
0xd4: {  	[tilespmem:s10], [sflag:$0x2] =	stream.indirect.gather @!p1 [hbm4b:s19+s20], $0x40, s20, s20, $0xb8;
	[tilespmem:$0x1B400] =	vst v63  }
0xd5: {  	_ =	swait.ge @!p1 [sflag:s22], $0x2000  }
0xd6: {  	[sflag:s22] =	ssyncset.done @!p1 $0x0  }
0xd7: {  	s12 =	simm.s32 @!p1 $0x480;
	[sflag:s22] =	ssyncadd.s32 @!p1 $0xFFFFE000  }
0xd8: {  	[spmem:s3] =	stream.indirect.scatter.add.f32 @!p1 [tilespmem:s10], [sflag:$0x4], $0x40, s12, s20, $0xb8;
	[tilespmem:$0x1B400] =	vst v63  }
0xd9: {  	_ = 	snop  }
0xda: {  	[spmem:s2] =	stream.indirect.scatter.add.f32 @!p1 [tilespmem:s31], [sflag:$0x6], $0x8, s12, s20, $0xb8;
	[tilespmem:$0x1B400] =	vst v63  }
0xdb: {  	_ =	swait.ge @!p1 [sflag:s14], $0x2000  }
0xdc: {  	[sflag:s14] =	ssyncset.done @!p1 $0x0  }
0xdd: {  	[sflag:s14] =	ssyncadd.s32 @!p1 $0xFFFFE000  }
0xde: {  	_ =	swait.ge @!p1 [sflag:s15], $0x400  }
0xdf: {  	[sflag:s15] =	ssyncset.done @!p1 $0x0  }
0xe0: {  	s12 =	simm.s32 $0x100;
	[sflag:s15] =	ssyncadd.s32 @!p1 $0xFFFFFC00  }
0xe1: {  	[tilespmem:s26], [sflag:$0x1] =	stream.indirect.gather [hbm4b:s5+s25], $0x40, s12, s25, $0xb8;
	[tilespmem:$0x1B400] =	vst v63  }
0xe2: {  	_ =	swait.ge [sflag:s28], $0x2000  }
0xe3: {  	[sflag:s28] =	ssyncset.done $0x0  }
0xe4: {  	s13 =	simm.s32 $0x500;
	[sflag:s28] =	ssyncadd.s32 $0xFFFFE000  }
0xe5: {  	[spmem:s3] =	stream.indirect.scatter.add.f32 [tilespmem:s26], [sflag:$0x3], $0x40, s13, s25, $0xb8;
	[tilespmem:$0x1B400] =	vst v63  }
0xe6: {  	_ =	swait.ge @p1 [sflag:s16], $0x2000  }
0xe7: {  	[sflag:s16] =	ssyncset.done @p1 $0x0  }
0xe8: {  	s10 =	simm.s32 @!p1 $0x500;
	[sflag:s16] =	ssyncadd.s32 @p1 $0xFFFFE000  }
0xe9: {  	[spmem:s2] =	stream.indirect.scatter.add.f32 @!p1 [tilespmem:s31], [sflag:$0x5], $0x8, s10, s20, $0xb8;
	[tilespmem:$0x1B400] =	vst v63  }
0xea: {  	_ =	swait.ge @!p1 [sflag:s29], $0x2000  }
0xeb: {  	[sflag:s29] =	ssyncset.done @!p1 $0x0  }
0xec: {  	[sflag:s29] =	ssyncadd.s32 @!p1 $0xFFFFE000  }
0xed: {  	_ =	swait.ge @!p1 [sflag:s9], $0x400  }
0xee: {  	[sflag:s9] =	ssyncset.done @!p1 $0x0  }
0xef: {  	s12 =	simm.s32 $0x180;
	[sflag:s9] =	ssyncadd.s32 @!p1 $0xFFFFFC00  }
0xf0: {  	[tilespmem:s0], [sflag:$0x2] =	stream.indirect.gather [hbm4b:s5+s25], $0x40, s12, s25, $0xb8;
	[tilespmem:$0x1B400] =	vst v63  }
0xf1: {  	_ =	swait.ge [sflag:s1], $0x2000  }
0xf2: {  	[sflag:s1] =	ssyncset.done $0x0  }
0xf3: {  	s13 =	simm.s32 $0x580;
	[sflag:s1] =	ssyncadd.s32 $0xFFFFE000  }
0xf4: {  	[spmem:s3] =	stream.indirect.scatter.add.f32 [tilespmem:s0], [sflag:$0x4], $0x40, s13, s25, $0xb8;
	[tilespmem:$0x1B400] =	vst v63  }
0xf5: {  	_ =	swait.ge @p1 [sflag:s30], $0x2000  }
0xf6: {  	[sflag:s30] =	ssyncset.done @p1 $0x0  }
0xf7: {  	s10 =	simm.s32 @!p1 $0x580;
	[sflag:s30] =	ssyncadd.s32 @p1 $0xFFFFE000  }
0xf8: {  	[spmem:s2] =	stream.indirect.scatter.add.f32 @!p1 [tilespmem:s31], [sflag:$0x6], $0x8, s10, s20, $0xb8;
	[tilespmem:$0x1B400] =	vst v63  }
0xf9: {  	_ =	swait.ge @!p1 [sflag:s14], $0x2000  }
0xfa: {  	[sflag:s14] =	ssyncset.done @!p1 $0x0  }
0xfb: {  	[sflag:s14] =	ssyncadd.s32 @!p1 $0xFFFFE000  }
0xfc: {  	_ =	swait.ge @!p1 [sflag:s15], $0x400  }
0xfd: {  	[sflag:s15] =	ssyncset.done @!p1 $0x0  }
0xfe: {  	s12 =	simm.s32 $0x200;
	[sflag:s15] =	ssyncadd.s32 @!p1 $0xFFFFFC00  }
0xff: {  	[tilespmem:s26], [sflag:$0x1] =	stream.indirect.gather [hbm4b:s5+s25], $0x40, s12, s25, $0xb8;
	[tilespmem:$0x1B400] =	vst v63  }
0x100: {  	_ =	swait.ge [sflag:s28], $0x2000  }
0x101: {  	[sflag:s28] =	ssyncset.done $0x0  }
0x102: {  	s13 =	simm.s32 $0x600;
	[sflag:s28] =	ssyncadd.s32 $0xFFFFE000  }
0x103: {  	[spmem:s3] =	stream.indirect.scatter.add.f32 [tilespmem:s26], [sflag:$0x3], $0x40, s13, s25, $0xb8;
	[tilespmem:$0x1B400] =	vst v63  }
0x104: {  	_ =	swait.ge @p1 [sflag:s16], $0x2000  }
0x105: {  	[sflag:s16] =	ssyncset.done @p1 $0x0  }
0x106: {  	s10 =	simm.s32 @!p1 $0x600;
	[sflag:s16] =	ssyncadd.s32 @p1 $0xFFFFE000  }
0x107: {  	[spmem:s2] =	stream.indirect.scatter.add.f32 @!p1 [tilespmem:s31], [sflag:$0x5], $0x8, s10, s20, $0xb8;
	[tilespmem:$0x1B400] =	vst v63  }
0x108: {  	_ =	swait.ge @!p1 [sflag:s29], $0x2000  }
0x109: {  	[sflag:s29] =	ssyncset.done @!p1 $0x0  }
0x10a: {  	[sflag:s29] =	ssyncadd.s32 @!p1 $0xFFFFE000  }
0x10b: {  	_ =	swait.ge @!p1 [sflag:s9], $0x400  }
0x10c: {  	[sflag:s9] =	ssyncset.done @!p1 $0x0  }
0x10d: {  	s12 =	simm.s32 $0x280;
	[sflag:s9] =	ssyncadd.s32 @!p1 $0xFFFFFC00  }
0x10e: {  	[tilespmem:s0], [sflag:$0x2] =	stream.indirect.gather [hbm4b:s5+s25], $0x40, s12, s25, $0xb8;
	[tilespmem:$0x1B400] =	vst v63  }
0x10f: {  	_ =	swait.ge [sflag:s1], $0x2000  }
0x110: {  	[sflag:s1] =	ssyncset.done $0x0  }
0x111: {  	s13 =	simm.s32 $0x680;
	[sflag:s1] =	ssyncadd.s32 $0xFFFFE000  }
0x112: {  	[spmem:s3] =	stream.indirect.scatter.add.f32 [tilespmem:s0], [sflag:$0x4], $0x40, s13, s25, $0xb8;
	[tilespmem:$0x1B400] =	vst v63  }
0x113: {  	_ =	swait.ge @p1 [sflag:s30], $0x2000  }
0x114: {  	[sflag:s30] =	ssyncset.done @p1 $0x0  }
0x115: {  	s10 =	simm.s32 @!p1 $0x680;
	[sflag:s30] =	ssyncadd.s32 @p1 $0xFFFFE000  }
0x116: {  	[spmem:s2] =	stream.indirect.scatter.add.f32 @!p1 [tilespmem:s31], [sflag:$0x6], $0x8, s10, s20, $0xb8;
	[tilespmem:$0x1B400] =	vst v63  }
0x117: {  	_ =	swait.ge @!p1 [sflag:s14], $0x2000  }
0x118: {  	[sflag:s14] =	ssyncset.done @!p1 $0x0  }
0x119: {  	[sflag:s14] =	ssyncadd.s32 @!p1 $0xFFFFE000  }
0x11a: {  	_ =	swait.ge @!p1 [sflag:s15], $0x400  }
0x11b: {  	[sflag:s15] =	ssyncset.done @!p1 $0x0  }
0x11c: {  	s12 =	simm.s32 $0x300;
	[sflag:s15] =	ssyncadd.s32 @!p1 $0xFFFFFC00  }
0x11d: {  	[tilespmem:s26], [sflag:$0x1] =	stream.indirect.gather [hbm4b:s5+s25], $0x40, s12, s25, $0xb8;
	[tilespmem:$0x1B400] =	vst v63  }
0x11e: {  	_ =	swait.ge [sflag:s28], $0x2000  }
0x11f: {  	[sflag:s28] =	ssyncset.done $0x0  }
0x120: {  	s13 =	simm.s32 $0x700;
	[sflag:s28] =	ssyncadd.s32 $0xFFFFE000  }
0x121: {  	[spmem:s3] =	stream.indirect.scatter.add.f32 [tilespmem:s26], [sflag:$0x3], $0x40, s13, s25, $0xb8;
	[tilespmem:$0x1B400] =	vst v63  }
0x122: {  	_ =	swait.ge @p1 [sflag:s16], $0x2000  }
0x123: {  	[sflag:s16] =	ssyncset.done @p1 $0x0  }
0x124: {  	s10 =	simm.s32 @!p1 $0x700;
	[sflag:s16] =	ssyncadd.s32 @p1 $0xFFFFE000  }
0x125: {  	[spmem:s2] =	stream.indirect.scatter.add.f32 @!p1 [tilespmem:s31], [sflag:$0x5], $0x8, s10, s20, $0xb8;
	[tilespmem:$0x1B400] =	vst v63  }
0x126: {  	_ =	swait.ge @!p1 [sflag:s29], $0x2000  }
0x127: {  	[sflag:s29] =	ssyncset.done @!p1 $0x0  }
0x128: {  	[sflag:s29] =	ssyncadd.s32 @!p1 $0xFFFFE000  }
0x129: {  	_ =	swait.ge @!p1 [sflag:s9], $0x400  }
0x12a: {  	[sflag:s9] =	ssyncset.done @!p1 $0x0  }
0x12b: {  	s12 =	simm.s32 $0x380;
	[sflag:s9] =	ssyncadd.s32 @!p1 $0xFFFFFC00  }
0x12c: {  	[tilespmem:s0], [sflag:$0x2] =	stream.indirect.gather [hbm4b:s5+s25], $0x40, s12, s25, $0xb8;
	[tilespmem:$0x1B400] =	vst v63  }
0x12d: {  	_ =	swait.ge [sflag:s1], $0x2000  }
0x12e: {  	[sflag:s1] =	ssyncset.done $0x0  }
0x12f: {  	s13 =	simm.s32 $0x780;
	[sflag:s1] =	ssyncadd.s32 $0xFFFFE000  }
0x130: {  	[spmem:s3] =	stream.indirect.scatter.add.f32 [tilespmem:s0], [sflag:$0x4], $0x40, s13, s25, $0xb8;
	[tilespmem:$0x1B400] =	vst v63  }
0x131: {  	_ =	swait.ge @p1 [sflag:s30], $0x2000  }
0x132: {  	[sflag:s30] =	ssyncset.done @p1 $0x0  }
0x133: {  	[sflag:s30] =	ssyncadd.s32 @p1 $0xFFFFE000  }
0x134: {  	_ =	swait.ge @p1 [sflag:s16], $0x2000  }
0x135: {  	[sflag:s16] =	ssyncset.done @p1 $0x0  }
0x136: {  	s10 =	simm.s32 @!p1 $0x780;
	[sflag:s16] =	ssyncadd.s32 @p1 $0xFFFFE000  }
0x137: {  	[spmem:s2] =	stream.indirect.scatter.add.f32 @!p1 [tilespmem:s31], [sflag:$0x6], $0x8, s10, s20, $0xb8;
	[tilespmem:$0x1B400] =	vst v63  }
0x138: {  	_ =	swait.ge @!p1 [sflag:s14], $0x2000  }
0x139: {  	[sflag:s14] =	ssyncset.done @!p1 $0x0  }
0x13a: {  	[sflag:s14] =	ssyncadd.s32 @!p1 $0xFFFFE000  }
0x13b: {  	_ =	swait.ge @!p1 [sflag:s29], $0x2000  }
0x13c: {  	s18 =	sadd.s32 $0x80, s18;
	[sflag:s29] =	ssyncset.done @!p1 $0x0  }
0x13d: {  	p2 =	sne.s32 s18, $0xA00;
	[sflag:s29] =	ssyncadd.s32 @!p1 $0xFFFFE000  }
.Ltmp0:
0x13e: {  	_ =	swait.ge @!p1 [sflag:s15], $0x400;
	(pc) =	sbr.rel @p2 .LBB2_2-.Ltmp0, $4  }
0x13f: {  	[sflag:s15] =	ssyncset.done @!p1 $0x0  }
0x140: {  	[sflag:s15] =	ssyncadd.s32 @!p1 $0xFFFFFC00  }
0x141: {  	_ =	swait.ge @!p1 [sflag:s9], $0x400  }
0x142: {  	[sflag:s9] =	ssyncset.done @!p1 $0x0  }
0x143: {  	s6 =	sadd.s32 s17, s24;
	[sflag:s9] =	ssyncadd.s32 @!p1 $0xFFFFFC00  }
0x144: {  	[tilespmem:s4], [sflag:$0x7] =	stream.linear.gather [hbm4b:s6+s4], $0x400, $0x38;
	[tilespmem:$0x1B400] =	vst v63  }
0x145: {  	_ =	swait.ge [sflag:s21], $0x400  }
0x146: {  	[sflag:s21] =	ssyncset.done $0x0;
	s20 =	rddreg [dreg:$0x7]  }
0x147: {  	s22 =	simm.s32 $0x400;
	[sflag:s21] =	ssyncadd.s32 $0xFFFFFC00;
	s16 =	sadd.s32 s17, s20  }
0x148: {  	[tilespmem:s22], [sflag:$0x7] =	stream.linear.gather [hbm4b:s16+s4], $0x400, $0x38;
	[tilespmem:$0x1B400] =	vst v63  }
0x149: {  	_ =	swait.ge [sflag:s21], $0x400  }
0x14a: {  	[sflag:s21] =	ssyncset.done $0x0  }
0x14b: {  	s17 =	rddreg [dreg:$0x5];
	[sflag:s21] =	ssyncadd.s32 $0xFFFFFC00  }
0x14c: {  	[tilespmem:s26], [sflag:$0x1] =	stream.indirect.gather [hbm4b:s17+s25], $0x40, s4, s25, $0xb8;
	[tilespmem:$0x1B400] =	vst v63  }
0x14d: {  	_ =	swait.ge [sflag:s28], $0x2000  }
0x14e: {  	[sflag:s28] =	ssyncset.done $0x0  }
0x14f: {  	[sflag:s28] =	ssyncadd.s32 $0xFFFFE000  }
0x150: {  	[spmem:s3] =	stream.indirect.scatter.add.f32 [tilespmem:s26], [sflag:$0x3], $0x40, s22, s25, $0xb8;
	[tilespmem:$0x1B400] =	vst v63  }
0x151: {  	s10 =	simm.s32 @p1 $0x2800;
	s9 =	simm.s32 @p1 $0x2;
	s6 =	simm.s32 @p1 $0x80  }
0x152: {  	[tilespmem:s10], [sflag:$0x2] =	stream.indirect.gather @p1 [hbm4b:s23+s6], $0x40, s6, s6, $0xb8;
	[tilespmem:$0x1B400] =	vst v63  }
0x153: {  	_ =	swait.ge @p1 [sflag:s9], $0x2000  }
0x154: {  	[sflag:s9] =	ssyncset.done @p1 $0x0  }
0x155: {  	s12 =	simm.s32 @p1 $0x480;
	[sflag:s9] =	ssyncadd.s32 @p1 $0xFFFFE000;
	s9 =	simm.s32 @p1 $0x3  }
0x156: {  	[spmem:s3] =	stream.indirect.scatter.add.f32 @p1 [tilespmem:s10], [sflag:$0x4], $0x40, s12, s6, $0xb8;
	[tilespmem:$0x1B400] =	vst v63  }
0x157: {  	_ =	swait.ge @p1 [sflag:s9], $0x2000  }
0x158: {  	s6 =	simm.s32 @!p1 $0x4800;
	[sflag:s9] =	ssyncset.done @p1 $0x0  }
0x159: {  	s10 =	simm.s32 @!p1 $0x80;
	s12 =	simm.s32 @!p1 $0x400;
	[sflag:s9] =	ssyncadd.s32 @p1 $0xFFFFE000  }
0x15a: {  	[spmem:s2] =	stream.indirect.scatter.add.f32 @!p1 [tilespmem:s6], [sflag:$0x5], $0x8, s12, s10, $0xb8;
	[tilespmem:$0x1B400] =	vst v63  }
0x15b: {  	s13 =	simm.s32 @!p1 $0x2;
	s12 =	simm.s32 @!p1 $0x2800  }
0x15c: {  	[tilespmem:s12], [sflag:$0x2] =	stream.indirect.gather @!p1 [hbm4b:s19+s10], $0x40, s10, s10, $0xb8;
	[tilespmem:$0x1B400] =	vst v63  }
0x15d: {  	_ =	swait.ge @!p1 [sflag:s13], $0x2000  }
0x15e: {  	[sflag:s13] =	ssyncset.done @!p1 $0x0  }
0x15f: {  	s14 =	simm.s32 @!p1 $0x480;
	[sflag:s13] =	ssyncadd.s32 @!p1 $0xFFFFE000  }
0x160: {  	[spmem:s3] =	stream.indirect.scatter.add.f32 @!p1 [tilespmem:s12], [sflag:$0x4], $0x40, s14, s10, $0xb8;
	[tilespmem:$0x1B400] =	vst v63  }
0x161: {  	s13 =	simm.s32 @!p1 $0x3  }
0x162: {  	[spmem:s2] =	stream.indirect.scatter.add.f32 @!p1 [tilespmem:s6], [sflag:$0x6], $0x8, s14, s10, $0xb8;
	[tilespmem:$0x1B400] =	vst v63  }
0x163: {  	_ =	swait.ge @!p1 [sflag:s13], $0x2000  }
0x164: {  	[sflag:s13] =	ssyncset.done @!p1 $0x0  }
0x165: {  	s12 =	simm.s32 @!p1 $0x5;
	[sflag:s13] =	ssyncadd.s32 @!p1 $0xFFFFE000  }
0x166: {  	_ =	swait.ge @!p1 [sflag:s12], $0x400  }
0x167: {  	[sflag:s12] =	ssyncset.done @!p1 $0x0  }
0x168: {  	s29 =	simm.s32 $0x100;
	[sflag:s12] =	ssyncadd.s32 @!p1 $0xFFFFFC00  }
0x169: {  	[tilespmem:s26], [sflag:$0x1] =	stream.indirect.gather [hbm4b:s5+s25], $0x40, s29, s25, $0xb8;
	[tilespmem:$0x1B400] =	vst v63  }
0x16a: {  	_ =	swait.ge [sflag:s28], $0x2000  }
0x16b: {  	[sflag:s28] =	ssyncset.done $0x0  }
0x16c: {  	s18 =	simm.s32 $0x500;
	s16 =	simm.s32 @p1 $0x4;
	[sflag:s28] =	ssyncadd.s32 $0xFFFFE000  }
0x16d: {  	[spmem:s3] =	stream.indirect.scatter.add.f32 [tilespmem:s26], [sflag:$0x3], $0x40, s18, s25, $0xb8;
	[tilespmem:$0x1B400] =	vst v63  }
0x16e: {  	_ =	swait.ge @p1 [sflag:s16], $0x2000  }
0x16f: {  	[sflag:s16] =	ssyncset.done @p1 $0x0  }
0x170: {  	s15 =	simm.s32 @!p1 $0x4;
	s14 =	simm.s32 @!p1 $0x500;
	[sflag:s16] =	ssyncadd.s32 @p1 $0xFFFFE000  }
0x171: {  	[spmem:s2] =	stream.indirect.scatter.add.f32 @!p1 [tilespmem:s6], [sflag:$0x5], $0x8, s14, s10, $0xb8;
	[tilespmem:$0x1B400] =	vst v63  }
0x172: {  	_ =	swait.ge @!p1 [sflag:s15], $0x2000  }
0x173: {  	[sflag:s15] =	ssyncset.done @!p1 $0x0  }
0x174: {  	s14 =	simm.s32 @!p1 $0x6;
	[sflag:s15] =	ssyncadd.s32 @!p1 $0xFFFFE000  }
0x175: {  	_ =	swait.ge @!p1 [sflag:s14], $0x400  }
0x176: {  	[sflag:s14] =	ssyncset.done @!p1 $0x0  }
0x177: {  	s31 =	simm.s32 $0x180;
	[sflag:s14] =	ssyncadd.s32 @!p1 $0xFFFFFC00  }
0x178: {  	[tilespmem:s0], [sflag:$0x2] =	stream.indirect.gather [hbm4b:s5+s25], $0x40, s31, s25, $0xb8;
	[tilespmem:$0x1B400] =	vst v63  }
0x179: {  	_ =	swait.ge [sflag:s1], $0x2000  }
0x17a: {  	[sflag:s1] =	ssyncset.done $0x0  }
0x17b: {  	s18 =	simm.s32 $0x580;
	[sflag:s1] =	ssyncadd.s32 $0xFFFFE000  }
0x17c: {  	[spmem:s3] =	stream.indirect.scatter.add.f32 [tilespmem:s0], [sflag:$0x4], $0x40, s18, s25, $0xb8;
	[tilespmem:$0x1B400] =	vst v63  }
0x17d: {  	_ =	swait.ge @p1 [sflag:s9], $0x2000  }
0x17e: {  	[sflag:s9] =	ssyncset.done @p1 $0x0  }
0x17f: {  	s17 =	simm.s32 @!p1 $0x580;
	[sflag:s9] =	ssyncadd.s32 @p1 $0xFFFFE000  }
0x180: {  	[spmem:s2] =	stream.indirect.scatter.add.f32 @!p1 [tilespmem:s6], [sflag:$0x6], $0x8, s17, s10, $0xb8;
	[tilespmem:$0x1B400] =	vst v63  }
0x181: {  	_ =	swait.ge @!p1 [sflag:s13], $0x2000  }
0x182: {  	[sflag:s13] =	ssyncset.done @!p1 $0x0  }
0x183: {  	[sflag:s13] =	ssyncadd.s32 @!p1 $0xFFFFE000  }
0x184: {  	_ =	swait.ge @!p1 [sflag:s12], $0x400  }
0x185: {  	[sflag:s12] =	ssyncset.done @!p1 $0x0  }
0x186: {  	s31 =	simm.s32 $0x200;
	[sflag:s12] =	ssyncadd.s32 @!p1 $0xFFFFFC00  }
0x187: {  	[tilespmem:s26], [sflag:$0x1] =	stream.indirect.gather [hbm4b:s5+s25], $0x40, s31, s25, $0xb8;
	[tilespmem:$0x1B400] =	vst v63  }
0x188: {  	_ =	swait.ge [sflag:s28], $0x2000  }
0x189: {  	[sflag:s28] =	ssyncset.done $0x0  }
0x18a: {  	s18 =	simm.s32 $0x600;
	[sflag:s28] =	ssyncadd.s32 $0xFFFFE000  }
0x18b: {  	[spmem:s3] =	stream.indirect.scatter.add.f32 [tilespmem:s26], [sflag:$0x3], $0x40, s18, s25, $0xb8;
	[tilespmem:$0x1B400] =	vst v63  }
0x18c: {  	_ =	swait.ge @p1 [sflag:s16], $0x2000  }
0x18d: {  	[sflag:s16] =	ssyncset.done @p1 $0x0  }
0x18e: {  	s17 =	simm.s32 @!p1 $0x600;
	[sflag:s16] =	ssyncadd.s32 @p1 $0xFFFFE000  }
0x18f: {  	[spmem:s2] =	stream.indirect.scatter.add.f32 @!p1 [tilespmem:s6], [sflag:$0x5], $0x8, s17, s10, $0xb8;
	[tilespmem:$0x1B400] =	vst v63  }
0x190: {  	_ =	swait.ge @!p1 [sflag:s15], $0x2000  }
0x191: {  	[sflag:s15] =	ssyncset.done @!p1 $0x0  }
0x192: {  	[sflag:s15] =	ssyncadd.s32 @!p1 $0xFFFFE000  }
0x193: {  	_ =	swait.ge @!p1 [sflag:s14], $0x400  }
0x194: {  	[sflag:s14] =	ssyncset.done @!p1 $0x0  }
0x195: {  	s31 =	simm.s32 $0x280;
	[sflag:s14] =	ssyncadd.s32 @!p1 $0xFFFFFC00  }
0x196: {  	[tilespmem:s0], [sflag:$0x2] =	stream.indirect.gather [hbm4b:s5+s25], $0x40, s31, s25, $0xb8;
	[tilespmem:$0x1B400] =	vst v63  }
0x197: {  	_ =	swait.ge [sflag:s1], $0x2000  }
0x198: {  	[sflag:s1] =	ssyncset.done $0x0  }
0x199: {  	s18 =	simm.s32 $0x680;
	[sflag:s1] =	ssyncadd.s32 $0xFFFFE000  }
0x19a: {  	[spmem:s3] =	stream.indirect.scatter.add.f32 [tilespmem:s0], [sflag:$0x4], $0x40, s18, s25, $0xb8;
	[tilespmem:$0x1B400] =	vst v63  }
0x19b: {  	_ =	swait.ge @p1 [sflag:s9], $0x2000  }
0x19c: {  	[sflag:s9] =	ssyncset.done @p1 $0x0  }
0x19d: {  	s17 =	simm.s32 @!p1 $0x680;
	[sflag:s9] =	ssyncadd.s32 @p1 $0xFFFFE000  }
0x19e: {  	[spmem:s2] =	stream.indirect.scatter.add.f32 @!p1 [tilespmem:s6], [sflag:$0x6], $0x8, s17, s10, $0xb8;
	[tilespmem:$0x1B400] =	vst v63  }
0x19f: {  	_ =	swait.ge @!p1 [sflag:s13], $0x2000  }
0x1a0: {  	[sflag:s13] =	ssyncset.done @!p1 $0x0  }
0x1a1: {  	[sflag:s13] =	ssyncadd.s32 @!p1 $0xFFFFE000  }
0x1a2: {  	_ =	swait.ge @!p1 [sflag:s12], $0x400  }
0x1a3: {  	[sflag:s12] =	ssyncset.done @!p1 $0x0  }
0x1a4: {  	s31 =	simm.s32 $0x300;
	[sflag:s12] =	ssyncadd.s32 @!p1 $0xFFFFFC00  }
0x1a5: {  	[tilespmem:s26], [sflag:$0x1] =	stream.indirect.gather [hbm4b:s5+s25], $0x40, s31, s25, $0xb8;
	[tilespmem:$0x1B400] =	vst v63  }
0x1a6: {  	_ =	swait.ge [sflag:s28], $0x2000  }
0x1a7: {  	[sflag:s28] =	ssyncset.done $0x0  }
0x1a8: {  	s31 =	simm.s32 $0x700;
	[sflag:s28] =	ssyncadd.s32 $0xFFFFE000  }
0x1a9: {  	[spmem:s3] =	stream.indirect.scatter.add.f32 [tilespmem:s26], [sflag:$0x3], $0x40, s31, s25, $0xb8;
	[tilespmem:$0x1B400] =	vst v63  }
0x1aa: {  	_ =	swait.ge @p1 [sflag:s16], $0x2000  }
0x1ab: {  	[sflag:s16] =	ssyncset.done @p1 $0x0  }
0x1ac: {  	s17 =	simm.s32 @!p1 $0x700;
	[sflag:s16] =	ssyncadd.s32 @p1 $0xFFFFE000  }
0x1ad: {  	[spmem:s2] =	stream.indirect.scatter.add.f32 @!p1 [tilespmem:s6], [sflag:$0x5], $0x8, s17, s10, $0xb8;
	[tilespmem:$0x1B400] =	vst v63  }
0x1ae: {  	_ =	swait.ge @!p1 [sflag:s15], $0x2000  }
0x1af: {  	[sflag:s15] =	ssyncset.done @!p1 $0x0  }
0x1b0: {  	[sflag:s15] =	ssyncadd.s32 @!p1 $0xFFFFE000  }
0x1b1: {  	_ =	swait.ge @!p1 [sflag:s14], $0x400  }
0x1b2: {  	[sflag:s14] =	ssyncset.done @!p1 $0x0  }
0x1b3: {  	s18 =	simm.s32 $0x380;
	[sflag:s14] =	ssyncadd.s32 @!p1 $0xFFFFFC00  }
0x1b4: {  	[tilespmem:s0], [sflag:$0x2] =	stream.indirect.gather [hbm4b:s5+s25], $0x40, s18, s25, $0xb8;
	[tilespmem:$0x1B400] =	vst v63  }
0x1b5: {  	_ =	swait.ge [sflag:s1], $0x2000  }
0x1b6: {  	[sflag:s1] =	ssyncset.done $0x0  }
0x1b7: {  	s5 =	simm.s32 $0x780;
	[sflag:s1] =	ssyncadd.s32 $0xFFFFE000  }
0x1b8: {  	[spmem:s3] =	stream.indirect.scatter.add.f32 [tilespmem:s0], [sflag:$0x4], $0x40, s5, s25, $0xb8;
	[tilespmem:$0x1B400] =	vst v63  }
0x1b9: {  	_ =	swait.ge @p1 [sflag:s9], $0x2000  }
0x1ba: {  	[sflag:s9] =	ssyncset.done @p1 $0x0  }
0x1bb: {  	[sflag:s9] =	ssyncadd.s32 @p1 $0xFFFFE000  }
0x1bc: {  	_ =	swait.ge @p1 [sflag:s16], $0x2000  }
0x1bd: {  	[sflag:s16] =	ssyncset.done @p1 $0x0  }
0x1be: {  	s5 =	simm.s32 @!p1 $0x780;
	[sflag:s16] =	ssyncadd.s32 @p1 $0xFFFFE000  }
0x1bf: {  	[spmem:s2] =	stream.indirect.scatter.add.f32 @!p1 [tilespmem:s6], [sflag:$0x6], $0x8, s5, s10, $0xb8;
	[tilespmem:$0x1B400] =	vst v63  }
0x1c0: {  	_ =	swait.ge @!p1 [sflag:s13], $0x2000  }
0x1c1: {  	[sflag:s13] =	ssyncset.done @!p1 $0x0  }
0x1c2: {  	[sflag:s13] =	ssyncadd.s32 @!p1 $0xFFFFE000  }
0x1c3: {  	_ =	swait.ge @!p1 [sflag:s15], $0x2000  }
0x1c4: {  	[sflag:s15] =	ssyncset.done @!p1 $0x0  }
0x1c5: {  	[sflag:s15] =	ssyncadd.s32 @!p1 $0xFFFFE000  }
0x1c6: {  	_ =	swait.ge @!p1 [sflag:s12], $0x400  }
0x1c7: {  	[sflag:s12] =	ssyncset.done @!p1 $0x0  }
0x1c8: {  	[sflag:s12] =	ssyncadd.s32 @!p1 $0xFFFFFC00  }
0x1c9: {  	_ =	swait.ge @!p1 [sflag:s14], $0x400  }
0x1ca: {  	[sflag:s14] =	ssyncset.done @!p1 $0x0  }
0x1cb: {  	[sflag:s14] =	ssyncadd.s32 @!p1 $0xFFFFFC00  }
0x1cc: {  	[bflag:$0x0] =	sbarrier.arrive $0xFFFF  }
0x1cd: {  	s14 =	simm.s32 $0x4C00;
	s16 =	rddreg [dreg:$0xc]  }
0x1ce: {  	[tilespmem:s14], [sflag:$0x7] =	stream.linear.gather [spmem:s16], $0xA000, $0x38;
	[tilespmem:$0x1B400] =	vst v63  }
0x1cf: {  	_ =	swait.ge [sflag:s21], $0xA000  }
0x1d0: {  	s5 =	simm.s32 @p0 $0x0;
	[sflag:s21] =	ssyncset.done $0x0  }
0x1d1: {  	s6 =	simm.s32 @p0 $0x4C00;
	s9 =	rddreg [dreg:$0xe];
	[sflag:s21] =	ssyncadd.s32 $0xFFFF6000  }
0x1d2: {  	[hbm4b:s9+s5] =	stream.linear.scatter @p0 [tilespmem:s6], [sflag:$0x7], $0xA000, $0x38;
	[tilespmem:$0x1B400] =	vst v63  }
0x1d3: {  	s6 =	simm.s32 @p0 $0x7  }
0x1d4: {  	_ =	swait.ge @p0 [sflag:s6], $0xA000  }
0x1d5: {  	[sflag:s6] =	ssyncset.done @p0 $0x0  }
0x1d6: {  	s9 =	simm.s32 @p0 $0xEC00;
	s15 =	rddreg [dreg:$0xb];
	[sflag:s6] =	ssyncadd.s32 @p0 $0xFFFF6000  }
0x1d7: {  	[tilespmem:s9], [sflag:$0x7] =	stream.linear.gather @p0 [spmem:s15], $0x1400, $0x38;
	[tilespmem:$0x1B400] =	vst v63  }
0x1d8: {  	_ =	swait.ge @p0 [sflag:s6], $0x1400  }
0x1d9: {  	[sflag:s6] =	ssyncset.done @p0 $0x0  }
0x1da: {  	s10 =	rddreg [dreg:$0xf];
	[sflag:s6] =	ssyncadd.s32 @p0 $0xFFFFEC00  }
0x1db: {  	[hbm4b:s10+s5] =	stream.linear.scatter @p0 [tilespmem:s9], [sflag:$0x7], $0x1400, $0x38;
	[tilespmem:$0x1B400] =	vst v63  }
0x1dc: {  	_ =	swait.ge @p0 [sflag:s6], $0x1400  }
0x1dd: {  	s5 =	simm.s32 @!p0 $0x0;
	[sflag:s6] =	ssyncset.done @p0 $0x0  }
0x1de: {  	s9 =	rddreg [dreg:$0xd];
	[sflag:s6] =	ssyncadd.s32 @p0 $0xFFFFEC00;
	s6 =	simm.s32 @!p0 $0x4C00  }
0x1df: {  	[hbm4b:s9+s5] =	stream.linear.scatter @!p0 [tilespmem:s6], [sflag:$0x7], $0xA000, $0x38;
	[tilespmem:$0x1B400] =	vst v63  }
0x1e0: {  	s5 =	simm.s32 @!p0 $0x7  }
0x1e1: {  	_ =	swait.ge @!p0 [sflag:s5], $0xA000  }
0x1e2: {  	[sflag:s5] =	ssyncset.done @!p0 $0x0  }
0x1e3: {  	[sflag:s5] =	ssyncadd.s32 @!p0 $0xFFFF6000  }
0x1e4: {  	[bflag:$0x0] =	sbarrier.arrive $0xFFFF  }
0x1e5: {  	s13 =	simm.s32 $0x0;
	s30 =	rddreg [dreg:$0x8]  }
0x1e6: {  	[tilespmem:s14], [sflag:$0x7] =	stream.linear.gather [hbm4b:s30+s13], $0xA000, $0x38;
	[tilespmem:$0x1B400] =	vst v63  }
0x1e7: {  	_ =	swait.ge [sflag:s21], $0xA000  }
0x1e8: {  	[sflag:s21] =	ssyncset.done $0x0  }
0x1e9: {  	[sflag:s21] =	ssyncadd.s32 $0xFFFF6000  }
0x1ea: {  	[spmem:s16] =	stream.linear.scatter [tilespmem:s14], [sflag:$0x7], $0xA000, $0x38;
	[tilespmem:$0x1B400] =	vst v63  }
0x1eb: {  	_ =	swait.ge [sflag:s21], $0xA000  }
0x1ec: {  	[sflag:s21] =	ssyncset.done $0x0  }
0x1ed: {  	[sflag:s21] =	ssyncadd.s32 $0xFFFF6000  }
0x1ee: {  	s6 =	sadd.s32 $0x0, s24;
	[bflag:$0x0] =	sbarrier.arrive $0xFFFF  }
0x1ef: {  	[tilespmem:s4], [sflag:$0x7] =	stream.linear.gather [hbm4b:s6+s4], $0x400, $0x38;
	[tilespmem:$0x1B400] =	vst v63  }
0x1f0: {  	_ =	swait.ge [sflag:s21], $0x400  }
0x1f1: {  	[sflag:s21] =	ssyncset.done $0x0  }
0x1f2: {  	s9 =	sadd.s32 $0x0, s20;
	[sflag:s21] =	ssyncadd.s32 $0xFFFFFC00  }
0x1f3: {  	[tilespmem:s22], [sflag:$0x7] =	stream.linear.gather [hbm4b:s9+s4], $0x400, $0x38;
	[tilespmem:$0x1B400] =	vst v63  }
0x1f4: {  	_ =	swait.ge [sflag:s21], $0x400  }
0x1f5: {  	[sflag:s21] =	ssyncset.done $0x0  }
0x1f6: {  	[sflag:s21] =	ssyncadd.s32 $0xFFFFFC00  }
0x1f7: {  	[tilespmem:s26], [sflag:$0x1] =	stream.indirect.gather [hbm4b:s7+s25], $0x40, s4, s25, $0xb8;
	[tilespmem:$0x1B400] =	vst v63  }
0x1f8: {  	_ =	swait.ge [sflag:s28], $0x2000  }
0x1f9: {  	[sflag:s28] =	ssyncset.done $0x0  }
0x1fa: {  	[sflag:s28] =	ssyncadd.s32 $0xFFFFE000  }
0x1fb: {  	[spmem:s3] =	stream.indirect.scatter.add.f32 [tilespmem:s26], [sflag:$0x3], $0x40, s22, s25, $0xb8;
	[tilespmem:$0x1B400] =	vst v63  }
0x1fc: {  	_ = 	snop  }
0x1fd: {  	[tilespmem:s0], [sflag:$0x2] =	stream.indirect.gather [hbm4b:s7+s25], $0x40, s25, s25, $0xb8;
	[tilespmem:$0x1B400] =	vst v63  }
0x1fe: {  	_ =	swait.ge [sflag:s1], $0x2000  }
0x1ff: {  	[sflag:s1] =	ssyncset.done $0x0  }
0x200: {  	s10 =	rddreg [dreg:$0x6];
	[sflag:s1] =	ssyncadd.s32 $0xFFFFE000  }
0x201: {  	[spmem:s3] =	stream.indirect.scatter.add.f32 [tilespmem:s0], [sflag:$0x4], $0x40, s10, s25, $0xb8;
	[tilespmem:$0x1B400] =	vst v63  }
0x202: {  	_ =	swait.ge [sflag:s8], $0x2000  }
0x203: {  	[sflag:s8] =	ssyncset.done $0x0  }
0x204: {  	[sflag:s8] =	ssyncadd.s32 $0xFFFFE000  }
0x205: {  	[tilespmem:s26], [sflag:$0x1] =	stream.indirect.gather [hbm4b:s7+s25], $0x40, s29, s25, $0xb8;
	[tilespmem:$0x1B400] =	vst v63  }
0x206: {  	_ =	swait.ge [sflag:s28], $0x2000  }
0x207: {  	[sflag:s28] =	ssyncset.done $0x0  }
0x208: {  	s17 =	simm.s32 $0x500;
	[sflag:s28] =	ssyncadd.s32 $0xFFFFE000  }
0x209: {  	[spmem:s3] =	stream.indirect.scatter.add.f32 [tilespmem:s26], [sflag:$0x3], $0x40, s17, s25, $0xb8;
	[tilespmem:$0x1B400] =	vst v63  }
0x20a: {  	_ =	swait.ge [sflag:s11], $0x2000  }
0x20b: {  	[sflag:s11] =	ssyncset.done $0x0  }
0x20c: {  	s12 =	simm.s32 $0x180;
	[sflag:s11] =	ssyncadd.s32 $0xFFFFE000  }
0x20d: {  	[tilespmem:s0], [sflag:$0x2] =	stream.indirect.gather [hbm4b:s7+s25], $0x40, s12, s25, $0xb8;
	[tilespmem:$0x1B400] =	vst v63  }
0x20e: {  	_ =	swait.ge [sflag:s1], $0x2000  }
0x20f: {  	[sflag:s1] =	ssyncset.done $0x0  }
0x210: {  	s13 =	simm.s32 $0x580;
	[sflag:s1] =	ssyncadd.s32 $0xFFFFE000  }
0x211: {  	[spmem:s3] =	stream.indirect.scatter.add.f32 [tilespmem:s0], [sflag:$0x4], $0x40, s13, s25, $0xb8;
	[tilespmem:$0x1B400] =	vst v63  }
0x212: {  	_ =	swait.ge [sflag:s8], $0x2000  }
0x213: {  	[sflag:s8] =	ssyncset.done $0x0  }
0x214: {  	s6 =	simm.s32 $0x200;
	[sflag:s8] =	ssyncadd.s32 $0xFFFFE000  }
0x215: {  	[tilespmem:s26], [sflag:$0x1] =	stream.indirect.gather [hbm4b:s7+s25], $0x40, s6, s25, $0xb8;
	[tilespmem:$0x1B400] =	vst v63  }
0x216: {  	_ =	swait.ge [sflag:s28], $0x2000  }
0x217: {  	[sflag:s28] =	ssyncset.done $0x0  }
0x218: {  	s9 =	simm.s32 $0x600;
	[sflag:s28] =	ssyncadd.s32 $0xFFFFE000  }
0x219: {  	[spmem:s3] =	stream.indirect.scatter.add.f32 [tilespmem:s26], [sflag:$0x3], $0x40, s9, s25, $0xb8;
	[tilespmem:$0x1B400] =	vst v63  }
0x21a: {  	_ =	swait.ge [sflag:s11], $0x2000  }
0x21b: {  	[sflag:s11] =	ssyncset.done $0x0  }
0x21c: {  	s10 =	simm.s32 $0x280;
	[sflag:s11] =	ssyncadd.s32 $0xFFFFE000  }
0x21d: {  	[tilespmem:s0], [sflag:$0x2] =	stream.indirect.gather [hbm4b:s7+s25], $0x40, s10, s25, $0xb8;
	[tilespmem:$0x1B400] =	vst v63  }
0x21e: {  	_ =	swait.ge [sflag:s1], $0x2000  }
0x21f: {  	[sflag:s1] =	ssyncset.done $0x0  }
0x220: {  	s12 =	simm.s32 $0x680;
	[sflag:s1] =	ssyncadd.s32 $0xFFFFE000  }
0x221: {  	[spmem:s3] =	stream.indirect.scatter.add.f32 [tilespmem:s0], [sflag:$0x4], $0x40, s12, s25, $0xb8;
	[tilespmem:$0x1B400] =	vst v63  }
0x222: {  	_ =	swait.ge [sflag:s8], $0x2000  }
0x223: {  	[sflag:s8] =	ssyncset.done $0x0  }
0x224: {  	s13 =	simm.s32 $0x300;
	[sflag:s8] =	ssyncadd.s32 $0xFFFFE000  }
0x225: {  	[tilespmem:s26], [sflag:$0x1] =	stream.indirect.gather [hbm4b:s7+s25], $0x40, s13, s25, $0xb8;
	[tilespmem:$0x1B400] =	vst v63  }
0x226: {  	_ =	swait.ge [sflag:s28], $0x2000  }
0x227: {  	[sflag:s28] =	ssyncset.done $0x0  }
0x228: {  	[sflag:s28] =	ssyncadd.s32 $0xFFFFE000  }
0x229: {  	[spmem:s3] =	stream.indirect.scatter.add.f32 [tilespmem:s26], [sflag:$0x3], $0x40, s31, s25, $0xb8;
	[tilespmem:$0x1B400] =	vst v63  }
0x22a: {  	_ =	swait.ge [sflag:s11], $0x2000  }
0x22b: {  	[sflag:s11] =	ssyncset.done $0x0  }
0x22c: {  	[sflag:s11] =	ssyncadd.s32 $0xFFFFE000  }
0x22d: {  	[tilespmem:s0], [sflag:$0x2] =	stream.indirect.gather [hbm4b:s7+s25], $0x40, s18, s25, $0xb8;
	[tilespmem:$0x1B400] =	vst v63  }
0x22e: {  	_ =	swait.ge [sflag:s1], $0x2000  }
0x22f: {  	[sflag:s1] =	ssyncset.done $0x0  }
0x230: {  	s18 =	simm.s32 $0x780;
	[sflag:s1] =	ssyncadd.s32 $0xFFFFE000  }
0x231: {  	[spmem:s3] =	stream.indirect.scatter.add.f32 [tilespmem:s0], [sflag:$0x4], $0x40, s18, s25, $0xb8;
	[tilespmem:$0x1B400] =	vst v63  }
0x232: {  	_ =	swait.ge [sflag:s8], $0x2000  }
0x233: {  	[sflag:s8] =	ssyncset.done $0x0  }
0x234: {  	[sflag:s8] =	ssyncadd.s32 $0xFFFFE000  }
0x235: {  	_ =	swait.ge [sflag:s11], $0x2000  }
0x236: {  	s5 =	simm.s32 $0x80;
	s9 =	simm.s32 $0x100;
	[sflag:s11] =	ssyncset.done $0x0  }
.LBB2_4:
0x237: {  	s10 =	sadd.s32 s5, s24;
	[sflag:s11] =	ssyncadd.s32 $0xFFFFE000  }
0x238: {  	[tilespmem:s4], [sflag:$0x7] =	stream.linear.gather [hbm4b:s10+s4], $0x400, $0x38;
	[tilespmem:$0x1B400] =	vst v63  }
0x239: {  	_ =	swait.ge [sflag:s21], $0x400  }
0x23a: {  	[sflag:s21] =	ssyncset.done $0x0  }
0x23b: {  	s10 =	sadd.s32 s5, s20;
	[sflag:s21] =	ssyncadd.s32 $0xFFFFFC00  }
0x23c: {  	[tilespmem:s22], [sflag:$0x7] =	stream.linear.gather [hbm4b:s10+s4], $0x400, $0x38;
	[tilespmem:$0x1B400] =	vst v63  }
0x23d: {  	_ =	swait.ge [sflag:s21], $0x400  }
0x23e: {  	[sflag:s21] =	ssyncset.done $0x0  }
0x23f: {  	[sflag:s21] =	ssyncadd.s32 $0xFFFFFC00  }
0x240: {  	[tilespmem:s26], [sflag:$0x1] =	stream.indirect.gather [hbm4b:s7+s25], $0x40, s4, s25, $0xb8;
	[tilespmem:$0x1B400] =	vst v63  }
0x241: {  	_ =	swait.ge [sflag:s28], $0x2000  }
0x242: {  	[sflag:s28] =	ssyncset.done $0x0  }
0x243: {  	[sflag:s28] =	ssyncadd.s32 $0xFFFFE000  }
0x244: {  	[spmem:s3] =	stream.indirect.scatter.add.f32 [tilespmem:s26], [sflag:$0x3], $0x40, s22, s25, $0xb8;
	[tilespmem:$0x1B400] =	vst v63  }
0x245: {  	_ = 	snop  }
0x246: {  	[tilespmem:s0], [sflag:$0x2] =	stream.indirect.gather [hbm4b:s7+s25], $0x40, s25, s25, $0xb8;
	[tilespmem:$0x1B400] =	vst v63  }
0x247: {  	_ =	swait.ge [sflag:s1], $0x2000  }
0x248: {  	[sflag:s1] =	ssyncset.done $0x0  }
0x249: {  	s13 =	rddreg [dreg:$0x6];
	[sflag:s1] =	ssyncadd.s32 $0xFFFFE000  }
0x24a: {  	[spmem:s3] =	stream.indirect.scatter.add.f32 [tilespmem:s0], [sflag:$0x4], $0x40, s13, s25, $0xb8;
	[tilespmem:$0x1B400] =	vst v63  }
0x24b: {  	_ =	swait.ge [sflag:s8], $0x2000  }
0x24c: {  	[sflag:s8] =	ssyncset.done $0x0  }
0x24d: {  	[sflag:s8] =	ssyncadd.s32 $0xFFFFE000  }
0x24e: {  	[tilespmem:s26], [sflag:$0x1] =	stream.indirect.gather [hbm4b:s7+s25], $0x40, s29, s25, $0xb8;
	[tilespmem:$0x1B400] =	vst v63  }
0x24f: {  	_ =	swait.ge [sflag:s28], $0x2000  }
0x250: {  	[sflag:s28] =	ssyncset.done $0x0  }
0x251: {  	[sflag:s28] =	ssyncadd.s32 $0xFFFFE000  }
0x252: {  	[spmem:s3] =	stream.indirect.scatter.add.f32 [tilespmem:s26], [sflag:$0x3], $0x40, s17, s25, $0xb8;
	[tilespmem:$0x1B400] =	vst v63  }
0x253: {  	_ =	swait.ge [sflag:s11], $0x2000  }
0x254: {  	[sflag:s11] =	ssyncset.done $0x0  }
0x255: {  	s31 =	simm.s32 $0x180;
	[sflag:s11] =	ssyncadd.s32 $0xFFFFE000  }
0x256: {  	[tilespmem:s0], [sflag:$0x2] =	stream.indirect.gather [hbm4b:s7+s25], $0x40, s31, s25, $0xb8;
	[tilespmem:$0x1B400] =	vst v63  }
0x257: {  	_ =	swait.ge [sflag:s1], $0x2000  }
0x258: {  	[sflag:s1] =	ssyncset.done $0x0  }
0x259: {  	s10 =	simm.s32 $0x580;
	[sflag:s1] =	ssyncadd.s32 $0xFFFFE000  }
0x25a: {  	[spmem:s3] =	stream.indirect.scatter.add.f32 [tilespmem:s0], [sflag:$0x4], $0x40, s10, s25, $0xb8;
	[tilespmem:$0x1B400] =	vst v63  }
0x25b: {  	_ =	swait.ge [sflag:s8], $0x2000  }
0x25c: {  	s12 =	smov.u32 s9;
	[sflag:s8] =	ssyncset.done $0x0  }
0x25d: {  	s5 =	smov.u32 s12;
	s12 =	simm.s32 $0x200;
	[sflag:s8] =	ssyncadd.s32 $0xFFFFE000  }
0x25e: {  	[tilespmem:s26], [sflag:$0x1] =	stream.indirect.gather [hbm4b:s7+s25], $0x40, s12, s25, $0xb8;
	[tilespmem:$0x1B400] =	vst v63  }
0x25f: {  	_ =	swait.ge [sflag:s28], $0x2000  }
0x260: {  	[sflag:s28] =	ssyncset.done $0x0  }
0x261: {  	s13 =	simm.s32 $0x600;
	[sflag:s28] =	ssyncadd.s32 $0xFFFFE000  }
0x262: {  	[spmem:s3] =	stream.indirect.scatter.add.f32 [tilespmem:s26], [sflag:$0x3], $0x40, s13, s25, $0xb8;
	[tilespmem:$0x1B400] =	vst v63  }
0x263: {  	_ =	swait.ge [sflag:s11], $0x2000  }
0x264: {  	[sflag:s11] =	ssyncset.done $0x0  }
0x265: {  	s31 =	simm.s32 $0x280;
	[sflag:s11] =	ssyncadd.s32 $0xFFFFE000  }
0x266: {  	[tilespmem:s0], [sflag:$0x2] =	stream.indirect.gather [hbm4b:s7+s25], $0x40, s31, s25, $0xb8;
	[tilespmem:$0x1B400] =	vst v63  }
0x267: {  	_ =	swait.ge [sflag:s1], $0x2000  }
0x268: {  	[sflag:s1] =	ssyncset.done $0x0  }
0x269: {  	s10 =	simm.s32 $0x680;
	[sflag:s1] =	ssyncadd.s32 $0xFFFFE000  }
0x26a: {  	[spmem:s3] =	stream.indirect.scatter.add.f32 [tilespmem:s0], [sflag:$0x4], $0x40, s10, s25, $0xb8;
	[tilespmem:$0x1B400] =	vst v63  }
0x26b: {  	_ =	swait.ge [sflag:s8], $0x2000  }
0x26c: {  	[sflag:s8] =	ssyncset.done $0x0  }
0x26d: {  	s12 =	simm.s32 $0x300;
	[sflag:s8] =	ssyncadd.s32 $0xFFFFE000  }
0x26e: {  	[tilespmem:s26], [sflag:$0x1] =	stream.indirect.gather [hbm4b:s7+s25], $0x40, s12, s25, $0xb8;
	[tilespmem:$0x1B400] =	vst v63  }
0x26f: {  	_ =	swait.ge [sflag:s28], $0x2000  }
0x270: {  	[sflag:s28] =	ssyncset.done $0x0  }
0x271: {  	s13 =	simm.s32 $0x700;
	[sflag:s28] =	ssyncadd.s32 $0xFFFFE000  }
0x272: {  	[spmem:s3] =	stream.indirect.scatter.add.f32 [tilespmem:s26], [sflag:$0x3], $0x40, s13, s25, $0xb8;
	[tilespmem:$0x1B400] =	vst v63  }
0x273: {  	_ =	swait.ge [sflag:s11], $0x2000  }
0x274: {  	[sflag:s11] =	ssyncset.done $0x0  }
0x275: {  	s31 =	simm.s32 $0x380;
	[sflag:s11] =	ssyncadd.s32 $0xFFFFE000  }
0x276: {  	[tilespmem:s0], [sflag:$0x2] =	stream.indirect.gather [hbm4b:s7+s25], $0x40, s31, s25, $0xb8;
	[tilespmem:$0x1B400] =	vst v63  }
0x277: {  	_ =	swait.ge [sflag:s1], $0x2000  }
0x278: {  	[sflag:s1] =	ssyncset.done $0x0  }
0x279: {  	p2 =	sne.s32 s9, $0x980;
	[sflag:s1] =	ssyncadd.s32 $0xFFFFE000  }
0x27a: {  	[spmem:s3] =	stream.indirect.scatter.add.f32 [tilespmem:s0], [sflag:$0x4], $0x40, s18, s25, $0xb8;
	[tilespmem:$0x1B400] =	vst v63  }
.Ltmp1:
0x27b: {  	_ =	swait.ge [sflag:s8], $0x2000;
	(pc) =	sbr.rel @p2 .LBB2_4-.Ltmp1, $4  }
0x27c: {  	[sflag:s8] =	ssyncset.done $0x0  }
0x27d: {  	[sflag:s8] =	ssyncadd.s32 $0xFFFFE000  }
0x27e: {  	s6 =	sadd.s32 $0x80, s9;
	_ =	swait.ge [sflag:s11], $0x2000  }
0x27f: {  	s9 =	smov.u32 s6;
	[sflag:s11] =	ssyncset.done $0x0  }
0x280: {  	s6 =	sadd.s32 s5, s24;
	[sflag:s11] =	ssyncadd.s32 $0xFFFFE000  }
0x281: {  	[tilespmem:s4], [sflag:$0x7] =	stream.linear.gather [hbm4b:s6+s4], $0x400, $0x38;
	[tilespmem:$0x1B400] =	vst v63  }
0x282: {  	_ =	swait.ge [sflag:s21], $0x400  }
0x283: {  	[sflag:s21] =	ssyncset.done $0x0  }
0x284: {  	s13 =	sadd.s32 s5, s20;
	[sflag:s21] =	ssyncadd.s32 $0xFFFFFC00  }
0x285: {  	[tilespmem:s22], [sflag:$0x7] =	stream.linear.gather [hbm4b:s13+s4], $0x400, $0x38;
	[tilespmem:$0x1B400] =	vst v63  }
0x286: {  	_ =	swait.ge [sflag:s21], $0x400  }
0x287: {  	[sflag:s21] =	ssyncset.done $0x0  }
0x288: {  	[sflag:s21] =	ssyncadd.s32 $0xFFFFFC00  }
0x289: {  	[tilespmem:s26], [sflag:$0x1] =	stream.indirect.gather [hbm4b:s7+s25], $0x40, s4, s25, $0xb8;
	[tilespmem:$0x1B400] =	vst v63  }
0x28a: {  	_ =	swait.ge [sflag:s28], $0x2000  }
0x28b: {  	[sflag:s28] =	ssyncset.done $0x0  }
0x28c: {  	[sflag:s28] =	ssyncadd.s32 $0xFFFFE000  }
0x28d: {  	[spmem:s3] =	stream.indirect.scatter.add.f32 [tilespmem:s26], [sflag:$0x3], $0x40, s22, s25, $0xb8;
	[tilespmem:$0x1B400] =	vst v63  }
0x28e: {  	_ = 	snop  }
0x28f: {  	[tilespmem:s0], [sflag:$0x2] =	stream.indirect.gather [hbm4b:s7+s25], $0x40, s25, s25, $0xb8;
	[tilespmem:$0x1B400] =	vst v63  }
0x290: {  	_ =	swait.ge [sflag:s1], $0x2000  }
0x291: {  	[sflag:s1] =	ssyncset.done $0x0  }
0x292: {  	s31 =	rddreg [dreg:$0x6];
	[sflag:s1] =	ssyncadd.s32 $0xFFFFE000  }
0x293: {  	[spmem:s3] =	stream.indirect.scatter.add.f32 [tilespmem:s0], [sflag:$0x4], $0x40, s31, s25, $0xb8;
	[tilespmem:$0x1B400] =	vst v63  }
0x294: {  	_ =	swait.ge [sflag:s8], $0x2000  }
0x295: {  	[sflag:s8] =	ssyncset.done $0x0  }
0x296: {  	[sflag:s8] =	ssyncadd.s32 $0xFFFFE000  }
0x297: {  	[tilespmem:s26], [sflag:$0x1] =	stream.indirect.gather [hbm4b:s7+s25], $0x40, s29, s25, $0xb8;
	[tilespmem:$0x1B400] =	vst v63  }
0x298: {  	_ =	swait.ge [sflag:s28], $0x2000  }
0x299: {  	[sflag:s28] =	ssyncset.done $0x0  }
0x29a: {  	[sflag:s28] =	ssyncadd.s32 $0xFFFFE000  }
0x29b: {  	[spmem:s3] =	stream.indirect.scatter.add.f32 [tilespmem:s26], [sflag:$0x3], $0x40, s17, s25, $0xb8;
	[tilespmem:$0x1B400] =	vst v63  }
0x29c: {  	_ =	swait.ge [sflag:s11], $0x2000  }
0x29d: {  	[sflag:s11] =	ssyncset.done $0x0  }
0x29e: {  	s6 =	simm.s32 $0x180;
	[sflag:s11] =	ssyncadd.s32 $0xFFFFE000  }
0x29f: {  	[tilespmem:s0], [sflag:$0x2] =	stream.indirect.gather [hbm4b:s7+s25], $0x40, s6, s25, $0xb8;
	[tilespmem:$0x1B400] =	vst v63  }
0x2a0: {  	_ =	swait.ge [sflag:s1], $0x2000  }
0x2a1: {  	[sflag:s1] =	ssyncset.done $0x0  }
0x2a2: {  	s9 =	simm.s32 $0x580;
	[sflag:s1] =	ssyncadd.s32 $0xFFFFE000  }
0x2a3: {  	[spmem:s3] =	stream.indirect.scatter.add.f32 [tilespmem:s0], [sflag:$0x4], $0x40, s9, s25, $0xb8;
	[tilespmem:$0x1B400] =	vst v63  }
0x2a4: {  	_ =	swait.ge [sflag:s8], $0x2000  }
0x2a5: {  	[sflag:s8] =	ssyncset.done $0x0  }
0x2a6: {  	s10 =	simm.s32 $0x200;
	[sflag:s8] =	ssyncadd.s32 $0xFFFFE000  }
0x2a7: {  	[tilespmem:s26], [sflag:$0x1] =	stream.indirect.gather [hbm4b:s7+s25], $0x40, s10, s25, $0xb8;
	[tilespmem:$0x1B400] =	vst v63  }
0x2a8: {  	_ =	swait.ge [sflag:s28], $0x2000  }
0x2a9: {  	[sflag:s28] =	ssyncset.done $0x0  }
0x2aa: {  	s12 =	simm.s32 $0x600;
	[sflag:s28] =	ssyncadd.s32 $0xFFFFE000  }
0x2ab: {  	[spmem:s3] =	stream.indirect.scatter.add.f32 [tilespmem:s26], [sflag:$0x3], $0x40, s12, s25, $0xb8;
	[tilespmem:$0x1B400] =	vst v63  }
0x2ac: {  	_ =	swait.ge [sflag:s11], $0x2000  }
0x2ad: {  	[sflag:s11] =	ssyncset.done $0x0  }
0x2ae: {  	s13 =	simm.s32 $0x280;
	[sflag:s11] =	ssyncadd.s32 $0xFFFFE000  }
0x2af: {  	[tilespmem:s0], [sflag:$0x2] =	stream.indirect.gather [hbm4b:s7+s25], $0x40, s13, s25, $0xb8;
	[tilespmem:$0x1B400] =	vst v63  }
0x2b0: {  	_ =	swait.ge [sflag:s1], $0x2000  }
0x2b1: {  	[sflag:s1] =	ssyncset.done $0x0  }
0x2b2: {  	s31 =	simm.s32 $0x680;
	[sflag:s1] =	ssyncadd.s32 $0xFFFFE000  }
0x2b3: {  	[spmem:s3] =	stream.indirect.scatter.add.f32 [tilespmem:s0], [sflag:$0x4], $0x40, s31, s25, $0xb8;
	[tilespmem:$0x1B400] =	vst v63  }
0x2b4: {  	_ =	swait.ge [sflag:s8], $0x2000  }
0x2b5: {  	[sflag:s8] =	ssyncset.done $0x0  }
0x2b6: {  	s6 =	simm.s32 $0x300;
	[sflag:s8] =	ssyncadd.s32 $0xFFFFE000  }
0x2b7: {  	[tilespmem:s26], [sflag:$0x1] =	stream.indirect.gather [hbm4b:s7+s25], $0x40, s6, s25, $0xb8;
	[tilespmem:$0x1B400] =	vst v63  }
0x2b8: {  	_ =	swait.ge [sflag:s28], $0x2000  }
0x2b9: {  	[sflag:s28] =	ssyncset.done $0x0  }
0x2ba: {  	s9 =	simm.s32 $0x700;
	[sflag:s28] =	ssyncadd.s32 $0xFFFFE000  }
0x2bb: {  	[spmem:s3] =	stream.indirect.scatter.add.f32 [tilespmem:s26], [sflag:$0x3], $0x40, s9, s25, $0xb8;
	[tilespmem:$0x1B400] =	vst v63  }
0x2bc: {  	_ =	swait.ge [sflag:s11], $0x2000  }
0x2bd: {  	[sflag:s11] =	ssyncset.done $0x0  }
0x2be: {  	s10 =	simm.s32 $0x380;
	[sflag:s11] =	ssyncadd.s32 $0xFFFFE000  }
0x2bf: {  	[tilespmem:s0], [sflag:$0x2] =	stream.indirect.gather [hbm4b:s7+s25], $0x40, s10, s25, $0xb8;
	[tilespmem:$0x1B400] =	vst v63  }
0x2c0: {  	_ =	swait.ge [sflag:s1], $0x2000  }
0x2c1: {  	[sflag:s1] =	ssyncset.done $0x0  }
0x2c2: {  	[sflag:s1] =	ssyncadd.s32 $0xFFFFE000  }
0x2c3: {  	[spmem:s3] =	stream.indirect.scatter.add.f32 [tilespmem:s0], [sflag:$0x4], $0x40, s18, s25, $0xb8;
	[tilespmem:$0x1B400] =	vst v63  }
0x2c4: {  	_ =	swait.ge [sflag:s8], $0x2000  }
0x2c5: {  	[sflag:s8] =	ssyncset.done $0x0  }
0x2c6: {  	[sflag:s8] =	ssyncadd.s32 $0xFFFFE000  }
0x2c7: {  	_ =	swait.ge [sflag:s11], $0x2000  }
0x2c8: {  	[sflag:s11] =	ssyncset.done $0x0  }
0x2c9: {  	[sflag:s11] =	ssyncadd.s32 $0xFFFFE000  }
0x2ca: {  	[bflag:$0x0] =	sbarrier.arrive $0xFFFF  }
0x2cb: {  	[tilespmem:s14], [sflag:$0x7] =	stream.linear.gather [spmem:s16], $0xA000, $0x38;
	[tilespmem:$0x1B400] =	vst v63  }
0x2cc: {  	_ =	swait.ge [sflag:s21], $0xA000  }
0x2cd: {  	[sflag:s21] =	ssyncset.done $0x0  }
0x2ce: {  	s12 =	rddreg [dreg:$0x11];
	[sflag:s21] =	ssyncadd.s32 $0xFFFF6000  }
0x2cf: {  	[hbm4b:s12+s4] =	stream.linear.scatter [tilespmem:s14], [sflag:$0x7], $0xA000, $0x38;
	[tilespmem:$0x1B400] =	vst v63  }
0x2d0: {  	_ =	swait.ge [sflag:s21], $0xA000  }
0x2d1: {  	s13 =	rddreg [dreg:$0x12]  }
0x2d2: {  	s31 =	rddreg [dreg:$0x10];
	s6 =	sadd.s32 $0x1, s13  }
0x2d3: {  	p2 =	sne.s32 s6, s31  }
.Ltmp2:
0x2d4: {  	_ = 	snop;
	(pc) =	sbr.rel @p2 .LBB2_1-.Ltmp2, $3  }
0x2d5: {  	_ =	sdelay $0x1  }
0x2d6: {  	[sflag:s21] =	ssyncset.done $0x0  }
0x2d7: {  	[sflag:s21] =	ssyncadd.s32 $0xFFFF6000  }
0x2d8: {  	_ =	sfence.sel $0x180000  }
0x2d9: {  	[bflag:$0x0] =	sbarrier.arrive $0xFFFF  }
0x2da: {  	_ =	strace $0x90000047  }
0x2db: {  	s0 =	stileid.u32;
	[bflag:$0x2] =	sbarrier.arrive $0xFFFF  }
0x2dc: {  	p0 =	sne.s32 s0, $0x0;
	s0 =	rddreg [dreg:$0x4]  }
0x2dd: {  	s0 =	sadd.s32 @!p0 $0x100000, s0  }
0x2de: {  	[sflag:s0] =	ssyncadd.tile.s32 @!p0 $0x1;
	_ =	shalt  }
.Lfunc_end2:
_tile_overlayer_lowered:
.L_overlay_start_2:
0x2df: {  	(tag) =	ssettag $0x2  }
0x2e0: {  	s0 =	rddreg [dreg:$0x0];
	s2 =	stileid.u32  }
0x2e1: {  	s1 =	rddreg [dreg:$0x1];
	p0 =	sne.s32 s2, $0x0  }
0x2e2: {  	s3 =	rddreg [dreg:$0x2];
	[bflag:$0x3] =	sbarrier.arrive $0xFFFF;
	s2 =	simm.s32 @!p0 $0x1C07  }
0x2e3: {  	[timem:s3], [sflag:s2] =	dma.local @!p0 [hbm:s0], s1  }
0x2e4: {  	s0 =	simm.s32 @!p0 $0x7  }
0x2e5: {  	_ =	swait.ge @!p0 [sflag:s0], s1  }
0x2e6: {  	s1 =	ssub.s32 @!p0 $0x0, s1;
	[sflag:s0] =	ssyncset.done @!p0 $0x0  }
0x2e7: {  	[sflag:s0] =	ssyncadd.s32 @!p0 s1  }
0x2e8: {  	[bflag:$0x3] =	sbarrier.arrive $0xFFFF  }
0x2e9: {  	_ =	shalt  }

</sc_bundles>
